<compile_context>
chip_gen: v7x
topology: tpu7x:2x2x1
jax: 0.10.2.dev20260603
libtpu: 0.0.44.dev20260713+nightly
codegen_flags: <defaults>
</compile_context>

<pallas_src>
import functools
import math

import jax
import jax.numpy as jnp
import numpy as np
from jax import lax
from jax.experimental import pallas as pl
from jax.experimental.pallas import tpu as pltpu
from jax.experimental.pallas import tpu_sc as plsc

N = 10000
E = 320000
D = 128

_NC = 2
_NS = 16
_NW = _NC * _NS
_EPT = E // _NW
_CH = 125
_NK = _EPT // _CH
_RPT = 624
_ZR = 104
_TAIL = N - _NS * _RPT


def _sc_aggregate_body(h_hbm, src_hbm, dst_hbm, out_hbm,
                       src_v, dst_v, rows_v, zbuf, agg_sh, sem):
    c = lax.axis_index("c")
    s = lax.axis_index("s")
    w = c * _NS + s

    z16 = jnp.zeros((16,), jnp.float32)

    def zero_body(i, carry):
        for j in range(8):
            zbuf[i, pl.ds(j * 16, 16)] = z16
        return carry

    lax.fori_loop(0, _ZR, zero_body, 0)
    row0 = s * _RPT
    for j in range(_RPT // _ZR):
        pltpu.sync_copy(zbuf, agg_sh.at[pl.ds(row0 + j * _ZR, _ZR)])

    @pl.when(s == _NS - 1)
    def _():
        pltpu.sync_copy(zbuf.at[pl.ds(0, _TAIL)],
                        agg_sh.at[pl.ds(_NS * _RPT, _TAIL)])

    plsc.subcore_barrier()

    erow = w * _NK
    pltpu.sync_copy(src_hbm.at[pl.ds(erow, _NK)], src_v)
    pltpu.sync_copy(dst_hbm.at[pl.ds(erow, _NK)], dst_v)

    def edge_body(k, carry):
        pltpu.async_copy(h_hbm.at[src_v.at[k]], rows_v, sem).wait()
        pltpu.sync_copy(rows_v, agg_sh.at[dst_v.at[k]], add=True)
        return carry

    lax.fori_loop(0, _NK, edge_body, 0)
    plsc.subcore_barrier()

    for j in range(_RPT // _ZR):
        r = row0 + j * _ZR
        pltpu.sync_copy(agg_sh.at[pl.ds(r, _ZR)], zbuf)
        pltpu.sync_copy(zbuf, out_hbm.at[c, pl.ds(r, _ZR)])

    @pl.when(s == _NS - 1)
    def _():
        r = _NS * _RPT
        pltpu.sync_copy(agg_sh.at[pl.ds(r, _TAIL)], zbuf.at[pl.ds(0, _TAIL)])
        pltpu.sync_copy(zbuf.at[pl.ds(0, _TAIL)], out_hbm.at[c, pl.ds(r, _TAIL)])


@functools.partial(
    pl.kernel,
    out_type=jax.ShapeDtypeStruct((_NC, N, D), jnp.float32),
    mesh=plsc.VectorSubcoreMesh(core_axis_name="c", subcore_axis_name="s"),
    scratch_types=[
        pltpu.VMEM((_NK, _CH), jnp.int32),
        pltpu.VMEM((_NK, _CH), jnp.int32),
        pltpu.VMEM((_CH, D), jnp.float32),
        pltpu.VMEM((_ZR, D), jnp.float32),
        pltpu.VMEM_SHARED((N, D), jnp.float32),
        pltpu.SemaphoreType.DMA,
    ],
)
def _sc_aggregate(h_hbm, src_hbm, dst_hbm, out_hbm,
                  src_v, dst_v, rows_v, zbuf, agg_sh, sem):
    _sc_aggregate_body(h_hbm, src_hbm, dst_hbm, out_hbm,
                       src_v, dst_v, rows_v, zbuf, agg_sh, sem)


_BLK = 1000
_SQRT2 = math.sqrt(2.0)


def _gelu(t):
    return t * 0.5 * (lax.erf(t / _SQRT2) + 1.0)


def _enc_body(x_ref, w_ref, b_ref, o_ref):
    o_ref[...] = _gelu(
        jnp.dot(x_ref[...], w_ref[...], preferred_element_type=jnp.float32)
        + b_ref[...]
    )


def _encoder(x, W_enc, b_enc):
    return pl.pallas_call(
        _enc_body,
        grid=(N // _BLK,),
        in_specs=[
            pl.BlockSpec((_BLK, D), lambda i: (i, 0)),
            pl.BlockSpec((D, D), lambda i: (0, 0)),
            pl.BlockSpec((1, D), lambda i: (0, 0)),
        ],
        out_specs=pl.BlockSpec((_BLK, D), lambda i: (i, 0)),
        out_shape=jax.ShapeDtypeStruct((N, D), jnp.float32),
    )(x, W_enc, b_enc.reshape(1, D))


def _layer_body(h_ref, p0_ref, p1_ref, wrel_ref, brel_ref, wroot_ref,
                lnw_ref, lnb_ref, o_ref):
    h = h_ref[...]
    agg = p0_ref[...] + p1_ref[...]
    z = (jnp.dot(agg, wrel_ref[...], preferred_element_type=jnp.float32)
         + jnp.dot(h, wroot_ref[...], preferred_element_type=jnp.float32)
         + brel_ref[...])
    h2 = _gelu(z) + h
    mu = jnp.mean(h2, axis=-1, keepdims=True)
    d = h2 - mu
    var = jnp.mean(d * d, axis=-1, keepdims=True)
    o_ref[...] = d * lax.rsqrt(var + 1e-5) * lnw_ref[...] + lnb_ref[...]


def _layer(h, p0, p1, wrel, brel, wroot, lnw, lnb):
    return pl.pallas_call(
        _layer_body,
        grid=(N // _BLK,),
        in_specs=[
            pl.BlockSpec((_BLK, D), lambda i: (i, 0)),
            pl.BlockSpec((_BLK, D), lambda i: (i, 0)),
            pl.BlockSpec((_BLK, D), lambda i: (i, 0)),
            pl.BlockSpec((D, D), lambda i: (0, 0)),
            pl.BlockSpec((1, D), lambda i: (0, 0)),
            pl.BlockSpec((D, D), lambda i: (0, 0)),
            pl.BlockSpec((1, D), lambda i: (0, 0)),
            pl.BlockSpec((1, D), lambda i: (0, 0)),
        ],
        out_specs=pl.BlockSpec((_BLK, D), lambda i: (i, 0)),
        out_shape=jax.ShapeDtypeStruct((N, D), jnp.float32),
    )(h, p0, p1, wrel, brel.reshape(1, D), wroot,
      lnw.reshape(1, D), lnb.reshape(1, D))


def _dec_body(h_ref, gw_ref, gb_ref, w1_ref, b1_ref, w2_ref, b2_ref,
              m16_ref, msel_ref, o_ref):
    h = h_ref[...]
    logits = jnp.dot(h, gw_ref[...], preferred_element_type=jnp.float32) + gb_ref[...]
    m = jnp.max(logits, axis=-1, keepdims=True)
    p = jnp.exp(logits - m)
    denom = jnp.dot(p, m16_ref[...], preferred_element_type=jnp.float32)
    gates = p / denom
    hid = _gelu(
        jnp.dot(h, w1_ref[...], preferred_element_type=jnp.float32) + b1_ref[...]
    )
    head = jnp.dot(hid, w2_ref[...], preferred_element_type=jnp.float32) + b2_ref[...]
    o_ref[...] = jnp.dot(gates * head, msel_ref[...],
                         preferred_element_type=jnp.float32)


def _decoder(h, gw, gb, w1, b1, w2, b2, m16, msel, T, TH):
    return pl.pallas_call(
        _dec_body,
        grid=(N // _BLK,),
        in_specs=[
            pl.BlockSpec((_BLK, D), lambda i: (i, 0)),
            pl.BlockSpec((D, TH), lambda i: (0, 0)),
            pl.BlockSpec((1, TH), lambda i: (0, 0)),
            pl.BlockSpec((D, TH * D), lambda i: (0, 0)),
            pl.BlockSpec((1, TH * D), lambda i: (0, 0)),
            pl.BlockSpec((TH * D, TH), lambda i: (0, 0)),
            pl.BlockSpec((1, TH), lambda i: (0, 0)),
            pl.BlockSpec((TH, TH), lambda i: (0, 0)),
            pl.BlockSpec((TH, T), lambda i: (0, 0)),
        ],
        out_specs=pl.BlockSpec((_BLK, T), lambda i: (i, 0)),
        out_shape=jax.ShapeDtypeStruct((N, T), jnp.float32),
    )(h, gw, gb, w1, b1, w2, b2, m16, msel)


def kernel(x, edge_index, W_enc, b_enc, W_rel, b_rel, W_root, ln_w, ln_b,
           gate_W, gate_b, exp_W1, exp_b1, exp_W2, exp_b2):
    L = W_rel.shape[0]
    T, Dh, H = gate_W.shape
    TH = T * H

    src2d = edge_index[0].reshape(E // _CH, _CH)
    dst2d = edge_index[1].reshape(E // _CH, _CH)

    h = _encoder(x, W_enc, b_enc)
    for l in range(L):
        partials = _sc_aggregate(h, src2d, dst2d)
        h = _layer(h, partials[0], partials[1], W_rel[l], b_rel[l],
                   W_root[l], ln_w[l], ln_b[l])

    gw = jnp.transpose(gate_W, (1, 0, 2)).reshape(D, TH)
    gb = gate_b.reshape(1, TH)
    w1 = jnp.transpose(exp_W1, (2, 0, 1, 3)).reshape(D, TH * D)
    b1 = exp_b1.reshape(1, TH * D)
    w2flat = exp_W2[..., 0].reshape(TH * D)
    blockmask = jnp.kron(jnp.eye(TH, dtype=jnp.float32),
                         jnp.ones((D, 1), jnp.float32))
    w2 = w2flat[:, None] * blockmask
    b2 = exp_b2.reshape(1, TH)
    m16 = jnp.kron(jnp.eye(T, dtype=jnp.float32),
                   jnp.ones((H, H), jnp.float32))
    msel = jnp.kron(jnp.eye(T, dtype=jnp.float32),
                    jnp.ones((H, 1), jnp.float32))
    return _decoder(h, gw, gb, w1, b1, w2, b2, m16, msel, T, TH)

# --- scband reference (transcript-rebuilt; emitter-appended) ---
"""Pipeline reference for scband-edge-gnn-65352222376581 (READ-ONLY COPY).

The authoritative reference and input builder live on the scoring server;
editing this copy changes nothing except your own understanding.
"""

import jax, jax.numpy as jnp
import numpy as np

N = 10000
E = 320000
D = 128
L = 3
T = 4
H = 4


def setup_inputs(seed: int = 0) -> dict:
    key = jax.random.key(seed)
    ks = jax.random.split(key, 10)
    x = jax.random.normal(ks[0], (N, D), dtype=jnp.float32)
    edge_index = jax.random.randint(ks[1], (2, E), 0, N, dtype=jnp.int32)
    W_enc = jax.random.normal(ks[2], (D, D), dtype=jnp.float32) * 0.05
    b_enc = jnp.zeros((D,), dtype=jnp.float32)
    W_rel = jax.random.normal(ks[3], (L, D, D), dtype=jnp.float32) * 0.05
    b_rel = jnp.zeros((L, D), dtype=jnp.float32)
    W_root = jax.random.normal(ks[4], (L, D, D), dtype=jnp.float32) * 0.05
    ln_w = jnp.ones((L, D), dtype=jnp.float32)
    ln_b = jnp.zeros((L, D), dtype=jnp.float32)
    gate_W = jax.random.normal(ks[5], (T, D, H), dtype=jnp.float32) * 0.05
    gate_b = jnp.zeros((T, H), dtype=jnp.float32)
    exp_W1 = jax.random.normal(ks[6], (T, H, D, D), dtype=jnp.float32) * 0.05
    exp_b1 = jnp.zeros((T, H, D), dtype=jnp.float32)
    exp_W2 = jax.random.normal(ks[7], (T, H, D, 1), dtype=jnp.float32) * 0.05
    exp_b2 = jnp.zeros((T, H, 1), dtype=jnp.float32)
    return {"x": x, "edge_index": edge_index, "W_enc": W_enc, "b_enc": b_enc,
            "W_rel": W_rel, "b_rel": b_rel, "W_root": W_root, "ln_w": ln_w, "ln_b": ln_b,
            "gate_W": gate_W, "gate_b": gate_b, "exp_W1": exp_W1, "exp_b1": exp_b1,
            "exp_W2": exp_W2, "exp_b2": exp_b2}


def reference(x, edge_index, W_enc, b_enc, W_rel, b_rel, W_root, ln_w, ln_b,
              gate_W, gate_b, exp_W1, exp_b1, exp_W2, exp_b2):
    gelu = lambda t: jax.nn.gelu(t, approximate=False)
    src = edge_index[0]
    dst = edge_index[1]
    # encoder (dropout = identity in eval)
    h = gelu(x @ W_enc + b_enc)
    # residual GraphConv blocks: out_i = W_rel * sum_{j->i} h_j + b_rel + W_root * h_i
    for l in range(W_rel.shape[0]):
        agg = jnp.zeros_like(h).at[dst].add(h[src])
        out = gelu(agg @ W_rel[l] + b_rel[l] + h @ W_root[l])
        h2 = out + h
        mu = jnp.mean(h2, axis=-1, keepdims=True)
        var = jnp.var(h2, axis=-1, keepdims=True)
        h = (h2 - mu) / jnp.sqrt(var + 1e-5) * ln_w[l] + ln_b[l]
    # multi-head decoders, vectorized over T targets and H heads
    gates = jax.nn.softmax(jnp.einsum('nd,tdh->tnh', h, gate_W) + gate_b[:, None, :], axis=-1)  # [T,N,H]
    hid = gelu(jnp.einsum('nd,thde->tnhe', h, exp_W1) + exp_b1[:, None, :, :])  # [T,N,H,D]
    head = (jnp.einsum('tnhe,theo->tnho', hid, exp_W2) + exp_b2[:, None, :, :])[..., 0]  # [T,N,H]
    out = (gates * head).sum(-1)  # [T,N]
    return out.T  # [N,T] == torch.cat(per-target preds, dim=-1)

if __name__ == "__main__":
    import jax
    _d = setup_inputs()
    print(jax.jit(kernel)(*tuple(_d.values())))

</pallas_src>

<mosaic_0001>
#map = affine_map<(d0, d1) -> (0, 0)>
#map1 = affine_map<(d0, d1) -> (0, 0, 0)>
module attributes {stable_mosaic.version = 14 : i64} {
  func.func @_sc_aggregate(%arg0: i32, %arg1: i32, %arg2: memref<10000x128xf32, #tpu.memory_space<hbm>>, %arg3: memref<2560x125xi32, #tpu.memory_space<hbm>>, %arg4: memref<2560x125xi32, #tpu.memory_space<hbm>>, %arg5: memref<2x10000x128xf32, #tpu.memory_space<hbm>>, %arg6: memref<80x125xi32, #tpu.memory_space<vmem>>, %arg7: memref<80x125xi32, #tpu.memory_space<vmem>>, %arg8: memref<125x128xf32, #tpu.memory_space<vmem>>, %arg9: memref<104x128xf32, #tpu.memory_space<vmem>>, %arg10: memref<10000x128xf32, #tpu.memory_space<vmem_shared>>, %arg11: memref<!tpu.dma_semaphore, #tpu.memory_space<semaphore_mem>>) attributes {dimension_semantics = [#tpu.dimension_semantics<core_parallel>, #tpu.dimension_semantics<subcore_parallel>], iteration_bounds = array<i64: 2, 16>, scalar_prefetch = 0 : i64, scratch_operands = 6 : i64, tpu.core_type = #tpu.core_type<sc_vector_subcore>, window_params = [{transform_indices = #map}, {transform_indices = #map}, {transform_indices = #map}, {transform_indices = #map1}]} {
    %mul3A = arith.constant 16 : i32
    %mul3A_0 = arith.muli %arg0, %mul3A : i32
    %add3A = arith.addi %mul3A_0, %arg1 : i32
    %broadcast_in_dim3A = arith.constant 0.000000e+00 : f32
    %broadcast_in_dim3A_1 = vector.broadcast %broadcast_in_dim3A : f32 to vector<16xf32>
    %scan3A = arith.constant 0 : i32
    %scan3A_2 = arith.constant 0 : i32
    %scan3A_3 = arith.constant 104 : i32
    %scan3A_4 = arith.addi %scan3A_2, %scan3A_3 : i32
    %scan3A_5 = arith.constant 1 : i32
    scf.for %scan3A_49 = %scan3A_2 to %scan3A_4 step %scan3A_5  : i32 {
      %swap3A = arith.index_cast %scan3A_49 : i32 to index
      %swap3A_50 = arith.constant 0 : index
      %swap3A_51 = tpu.vector_load %arg9[%swap3A, %swap3A_50] {strides = array<i32>} : memref<104x128xf32, #tpu.memory_space<vmem>>, vector<1x16xf32>,
      %swap3A_52 = vector.shape_cast %swap3A_51 : vector<1x16xf32> to vector<16xf32>
      %swap3A_53 = vector.shape_cast %broadcast_in_dim3A_1 : vector<16xf32> to vector<1x16xf32>
      tpu.vector_store %arg9[%swap3A, %swap3A_50], %swap3A_53 {strides = array<i32>} : memref<104x128xf32, #tpu.memory_space<vmem>>, vector<1x16xf32>,
      %swap3A_54 = arith.index_cast %scan3A_49 : i32 to index
      %swap3A_55 = arith.constant 16 : index
      %swap3A_56 = tpu.vector_load %arg9[%swap3A_54, %swap3A_55] {strides = array<i32>} : memref<104x128xf32, #tpu.memory_space<vmem>>, vector<1x16xf32>,
      %swap3A_57 = vector.shape_cast %swap3A_56 : vector<1x16xf32> to vector<16xf32>
      %swap3A_58 = vector.shape_cast %broadcast_in_dim3A_1 : vector<16xf32> to vector<1x16xf32>
      tpu.vector_store %arg9[%swap3A_54, %swap3A_55], %swap3A_58 {strides = array<i32>} : memref<104x128xf32, #tpu.memory_space<vmem>>, vector<1x16xf32>,
      %swap3A_59 = arith.index_cast %scan3A_49 : i32 to index
      %swap3A_60 = arith.constant 32 : index
      %swap3A_61 = tpu.vector_load %arg9[%swap3A_59, %swap3A_60] {strides = array<i32>} : memref<104x128xf32, #tpu.memory_space<vmem>>, vector<1x16xf32>,
      %swap3A_62 = vector.shape_cast %swap3A_61 : vector<1x16xf32> to vector<16xf32>
      %swap3A_63 = vector.shape_cast %broadcast_in_dim3A_1 : vector<16xf32> to vector<1x16xf32>
      tpu.vector_store %arg9[%swap3A_59, %swap3A_60], %swap3A_63 {strides = array<i32>} : memref<104x128xf32, #tpu.memory_space<vmem>>, vector<1x16xf32>,
      %swap3A_64 = arith.index_cast %scan3A_49 : i32 to index
      %swap3A_65 = arith.constant 48 : index
      %swap3A_66 = tpu.vector_load %arg9[%swap3A_64, %swap3A_65] {strides = array<i32>} : memref<104x128xf32, #tpu.memory_space<vmem>>, vector<1x16xf32>,
      %swap3A_67 = vector.shape_cast %swap3A_66 : vector<1x16xf32> to vector<16xf32>
      %swap3A_68 = vector.shape_cast %broadcast_in_dim3A_1 : vector<16xf32> to vector<1x16xf32>
      tpu.vector_store %arg9[%swap3A_64, %swap3A_65], %swap3A_68 {strides = array<i32>} : memref<104x128xf32, #tpu.memory_space<vmem>>, vector<1x16xf32>,
      %swap3A_69 = arith.index_cast %scan3A_49 : i32 to index
      %swap3A_70 = arith.constant 64 : index
      %swap3A_71 = tpu.vector_load %arg9[%swap3A_69, %swap3A_70] {strides = array<i32>} : memref<104x128xf32, #tpu.memory_space<vmem>>, vector<1x16xf32>,
      %swap3A_72 = vector.shape_cast %swap3A_71 : vector<1x16xf32> to vector<16xf32>
      %swap3A_73 = vector.shape_cast %broadcast_in_dim3A_1 : vector<16xf32> to vector<1x16xf32>
      tpu.vector_store %arg9[%swap3A_69, %swap3A_70], %swap3A_73 {strides = array<i32>} : memref<104x128xf32, #tpu.memory_space<vmem>>, vector<1x16xf32>,
      %swap3A_74 = arith.index_cast %scan3A_49 : i32 to index
      %swap3A_75 = arith.constant 80 : index
      %swap3A_76 = tpu.vector_load %arg9[%swap3A_74, %swap3A_75] {strides = array<i32>} : memref<104x128xf32, #tpu.memory_space<vmem>>, vector<1x16xf32>,
      %swap3A_77 = vector.shape_cast %swap3A_76 : vector<1x16xf32> to vector<16xf32>
      %swap3A_78 = vector.shape_cast %broadcast_in_dim3A_1 : vector<16xf32> to vector<1x16xf32>
      tpu.vector_store %arg9[%swap3A_74, %swap3A_75], %swap3A_78 {strides = array<i32>} : memref<104x128xf32, #tpu.memory_space<vmem>>, vector<1x16xf32>,
      %swap3A_79 = arith.index_cast %scan3A_49 : i32 to index
      %swap3A_80 = arith.constant 96 : index
      %swap3A_81 = tpu.vector_load %arg9[%swap3A_79, %swap3A_80] {strides = array<i32>} : memref<104x128xf32, #tpu.memory_space<vmem>>, vector<1x16xf32>,
      %swap3A_82 = vector.shape_cast %swap3A_81 : vector<1x16xf32> to vector<16xf32>
      %swap3A_83 = vector.shape_cast %broadcast_in_dim3A_1 : vector<16xf32> to vector<1x16xf32>
      tpu.vector_store %arg9[%swap3A_79, %swap3A_80], %swap3A_83 {strides = array<i32>} : memref<104x128xf32, #tpu.memory_space<vmem>>, vector<1x16xf32>,
      %swap3A_84 = arith.index_cast %scan3A_49 : i32 to index
      %swap3A_85 = arith.constant 112 : index
      %swap3A_86 = tpu.vector_load %arg9[%swap3A_84, %swap3A_85] {strides = array<i32>} : memref<104x128xf32, #tpu.memory_space<vmem>>, vector<1x16xf32>,
      %swap3A_87 = vector.shape_cast %swap3A_86 : vector<1x16xf32> to vector<16xf32>
      %swap3A_88 = vector.shape_cast %broadcast_in_dim3A_1 : vector<16xf32> to vector<1x16xf32>
      tpu.vector_store %arg9[%swap3A_84, %swap3A_85], %swap3A_88 {strides = array<i32>} : memref<104x128xf32, #tpu.memory_space<vmem>>, vector<1x16xf32>,
    }
    %scan3A_6 = arith.constant 104 : i32
    %mul3A_7 = arith.constant 624 : i32
    %mul3A_8 = arith.muli %arg1, %mul3A_7 : i32
    %add3A_9 = arith.constant 0 : i32
    %add3A_10 = arith.addi %mul3A_8, %add3A_9 : i32
    "tpu.region"() ({
      %run_scoped3A = tpu.sem_alloc : memref<!tpu.dma_semaphore, #tpu.memory_space<semaphore_mem>>
      %dma_start3A = arith.constant 0 : i32
      %dma_start3A_49 = tpu.memref_slice %arg10[%add3A_10, %dma_start3A] : memref<10000x128xf32, #tpu.memory_space<vmem_shared>> -> memref<104x128xf32, #tpu.memory_space<vmem_shared>>
      %dma_start3A_50 = arith.constant 0 : i32
      %dma_start3A_51 = tpu.memref_slice %arg10[%add3A_10, %dma_start3A_50] : memref<10000x128xf32, #tpu.memory_space<vmem_shared>> -> memref<104x128xf32, #tpu.memory_space<vmem_shared>>
      tpu.enqueue_dma source(%arg9 : memref<104x128xf32, #tpu.memory_space<vmem>>) target(%dma_start3A_51 : memref<104x128xf32, #tpu.memory_space<vmem_shared>>) target_semaphore(%run_scoped3A : memref<!tpu.dma_semaphore, #tpu.memory_space<semaphore_mem>>)
      %dma_wait3A = arith.constant 0 : i32
      %dma_wait3A_52 = tpu.memref_slice %arg10[%add3A_10, %dma_wait3A] : memref<10000x128xf32, #tpu.memory_space<vmem_shared>> -> memref<104x128xf32, #tpu.memory_space<vmem_shared>>
      %dma_wait3A_53 = arith.constant 0 : i32
      %dma_wait3A_54 = tpu.memref_slice %arg10[%add3A_10, %dma_wait3A_53] : memref<10000x128xf32, #tpu.memory_space<vmem_shared>> -> memref<104x128xf32, #tpu.memory_space<vmem_shared>>
      tpu.wait_dma2 semaphore(%run_scoped3A : memref<!tpu.dma_semaphore, #tpu.memory_space<semaphore_mem>>) src(%arg9 : memref<104x128xf32, #tpu.memory_space<vmem>>) dst(%dma_wait3A_54 : memref<104x128xf32, #tpu.memory_space<vmem_shared>>)
      tpu.yield
    }) : () -> ()
    %add3A_11 = arith.constant 104 : i32
    %add3A_12 = arith.addi %mul3A_8, %add3A_11 : i32
    "tpu.region"() ({
      %run_scoped3A = tpu.sem_alloc : memref<!tpu.dma_semaphore, #tpu.memory_space<semaphore_mem>>
      %dma_start3A = arith.constant 0 : i32
      %dma_start3A_49 = tpu.memref_slice %arg10[%add3A_12, %dma_start3A] : memref<10000x128xf32, #tpu.memory_space<vmem_shared>> -> memref<104x128xf32, #tpu.memory_space<vmem_shared>>
      %dma_start3A_50 = arith.constant 0 : i32
      %dma_start3A_51 = tpu.memref_slice %arg10[%add3A_12, %dma_start3A_50] : memref<10000x128xf32, #tpu.memory_space<vmem_shared>> -> memref<104x128xf32, #tpu.memory_space<vmem_shared>>
      tpu.enqueue_dma source(%arg9 : memref<104x128xf32, #tpu.memory_space<vmem>>) target(%dma_start3A_51 : memref<104x128xf32, #tpu.memory_space<vmem_shared>>) target_semaphore(%run_scoped3A : memref<!tpu.dma_semaphore, #tpu.memory_space<semaphore_mem>>)
      %dma_wait3A = arith.constant 0 : i32
      %dma_wait3A_52 = tpu.memref_slice %arg10[%add3A_12, %dma_wait3A] : memref<10000x128xf32, #tpu.memory_space<vmem_shared>> -> memref<104x128xf32, #tpu.memory_space<vmem_shared>>
      %dma_wait3A_53 = arith.constant 0 : i32
      %dma_wait3A_54 = tpu.memref_slice %arg10[%add3A_12, %dma_wait3A_53] : memref<10000x128xf32, #tpu.memory_space<vmem_shared>> -> memref<104x128xf32, #tpu.memory_space<vmem_shared>>
      tpu.wait_dma2 semaphore(%run_scoped3A : memref<!tpu.dma_semaphore, #tpu.memory_space<semaphore_mem>>) src(%arg9 : memref<104x128xf32, #tpu.memory_space<vmem>>) dst(%dma_wait3A_54 : memref<104x128xf32, #tpu.memory_space<vmem_shared>>)
      tpu.yield
    }) : () -> ()
    %add3A_13 = arith.constant 208 : i32
    %add3A_14 = arith.addi %mul3A_8, %add3A_13 : i32
    "tpu.region"() ({
      %run_scoped3A = tpu.sem_alloc : memref<!tpu.dma_semaphore, #tpu.memory_space<semaphore_mem>>
      %dma_start3A = arith.constant 0 : i32
      %dma_start3A_49 = tpu.memref_slice %arg10[%add3A_14, %dma_start3A] : memref<10000x128xf32, #tpu.memory_space<vmem_shared>> -> memref<104x128xf32, #tpu.memory_space<vmem_shared>>
      %dma_start3A_50 = arith.constant 0 : i32
      %dma_start3A_51 = tpu.memref_slice %arg10[%add3A_14, %dma_start3A_50] : memref<10000x128xf32, #tpu.memory_space<vmem_shared>> -> memref<104x128xf32, #tpu.memory_space<vmem_shared>>
      tpu.enqueue_dma source(%arg9 : memref<104x128xf32, #tpu.memory_space<vmem>>) target(%dma_start3A_51 : memref<104x128xf32, #tpu.memory_space<vmem_shared>>) target_semaphore(%run_scoped3A : memref<!tpu.dma_semaphore, #tpu.memory_space<semaphore_mem>>)
      %dma_wait3A = arith.constant 0 : i32
      %dma_wait3A_52 = tpu.memref_slice %arg10[%add3A_14, %dma_wait3A] : memref<10000x128xf32, #tpu.memory_space<vmem_shared>> -> memref<104x128xf32, #tpu.memory_space<vmem_shared>>
      %dma_wait3A_53 = arith.constant 0 : i32
      %dma_wait3A_54 = tpu.memref_slice %arg10[%add3A_14, %dma_wait3A_53] : memref<10000x128xf32, #tpu.memory_space<vmem_shared>> -> memref<104x128xf32, #tpu.memory_space<vmem_shared>>
      tpu.wait_dma2 semaphore(%run_scoped3A : memref<!tpu.dma_semaphore, #tpu.memory_space<semaphore_mem>>) src(%arg9 : memref<104x128xf32, #tpu.memory_space<vmem>>) dst(%dma_wait3A_54 : memref<104x128xf32, #tpu.memory_space<vmem_shared>>)
      tpu.yield
    }) : () -> ()
    %add3A_15 = arith.constant 312 : i32
    %add3A_16 = arith.addi %mul3A_8, %add3A_15 : i32
    "tpu.region"() ({
      %run_scoped3A = tpu.sem_alloc : memref<!tpu.dma_semaphore, #tpu.memory_space<semaphore_mem>>
      %dma_start3A = arith.constant 0 : i32
      %dma_start3A_49 = tpu.memref_slice %arg10[%add3A_16, %dma_start3A] : memref<10000x128xf32, #tpu.memory_space<vmem_shared>> -> memref<104x128xf32, #tpu.memory_space<vmem_shared>>
      %dma_start3A_50 = arith.constant 0 : i32
      %dma_start3A_51 = tpu.memref_slice %arg10[%add3A_16, %dma_start3A_50] : memref<10000x128xf32, #tpu.memory_space<vmem_shared>> -> memref<104x128xf32, #tpu.memory_space<vmem_shared>>
      tpu.enqueue_dma source(%arg9 : memref<104x128xf32, #tpu.memory_space<vmem>>) target(%dma_start3A_51 : memref<104x128xf32, #tpu.memory_space<vmem_shared>>) target_semaphore(%run_scoped3A : memref<!tpu.dma_semaphore, #tpu.memory_space<semaphore_mem>>)
      %dma_wait3A = arith.constant 0 : i32
      %dma_wait3A_52 = tpu.memref_slice %arg10[%add3A_16, %dma_wait3A] : memref<10000x128xf32, #tpu.memory_space<vmem_shared>> -> memref<104x128xf32, #tpu.memory_space<vmem_shared>>
      %dma_wait3A_53 = arith.constant 0 : i32
      %dma_wait3A_54 = tpu.memref_slice %arg10[%add3A_16, %dma_wait3A_53] : memref<10000x128xf32, #tpu.memory_space<vmem_shared>> -> memref<104x128xf32, #tpu.memory_space<vmem_shared>>
      tpu.wait_dma2 semaphore(%run_scoped3A : memref<!tpu.dma_semaphore, #tpu.memory_space<semaphore_mem>>) src(%arg9 : memref<104x128xf32, #tpu.memory_space<vmem>>) dst(%dma_wait3A_54 : memref<104x128xf32, #tpu.memory_space<vmem_shared>>)
      tpu.yield
    }) : () -> ()
    %add3A_17 = arith.constant 416 : i32
    %add3A_18 = arith.addi %mul3A_8, %add3A_17 : i32
    "tpu.region"() ({
      %run_scoped3A = tpu.sem_alloc : memref<!tpu.dma_semaphore, #tpu.memory_space<semaphore_mem>>
      %dma_start3A = arith.constant 0 : i32
      %dma_start3A_49 = tpu.memref_slice %arg10[%add3A_18, %dma_start3A] : memref<10000x128xf32, #tpu.memory_space<vmem_shared>> -> memref<104x128xf32, #tpu.memory_space<vmem_shared>>
      %dma_start3A_50 = arith.constant 0 : i32
      %dma_start3A_51 = tpu.memref_slice %arg10[%add3A_18, %dma_start3A_50] : memref<10000x128xf32, #tpu.memory_space<vmem_shared>> -> memref<104x128xf32, #tpu.memory_space<vmem_shared>>
      tpu.enqueue_dma source(%arg9 : memref<104x128xf32, #tpu.memory_space<vmem>>) target(%dma_start3A_51 : memref<104x128xf32, #tpu.memory_space<vmem_shared>>) target_semaphore(%run_scoped3A : memref<!tpu.dma_semaphore, #tpu.memory_space<semaphore_mem>>)
      %dma_wait3A = arith.constant 0 : i32
      %dma_wait3A_52 = tpu.memref_slice %arg10[%add3A_18, %dma_wait3A] : memref<10000x128xf32, #tpu.memory_space<vmem_shared>> -> memref<104x128xf32, #tpu.memory_space<vmem_shared>>
      %dma_wait3A_53 = arith.constant 0 : i32
      %dma_wait3A_54 = tpu.memref_slice %arg10[%add3A_18, %dma_wait3A_53] : memref<10000x128xf32, #tpu.memory_space<vmem_shared>> -> memref<104x128xf32, #tpu.memory_space<vmem_shared>>
      tpu.wait_dma2 semaphore(%run_scoped3A : memref<!tpu.dma_semaphore, #tpu.memory_space<semaphore_mem>>) src(%arg9 : memref<104x128xf32, #tpu.memory_space<vmem>>) dst(%dma_wait3A_54 : memref<104x128xf32, #tpu.memory_space<vmem_shared>>)
      tpu.yield
    }) : () -> ()
    %add3A_19 = arith.constant 520 : i32
    %add3A_20 = arith.addi %mul3A_8, %add3A_19 : i32
    "tpu.region"() ({
      %run_scoped3A = tpu.sem_alloc : memref<!tpu.dma_semaphore, #tpu.memory_space<semaphore_mem>>
      %dma_start3A = arith.constant 0 : i32
      %dma_start3A_49 = tpu.memref_slice %arg10[%add3A_20, %dma_start3A] : memref<10000x128xf32, #tpu.memory_space<vmem_shared>> -> memref<104x128xf32, #tpu.memory_space<vmem_shared>>
      %dma_start3A_50 = arith.constant 0 : i32
      %dma_start3A_51 = tpu.memref_slice %arg10[%add3A_20, %dma_start3A_50] : memref<10000x128xf32, #tpu.memory_space<vmem_shared>> -> memref<104x128xf32, #tpu.memory_space<vmem_shared>>
      tpu.enqueue_dma source(%arg9 : memref<104x128xf32, #tpu.memory_space<vmem>>) target(%dma_start3A_51 : memref<104x128xf32, #tpu.memory_space<vmem_shared>>) target_semaphore(%run_scoped3A : memref<!tpu.dma_semaphore, #tpu.memory_space<semaphore_mem>>)
      %dma_wait3A = arith.constant 0 : i32
      %dma_wait3A_52 = tpu.memref_slice %arg10[%add3A_20, %dma_wait3A] : memref<10000x128xf32, #tpu.memory_space<vmem_shared>> -> memref<104x128xf32, #tpu.memory_space<vmem_shared>>
      %dma_wait3A_53 = arith.constant 0 : i32
      %dma_wait3A_54 = tpu.memref_slice %arg10[%add3A_20, %dma_wait3A_53] : memref<10000x128xf32, #tpu.memory_space<vmem_shared>> -> memref<104x128xf32, #tpu.memory_space<vmem_shared>>
      tpu.wait_dma2 semaphore(%run_scoped3A : memref<!tpu.dma_semaphore, #tpu.memory_space<semaphore_mem>>) src(%arg9 : memref<104x128xf32, #tpu.memory_space<vmem>>) dst(%dma_wait3A_54 : memref<104x128xf32, #tpu.memory_space<vmem_shared>>)
      tpu.yield
    }) : () -> ()
    %eq3A = arith.constant 15 : i32
    %eq3A_21 = arith.cmpi eq, %arg1, %eq3A : i32
    %convert_element_type3A = arith.extui %eq3A_21 : i1 to i32
    %cond3A = arith.constant 0 : i32
    %cond3A_22 = arith.cmpi ne, %convert_element_type3A, %cond3A : i32
    scf.if %cond3A_22 {
      "tpu.region"() ({
        %run_scoped3A = tpu.sem_alloc : memref<!tpu.dma_semaphore, #tpu.memory_space<semaphore_mem>>
        %dma_start3A = arith.constant 0 : i32
        %dma_start3A_49 = arith.constant 0 : i32
        %dma_start3A_50 = tpu.memref_slice %arg9[%dma_start3A, %dma_start3A_49] : memref<104x128xf32, #tpu.memory_space<vmem>> -> memref<16x128xf32, #tpu.memory_space<vmem>>
        %dma_start3A_51 = arith.constant 9984 : i32
        %dma_start3A_52 = arith.constant 0 : i32
        %dma_start3A_53 = tpu.memref_slice %arg10[%dma_start3A_51, %dma_start3A_52] : memref<10000x128xf32, #tpu.memory_space<vmem_shared>> -> memref<16x128xf32, #tpu.memory_space<vmem_shared>>
        %dma_start3A_54 = arith.constant 9984 : i32
        %dma_start3A_55 = arith.constant 0 : i32
        %dma_start3A_56 = tpu.memref_slice %arg10[%dma_start3A_54, %dma_start3A_55] : memref<10000x128xf32, #tpu.memory_space<vmem_shared>> -> memref<16x128xf32, #tpu.memory_space<vmem_shared>>
        %dma_start3A_57 = arith.constant 0 : i32
        %dma_start3A_58 = arith.constant 0 : i32
        %dma_start3A_59 = tpu.memref_slice %arg9[%dma_start3A_57, %dma_start3A_58] : memref<104x128xf32, #tpu.memory_space<vmem>> -> memref<16x128xf32, #tpu.memory_space<vmem>>
        tpu.enqueue_dma source(%dma_start3A_59 : memref<16x128xf32, #tpu.memory_space<vmem>>) target(%dma_start3A_56 : memref<16x128xf32, #tpu.memory_space<vmem_shared>>) target_semaphore(%run_scoped3A : memref<!tpu.dma_semaphore, #tpu.memory_space<semaphore_mem>>)
        %dma_wait3A = arith.constant 0 : i32
        %dma_wait3A_60 = arith.constant 0 : i32
        %dma_wait3A_61 = tpu.memref_slice %arg9[%dma_wait3A, %dma_wait3A_60] : memref<104x128xf32, #tpu.memory_space<vmem>> -> memref<16x128xf32, #tpu.memory_space<vmem>>
        %dma_wait3A_62 = arith.constant 9984 : i32
        %dma_wait3A_63 = arith.constant 0 : i32
        %dma_wait3A_64 = tpu.memref_slice %arg10[%dma_wait3A_62, %dma_wait3A_63] : memref<10000x128xf32, #tpu.memory_space<vmem_shared>> -> memref<16x128xf32, #tpu.memory_space<vmem_shared>>
        %dma_wait3A_65 = arith.constant 9984 : i32
        %dma_wait3A_66 = arith.constant 0 : i32
        %dma_wait3A_67 = tpu.memref_slice %arg10[%dma_wait3A_65, %dma_wait3A_66] : memref<10000x128xf32, #tpu.memory_space<vmem_shared>> -> memref<16x128xf32, #tpu.memory_space<vmem_shared>>
        %dma_wait3A_68 = arith.constant 0 : i32
        %dma_wait3A_69 = arith.constant 0 : i32
        %dma_wait3A_70 = tpu.memref_slice %arg9[%dma_wait3A_68, %dma_wait3A_69] : memref<104x128xf32, #tpu.memory_space<vmem>> -> memref<16x128xf32, #tpu.memory_space<vmem>>
        tpu.wait_dma2 semaphore(%run_scoped3A : memref<!tpu.dma_semaphore, #tpu.memory_space<semaphore_mem>>) src(%dma_wait3A_70 : memref<16x128xf32, #tpu.memory_space<vmem>>) dst(%dma_wait3A_67 : memref<16x128xf32, #tpu.memory_space<vmem_shared>>)
        tpu.yield
      }) : () -> ()
    } else {
    }
    %barrier3A = arith.constant 0 : index
    tpu.barrier barrier_id(%barrier3A)
    %mul3A_23 = arith.constant 80 : i32
    %mul3A_24 = arith.muli %add3A, %mul3A_23 : i32
    "tpu.region"() ({
      %run_scoped3A = tpu.sem_alloc : memref<!tpu.dma_semaphore, #tpu.memory_space<semaphore_mem>>
      %dma_start3A = arith.constant 0 : i32
      %dma_start3A_49 = tpu.memref_slice %arg3[%mul3A_24, %dma_start3A] : memref<2560x125xi32, #tpu.memory_space<hbm>> -> memref<80x125xi32, #tpu.memory_space<hbm>>
      %dma_start3A_50 = arith.constant 0 : i32
      %dma_start3A_51 = tpu.memref_slice %arg3[%mul3A_24, %dma_start3A_50] : memref<2560x125xi32, #tpu.memory_space<hbm>> -> memref<80x125xi32, #tpu.memory_space<hbm>>
      tpu.enqueue_dma source(%dma_start3A_51 : memref<80x125xi32, #tpu.memory_space<hbm>>) target(%arg6 : memref<80x125xi32, #tpu.memory_space<vmem>>) target_semaphore(%run_scoped3A : memref<!tpu.dma_semaphore, #tpu.memory_space<semaphore_mem>>)
      %dma_wait3A = arith.constant 0 : i32
      %dma_wait3A_52 = tpu.memref_slice %arg3[%mul3A_24, %dma_wait3A] : memref<2560x125xi32, #tpu.memory_space<hbm>> -> memref<80x125xi32, #tpu.memory_space<hbm>>
      %dma_wait3A_53 = arith.constant 0 : i32
      %dma_wait3A_54 = tpu.memref_slice %arg3[%mul3A_24, %dma_wait3A_53] : memref<2560x125xi32, #tpu.memory_space<hbm>> -> memref<80x125xi32, #tpu.memory_space<hbm>>
      tpu.wait_dma2 semaphore(%run_scoped3A : memref<!tpu.dma_semaphore, #tpu.memory_space<semaphore_mem>>) src(%dma_wait3A_54 : memref<80x125xi32, #tpu.memory_space<hbm>>) dst(%arg6 : memref<80x125xi32, #tpu.memory_space<vmem>>)
      tpu.yield
    }) : () -> ()
    "tpu.region"() ({
      %run_scoped3A = tpu.sem_alloc : memref<!tpu.dma_semaphore, #tpu.memory_space<semaphore_mem>>
      %dma_start3A = arith.constant 0 : i32
      %dma_start3A_49 = tpu.memref_slice %arg4[%mul3A_24, %dma_start3A] : memref<2560x125xi32, #tpu.memory_space<hbm>> -> memref<80x125xi32, #tpu.memory_space<hbm>>
      %dma_start3A_50 = arith.constant 0 : i32
      %dma_start3A_51 = tpu.memref_slice %arg4[%mul3A_24, %dma_start3A_50] : memref<2560x125xi32, #tpu.memory_space<hbm>> -> memref<80x125xi32, #tpu.memory_space<hbm>>
      tpu.enqueue_dma source(%dma_start3A_51 : memref<80x125xi32, #tpu.memory_space<hbm>>) target(%arg7 : memref<80x125xi32, #tpu.memory_space<vmem>>) target_semaphore(%run_scoped3A : memref<!tpu.dma_semaphore, #tpu.memory_space<semaphore_mem>>)
      %dma_wait3A = arith.constant 0 : i32
      %dma_wait3A_52 = tpu.memref_slice %arg4[%mul3A_24, %dma_wait3A] : memref<2560x125xi32, #tpu.memory_space<hbm>> -> memref<80x125xi32, #tpu.memory_space<hbm>>
      %dma_wait3A_53 = arith.constant 0 : i32
      %dma_wait3A_54 = tpu.memref_slice %arg4[%mul3A_24, %dma_wait3A_53] : memref<2560x125xi32, #tpu.memory_space<hbm>> -> memref<80x125xi32, #tpu.memory_space<hbm>>
      tpu.wait_dma2 semaphore(%run_scoped3A : memref<!tpu.dma_semaphore, #tpu.memory_space<semaphore_mem>>) src(%dma_wait3A_54 : memref<80x125xi32, #tpu.memory_space<hbm>>) dst(%arg7 : memref<80x125xi32, #tpu.memory_space<vmem>>)
      tpu.yield
    }) : () -> ()
    %scan3A_25 = arith.constant 0 : i32
    %scan3A_26 = arith.constant 0 : i32
    %scan3A_27 = arith.constant 80 : i32
    %scan3A_28 = arith.addi %scan3A_26, %scan3A_27 : i32
    %scan3A_29 = arith.constant 1 : i32
    scf.for %scan3A_49 = %scan3A_26 to %scan3A_28 step %scan3A_29  : i32 {
      %dma_start3A = arith.constant 0 : i32
      %dma_start3A_50 = tpu.memref_slice %arg6[%scan3A_49, %dma_start3A] : memref<80x125xi32, #tpu.memory_space<vmem>> -> memref<1x125xi32, #tpu.memory_space<vmem>>
      %dma_start3A_51 = tpu.memref_squeeze %dma_start3A_50 : memref<1x125xi32, #tpu.memory_space<vmem>> -> memref<125xi32, #tpu.memory_space<vmem>>
      %dma_start3A_52 = arith.constant 0 : i32
      %dma_start3A_53 = arith.constant 0 : i32
      %dma_start3A_54 = tpu.memref_slice %arg2[%dma_start3A_52, %dma_start3A_53] : memref<10000x128xf32, #tpu.memory_space<hbm>> -> memref<10000x128xf32, #tpu.memory_space<hbm>>
      tpu.enqueue_indirect_dma source(%dma_start3A_54 : memref<10000x128xf32, #tpu.memory_space<hbm>>) target(%arg8 : memref<125x128xf32, #tpu.memory_space<vmem>>) offsets(%dma_start3A_51 : memref<125xi32, #tpu.memory_space<vmem>>) semaphore(%arg11 : memref<!tpu.dma_semaphore, #tpu.memory_space<semaphore_mem>>)
      %dma_wait3A = arith.constant 0 : i32
      %dma_wait3A_55 = tpu.memref_slice %arg6[%scan3A_49, %dma_wait3A] : memref<80x125xi32, #tpu.memory_space<vmem>> -> memref<1x125xi32, #tpu.memory_space<vmem>>
      %dma_wait3A_56 = tpu.memref_squeeze %dma_wait3A_55 : memref<1x125xi32, #tpu.memory_space<vmem>> -> memref<125xi32, #tpu.memory_space<vmem>>
      %dma_wait3A_57 = arith.constant 0 : i32
      %dma_wait3A_58 = arith.constant 0 : i32
      %dma_wait3A_59 = tpu.memref_slice %arg2[%dma_wait3A_57, %dma_wait3A_58] : memref<10000x128xf32, #tpu.memory_space<hbm>> -> memref<10000x128xf32, #tpu.memory_space<hbm>>
      tpu.wait_indirect_dma semaphore(%arg11 : memref<!tpu.dma_semaphore, #tpu.memory_space<semaphore_mem>>) src(%dma_wait3A_59 : memref<10000x128xf32, #tpu.memory_space<hbm>>) dst(%arg8 : memref<125x128xf32, #tpu.memory_space<vmem>>)
      "tpu.region"() ({
        %run_scoped3A = tpu.sem_alloc : memref<!tpu.dma_semaphore, #tpu.memory_space<semaphore_mem>>
        %dma_start3A_60 = arith.constant 0 : i32
        %dma_start3A_61 = tpu.memref_slice %arg7[%scan3A_49, %dma_start3A_60] : memref<80x125xi32, #tpu.memory_space<vmem>> -> memref<1x125xi32, #tpu.memory_space<vmem>>
        %dma_start3A_62 = tpu.memref_squeeze %dma_start3A_61 : memref<1x125xi32, #tpu.memory_space<vmem>> -> memref<125xi32, #tpu.memory_space<vmem>>
        %dma_start3A_63 = arith.constant 0 : i32
        %dma_start3A_64 = arith.constant 0 : i32
        %dma_start3A_65 = tpu.memref_slice %arg10[%dma_start3A_63, %dma_start3A_64] : memref<10000x128xf32, #tpu.memory_space<vmem_shared>> -> memref<10000x128xf32, #tpu.memory_space<vmem_shared>>
        tpu.enqueue_indirect_dma source(%arg8 : memref<125x128xf32, #tpu.memory_space<vmem>>) target(%dma_start3A_65 : memref<10000x128xf32, #tpu.memory_space<vmem_shared>>) offsets(%dma_start3A_62 : memref<125xi32, #tpu.memory_space<vmem>>) semaphore(%run_scoped3A : memref<!tpu.dma_semaphore, #tpu.memory_space<semaphore_mem>>) {add = true}
        %dma_wait3A_66 = arith.constant 0 : i32
        %dma_wait3A_67 = tpu.memref_slice %arg7[%scan3A_49, %dma_wait3A_66] : memref<80x125xi32, #tpu.memory_space<vmem>> -> memref<1x125xi32, #tpu.memory_space<vmem>>
        %dma_wait3A_68 = tpu.memref_squeeze %dma_wait3A_67 : memref<1x125xi32, #tpu.memory_space<vmem>> -> memref<125xi32, #tpu.memory_space<vmem>>
        %dma_wait3A_69 = arith.constant 0 : i32
        %dma_wait3A_70 = arith.constant 0 : i32
        %dma_wait3A_71 = tpu.memref_slice %arg10[%dma_wait3A_69, %dma_wait3A_70] : memref<10000x128xf32, #tpu.memory_space<vmem_shared>> -> memref<10000x128xf32, #tpu.memory_space<vmem_shared>>
        tpu.wait_indirect_dma semaphore(%run_scoped3A : memref<!tpu.dma_semaphore, #tpu.memory_space<semaphore_mem>>) src(%arg8 : memref<125x128xf32, #tpu.memory_space<vmem>>) dst(%dma_wait3A_71 : memref<10000x128xf32, #tpu.memory_space<vmem_shared>>)
        tpu.yield
      }) : () -> ()
    }
    %scan3A_30 = arith.constant 80 : i32
    %barrier3A_31 = arith.constant 0 : index
    tpu.barrier barrier_id(%barrier3A_31)
    %add3A_32 = arith.constant 0 : i32
    %add3A_33 = arith.addi %mul3A_8, %add3A_32 : i32
    "tpu.region"() ({
      %run_scoped3A = tpu.sem_alloc : memref<!tpu.dma_semaphore, #tpu.memory_space<semaphore_mem>>
      %dma_start3A = arith.constant 0 : i32
      %dma_start3A_49 = tpu.memref_slice %arg10[%add3A_33, %dma_start3A] : memref<10000x128xf32, #tpu.memory_space<vmem_shared>> -> memref<104x128xf32, #tpu.memory_space<vmem_shared>>
      %dma_start3A_50 = arith.constant 0 : i32
      %dma_start3A_51 = tpu.memref_slice %arg10[%add3A_33, %dma_start3A_50] : memref<10000x128xf32, #tpu.memory_space<vmem_shared>> -> memref<104x128xf32, #tpu.memory_space<vmem_shared>>
      tpu.enqueue_dma source(%dma_start3A_51 : memref<104x128xf32, #tpu.memory_space<vmem_shared>>) target(%arg9 : memref<104x128xf32, #tpu.memory_space<vmem>>) target_semaphore(%run_scoped3A : memref<!tpu.dma_semaphore, #tpu.memory_space<semaphore_mem>>)
      %dma_wait3A = arith.constant 0 : i32
      %dma_wait3A_52 = tpu.memref_slice %arg10[%add3A_33, %dma_wait3A] : memref<10000x128xf32, #tpu.memory_space<vmem_shared>> -> memref<104x128xf32, #tpu.memory_space<vmem_shared>>
      %dma_wait3A_53 = arith.constant 0 : i32
      %dma_wait3A_54 = tpu.memref_slice %arg10[%add3A_33, %dma_wait3A_53] : memref<10000x128xf32, #tpu.memory_space<vmem_shared>> -> memref<104x128xf32, #tpu.memory_space<vmem_shared>>
      tpu.wait_dma2 semaphore(%run_scoped3A : memref<!tpu.dma_semaphore, #tpu.memory_space<semaphore_mem>>) src(%dma_wait3A_54 : memref<104x128xf32, #tpu.memory_space<vmem_shared>>) dst(%arg9 : memref<104x128xf32, #tpu.memory_space<vmem>>)
      tpu.yield
    }) : () -> ()
    "tpu.region"() ({
      %run_scoped3A = tpu.sem_alloc : memref<!tpu.dma_semaphore, #tpu.memory_space<semaphore_mem>>
      %dma_start3A = arith.constant 0 : i32
      %dma_start3A_49 = tpu.memref_slice %arg5[%arg0, %add3A_33, %dma_start3A] : memref<2x10000x128xf32, #tpu.memory_space<hbm>> -> memref<1x104x128xf32, #tpu.memory_space<hbm>>
      %dma_start3A_50 = tpu.memref_squeeze %dma_start3A_49 : memref<1x104x128xf32, #tpu.memory_space<hbm>> -> memref<104x128xf32, #tpu.memory_space<hbm>>
      %dma_start3A_51 = arith.constant 0 : i32
      %dma_start3A_52 = tpu.memref_slice %arg5[%arg0, %add3A_33, %dma_start3A_51] : memref<2x10000x128xf32, #tpu.memory_space<hbm>> -> memref<1x104x128xf32, #tpu.memory_space<hbm>>
      %dma_start3A_53 = tpu.memref_squeeze %dma_start3A_52 : memref<1x104x128xf32, #tpu.memory_space<hbm>> -> memref<104x128xf32, #tpu.memory_space<hbm>>
      tpu.enqueue_dma source(%arg9 : memref<104x128xf32, #tpu.memory_space<vmem>>) target(%dma_start3A_53 : memref<104x128xf32, #tpu.memory_space<hbm>>) target_semaphore(%run_scoped3A : memref<!tpu.dma_semaphore, #tpu.memory_space<semaphore_mem>>)
      %dma_wait3A = arith.constant 0 : i32
      %dma_wait3A_54 = tpu.memref_slice %arg5[%arg0, %add3A_33, %dma_wait3A] : memref<2x10000x128xf32, #tpu.memory_space<hbm>> -> memref<1x104x128xf32, #tpu.memory_space<hbm>>
      %dma_wait3A_55 = tpu.memref_squeeze %dma_wait3A_54 : memref<1x104x128xf32, #tpu.memory_space<hbm>> -> memref<104x128xf32, #tpu.memory_space<hbm>>
      %dma_wait3A_56 = arith.constant 0 : i32
      %dma_wait3A_57 = tpu.memref_slice %arg5[%arg0, %add3A_33, %dma_wait3A_56] : memref<2x10000x128xf32, #tpu.memory_space<hbm>> -> memref<1x104x128xf32, #tpu.memory_space<hbm>>
      %dma_wait3A_58 = tpu.memref_squeeze %dma_wait3A_57 : memref<1x104x128xf32, #tpu.memory_space<hbm>> -> memref<104x128xf32, #tpu.memory_space<hbm>>
      tpu.wait_dma2 semaphore(%run_scoped3A : memref<!tpu.dma_semaphore, #tpu.memory_space<semaphore_mem>>) src(%arg9 : memref<104x128xf32, #tpu.memory_space<vmem>>) dst(%dma_wait3A_58 : memref<104x128xf32, #tpu.memory_space<hbm>>)
      tpu.yield
    }) : () -> ()
    %add3A_34 = arith.constant 104 : i32
    %add3A_35 = arith.addi %mul3A_8, %add3A_34 : i32
    "tpu.region"() ({
      %run_scoped3A = tpu.sem_alloc : memref<!tpu.dma_semaphore, #tpu.memory_space<semaphore_mem>>
      %dma_start3A = arith.constant 0 : i32
      %dma_start3A_49 = tpu.memref_slice %arg10[%add3A_35, %dma_start3A] : memref<10000x128xf32, #tpu.memory_space<vmem_shared>> -> memref<104x128xf32, #tpu.memory_space<vmem_shared>>
      %dma_start3A_50 = arith.constant 0 : i32
      %dma_start3A_51 = tpu.memref_slice %arg10[%add3A_35, %dma_start3A_50] : memref<10000x128xf32, #tpu.memory_space<vmem_shared>> -> memref<104x128xf32, #tpu.memory_space<vmem_shared>>
      tpu.enqueue_dma source(%dma_start3A_51 : memref<104x128xf32, #tpu.memory_space<vmem_shared>>) target(%arg9 : memref<104x128xf32, #tpu.memory_space<vmem>>) target_semaphore(%run_scoped3A : memref<!tpu.dma_semaphore, #tpu.memory_space<semaphore_mem>>)
      %dma_wait3A = arith.constant 0 : i32
      %dma_wait3A_52 = tpu.memref_slice %arg10[%add3A_35, %dma_wait3A] : memref<10000x128xf32, #tpu.memory_space<vmem_shared>> -> memref<104x128xf32, #tpu.memory_space<vmem_shared>>
      %dma_wait3A_53 = arith.constant 0 : i32
      %dma_wait3A_54 = tpu.memref_slice %arg10[%add3A_35, %dma_wait3A_53] : memref<10000x128xf32, #tpu.memory_space<vmem_shared>> -> memref<104x128xf32, #tpu.memory_space<vmem_shared>>
      tpu.wait_dma2 semaphore(%run_scoped3A : memref<!tpu.dma_semaphore, #tpu.memory_space<semaphore_mem>>) src(%dma_wait3A_54 : memref<104x128xf32, #tpu.memory_space<vmem_shared>>) dst(%arg9 : memref<104x128xf32, #tpu.memory_space<vmem>>)
      tpu.yield
    }) : () -> ()
    "tpu.region"() ({
      %run_scoped3A = tpu.sem_alloc : memref<!tpu.dma_semaphore, #tpu.memory_space<semaphore_mem>>
      %dma_start3A = arith.constant 0 : i32
      %dma_start3A_49 = tpu.memref_slice %arg5[%arg0, %add3A_35, %dma_start3A] : memref<2x10000x128xf32, #tpu.memory_space<hbm>> -> memref<1x104x128xf32, #tpu.memory_space<hbm>>
      %dma_start3A_50 = tpu.memref_squeeze %dma_start3A_49 : memref<1x104x128xf32, #tpu.memory_space<hbm>> -> memref<104x128xf32, #tpu.memory_space<hbm>>
      %dma_start3A_51 = arith.constant 0 : i32
      %dma_start3A_52 = tpu.memref_slice %arg5[%arg0, %add3A_35, %dma_start3A_51] : memref<2x10000x128xf32, #tpu.memory_space<hbm>> -> memref<1x104x128xf32, #tpu.memory_space<hbm>>
      %dma_start3A_53 = tpu.memref_squeeze %dma_start3A_52 : memref<1x104x128xf32, #tpu.memory_space<hbm>> -> memref<104x128xf32, #tpu.memory_space<hbm>>
      tpu.enqueue_dma source(%arg9 : memref<104x128xf32, #tpu.memory_space<vmem>>) target(%dma_start3A_53 : memref<104x128xf32, #tpu.memory_space<hbm>>) target_semaphore(%run_scoped3A : memref<!tpu.dma_semaphore, #tpu.memory_space<semaphore_mem>>)
      %dma_wait3A = arith.constant 0 : i32
      %dma_wait3A_54 = tpu.memref_slice %arg5[%arg0, %add3A_35, %dma_wait3A] : memref<2x10000x128xf32, #tpu.memory_space<hbm>> -> memref<1x104x128xf32, #tpu.memory_space<hbm>>
      %dma_wait3A_55 = tpu.memref_squeeze %dma_wait3A_54 : memref<1x104x128xf32, #tpu.memory_space<hbm>> -> memref<104x128xf32, #tpu.memory_space<hbm>>
      %dma_wait3A_56 = arith.constant 0 : i32
      %dma_wait3A_57 = tpu.memref_slice %arg5[%arg0, %add3A_35, %dma_wait3A_56] : memref<2x10000x128xf32, #tpu.memory_space<hbm>> -> memref<1x104x128xf32, #tpu.memory_space<hbm>>
      %dma_wait3A_58 = tpu.memref_squeeze %dma_wait3A_57 : memref<1x104x128xf32, #tpu.memory_space<hbm>> -> memref<104x128xf32, #tpu.memory_space<hbm>>
      tpu.wait_dma2 semaphore(%run_scoped3A : memref<!tpu.dma_semaphore, #tpu.memory_space<semaphore_mem>>) src(%arg9 : memref<104x128xf32, #tpu.memory_space<vmem>>) dst(%dma_wait3A_58 : memref<104x128xf32, #tpu.memory_space<hbm>>)
      tpu.yield
    }) : () -> ()
    %add3A_36 = arith.constant 208 : i32
    %add3A_37 = arith.addi %mul3A_8, %add3A_36 : i32
    "tpu.region"() ({
      %run_scoped3A = tpu.sem_alloc : memref<!tpu.dma_semaphore, #tpu.memory_space<semaphore_mem>>
      %dma_start3A = arith.constant 0 : i32
      %dma_start3A_49 = tpu.memref_slice %arg10[%add3A_37, %dma_start3A] : memref<10000x128xf32, #tpu.memory_space<vmem_shared>> -> memref<104x128xf32, #tpu.memory_space<vmem_shared>>
      %dma_start3A_50 = arith.constant 0 : i32
      %dma_start3A_51 = tpu.memref_slice %arg10[%add3A_37, %dma_start3A_50] : memref<10000x128xf32, #tpu.memory_space<vmem_shared>> -> memref<104x128xf32, #tpu.memory_space<vmem_shared>>
      tpu.enqueue_dma source(%dma_start3A_51 : memref<104x128xf32, #tpu.memory_space<vmem_shared>>) target(%arg9 : memref<104x128xf32, #tpu.memory_space<vmem>>) target_semaphore(%run_scoped3A : memref<!tpu.dma_semaphore, #tpu.memory_space<semaphore_mem>>)
      %dma_wait3A = arith.constant 0 : i32
      %dma_wait3A_52 = tpu.memref_slice %arg10[%add3A_37, %dma_wait3A] : memref<10000x128xf32, #tpu.memory_space<vmem_shared>> -> memref<104x128xf32, #tpu.memory_space<vmem_shared>>
      %dma_wait3A_53 = arith.constant 0 : i32
      %dma_wait3A_54 = tpu.memref_slice %arg10[%add3A_37, %dma_wait3A_53] : memref<10000x128xf32, #tpu.memory_space<vmem_shared>> -> memref<104x128xf32, #tpu.memory_space<vmem_shared>>
      tpu.wait_dma2 semaphore(%run_scoped3A : memref<!tpu.dma_semaphore, #tpu.memory_space<semaphore_mem>>) src(%dma_wait3A_54 : memref<104x128xf32, #tpu.memory_space<vmem_shared>>) dst(%arg9 : memref<104x128xf32, #tpu.memory_space<vmem>>)
      tpu.yield
    }) : () -> ()
    "tpu.region"() ({
      %run_scoped3A = tpu.sem_alloc : memref<!tpu.dma_semaphore, #tpu.memory_space<semaphore_mem>>
      %dma_start3A = arith.constant 0 : i32
      %dma_start3A_49 = tpu.memref_slice %arg5[%arg0, %add3A_37, %dma_start3A] : memref<2x10000x128xf32, #tpu.memory_space<hbm>> -> memref<1x104x128xf32, #tpu.memory_space<hbm>>
      %dma_start3A_50 = tpu.memref_squeeze %dma_start3A_49 : memref<1x104x128xf32, #tpu.memory_space<hbm>> -> memref<104x128xf32, #tpu.memory_space<hbm>>
      %dma_start3A_51 = arith.constant 0 : i32
      %dma_start3A_52 = tpu.memref_slice %arg5[%arg0, %add3A_37, %dma_start3A_51] : memref<2x10000x128xf32, #tpu.memory_space<hbm>> -> memref<1x104x128xf32, #tpu.memory_space<hbm>>
      %dma_start3A_53 = tpu.memref_squeeze %dma_start3A_52 : memref<1x104x128xf32, #tpu.memory_space<hbm>> -> memref<104x128xf32, #tpu.memory_space<hbm>>
      tpu.enqueue_dma source(%arg9 : memref<104x128xf32, #tpu.memory_space<vmem>>) target(%dma_start3A_53 : memref<104x128xf32, #tpu.memory_space<hbm>>) target_semaphore(%run_scoped3A : memref<!tpu.dma_semaphore, #tpu.memory_space<semaphore_mem>>)
      %dma_wait3A = arith.constant 0 : i32
      %dma_wait3A_54 = tpu.memref_slice %arg5[%arg0, %add3A_37, %dma_wait3A] : memref<2x10000x128xf32, #tpu.memory_space<hbm>> -> memref<1x104x128xf32, #tpu.memory_space<hbm>>
      %dma_wait3A_55 = tpu.memref_squeeze %dma_wait3A_54 : memref<1x104x128xf32, #tpu.memory_space<hbm>> -> memref<104x128xf32, #tpu.memory_space<hbm>>
      %dma_wait3A_56 = arith.constant 0 : i32
      %dma_wait3A_57 = tpu.memref_slice %arg5[%arg0, %add3A_37, %dma_wait3A_56] : memref<2x10000x128xf32, #tpu.memory_space<hbm>> -> memref<1x104x128xf32, #tpu.memory_space<hbm>>
      %dma_wait3A_58 = tpu.memref_squeeze %dma_wait3A_57 : memref<1x104x128xf32, #tpu.memory_space<hbm>> -> memref<104x128xf32, #tpu.memory_space<hbm>>
      tpu.wait_dma2 semaphore(%run_scoped3A : memref<!tpu.dma_semaphore, #tpu.memory_space<semaphore_mem>>) src(%arg9 : memref<104x128xf32, #tpu.memory_space<vmem>>) dst(%dma_wait3A_58 : memref<104x128xf32, #tpu.memory_space<hbm>>)
      tpu.yield
    }) : () -> ()
    %add3A_38 = arith.constant 312 : i32
    %add3A_39 = arith.addi %mul3A_8, %add3A_38 : i32
    "tpu.region"() ({
      %run_scoped3A = tpu.sem_alloc : memref<!tpu.dma_semaphore, #tpu.memory_space<semaphore_mem>>
      %dma_start3A = arith.constant 0 : i32
      %dma_start3A_49 = tpu.memref_slice %arg10[%add3A_39, %dma_start3A] : memref<10000x128xf32, #tpu.memory_space<vmem_shared>> -> memref<104x128xf32, #tpu.memory_space<vmem_shared>>
      %dma_start3A_50 = arith.constant 0 : i32
      %dma_start3A_51 = tpu.memref_slice %arg10[%add3A_39, %dma_start3A_50] : memref<10000x128xf32, #tpu.memory_space<vmem_shared>> -> memref<104x128xf32, #tpu.memory_space<vmem_shared>>
      tpu.enqueue_dma source(%dma_start3A_51 : memref<104x128xf32, #tpu.memory_space<vmem_shared>>) target(%arg9 : memref<104x128xf32, #tpu.memory_space<vmem>>) target_semaphore(%run_scoped3A : memref<!tpu.dma_semaphore, #tpu.memory_space<semaphore_mem>>)
      %dma_wait3A = arith.constant 0 : i32
      %dma_wait3A_52 = tpu.memref_slice %arg10[%add3A_39, %dma_wait3A] : memref<10000x128xf32, #tpu.memory_space<vmem_shared>> -> memref<104x128xf32, #tpu.memory_space<vmem_shared>>
      %dma_wait3A_53 = arith.constant 0 : i32
      %dma_wait3A_54 = tpu.memref_slice %arg10[%add3A_39, %dma_wait3A_53] : memref<10000x128xf32, #tpu.memory_space<vmem_shared>> -> memref<104x128xf32, #tpu.memory_space<vmem_shared>>
      tpu.wait_dma2 semaphore(%run_scoped3A : memref<!tpu.dma_semaphore, #tpu.memory_space<semaphore_mem>>) src(%dma_wait3A_54 : memref<104x128xf32, #tpu.memory_space<vmem_shared>>) dst(%arg9 : memref<104x128xf32, #tpu.memory_space<vmem>>)
      tpu.yield
    }) : () -> ()
    "tpu.region"() ({
      %run_scoped3A = tpu.sem_alloc : memref<!tpu.dma_semaphore, #tpu.memory_space<semaphore_mem>>
      %dma_start3A = arith.constant 0 : i32
      %dma_start3A_49 = tpu.memref_slice %arg5[%arg0, %add3A_39, %dma_start3A] : memref<2x10000x128xf32, #tpu.memory_space<hbm>> -> memref<1x104x128xf32, #tpu.memory_space<hbm>>
      %dma_start3A_50 = tpu.memref_squeeze %dma_start3A_49 : memref<1x104x128xf32, #tpu.memory_space<hbm>> -> memref<104x128xf32, #tpu.memory_space<hbm>>
      %dma_start3A_51 = arith.constant 0 : i32
      %dma_start3A_52 = tpu.memref_slice %arg5[%arg0, %add3A_39, %dma_start3A_51] : memref<2x10000x128xf32, #tpu.memory_space<hbm>> -> memref<1x104x128xf32, #tpu.memory_space<hbm>>
      %dma_start3A_53 = tpu.memref_squeeze %dma_start3A_52 : memref<1x104x128xf32, #tpu.memory_space<hbm>> -> memref<104x128xf32, #tpu.memory_space<hbm>>
      tpu.enqueue_dma source(%arg9 : memref<104x128xf32, #tpu.memory_space<vmem>>) target(%dma_start3A_53 : memref<104x128xf32, #tpu.memory_space<hbm>>) target_semaphore(%run_scoped3A : memref<!tpu.dma_semaphore, #tpu.memory_space<semaphore_mem>>)
      %dma_wait3A = arith.constant 0 : i32
      %dma_wait3A_54 = tpu.memref_slice %arg5[%arg0, %add3A_39, %dma_wait3A] : memref<2x10000x128xf32, #tpu.memory_space<hbm>> -> memref<1x104x128xf32, #tpu.memory_space<hbm>>
      %dma_wait3A_55 = tpu.memref_squeeze %dma_wait3A_54 : memref<1x104x128xf32, #tpu.memory_space<hbm>> -> memref<104x128xf32, #tpu.memory_space<hbm>>
      %dma_wait3A_56 = arith.constant 0 : i32
      %dma_wait3A_57 = tpu.memref_slice %arg5[%arg0, %add3A_39, %dma_wait3A_56] : memref<2x10000x128xf32, #tpu.memory_space<hbm>> -> memref<1x104x128xf32, #tpu.memory_space<hbm>>
      %dma_wait3A_58 = tpu.memref_squeeze %dma_wait3A_57 : memref<1x104x128xf32, #tpu.memory_space<hbm>> -> memref<104x128xf32, #tpu.memory_space<hbm>>
      tpu.wait_dma2 semaphore(%run_scoped3A : memref<!tpu.dma_semaphore, #tpu.memory_space<semaphore_mem>>) src(%arg9 : memref<104x128xf32, #tpu.memory_space<vmem>>) dst(%dma_wait3A_58 : memref<104x128xf32, #tpu.memory_space<hbm>>)
      tpu.yield
    }) : () -> ()
    %add3A_40 = arith.constant 416 : i32
    %add3A_41 = arith.addi %mul3A_8, %add3A_40 : i32
    "tpu.region"() ({
      %run_scoped3A = tpu.sem_alloc : memref<!tpu.dma_semaphore, #tpu.memory_space<semaphore_mem>>
      %dma_start3A = arith.constant 0 : i32
      %dma_start3A_49 = tpu.memref_slice %arg10[%add3A_41, %dma_start3A] : memref<10000x128xf32, #tpu.memory_space<vmem_shared>> -> memref<104x128xf32, #tpu.memory_space<vmem_shared>>
      %dma_start3A_50 = arith.constant 0 : i32
      %dma_start3A_51 = tpu.memref_slice %arg10[%add3A_41, %dma_start3A_50] : memref<10000x128xf32, #tpu.memory_space<vmem_shared>> -> memref<104x128xf32, #tpu.memory_space<vmem_shared>>
      tpu.enqueue_dma source(%dma_start3A_51 : memref<104x128xf32, #tpu.memory_space<vmem_shared>>) target(%arg9 : memref<104x128xf32, #tpu.memory_space<vmem>>) target_semaphore(%run_scoped3A : memref<!tpu.dma_semaphore, #tpu.memory_space<semaphore_mem>>)
      %dma_wait3A = arith.constant 0 : i32
      %dma_wait3A_52 = tpu.memref_slice %arg10[%add3A_41, %dma_wait3A] : memref<10000x128xf32, #tpu.memory_space<vmem_shared>> -> memref<104x128xf32, #tpu.memory_space<vmem_shared>>
      %dma_wait3A_53 = arith.constant 0 : i32
      %dma_wait3A_54 = tpu.memref_slice %arg10[%add3A_41, %dma_wait3A_53] : memref<10000x128xf32, #tpu.memory_space<vmem_shared>> -> memref<104x128xf32, #tpu.memory_space<vmem_shared>>
      tpu.wait_dma2 semaphore(%run_scoped3A : memref<!tpu.dma_semaphore, #tpu.memory_space<semaphore_mem>>) src(%dma_wait3A_54 : memref<104x128xf32, #tpu.memory_space<vmem_shared>>) dst(%arg9 : memref<104x128xf32, #tpu.memory_space<vmem>>)
      tpu.yield
    }) : () -> ()
    "tpu.region"() ({
      %run_scoped3A = tpu.sem_alloc : memref<!tpu.dma_semaphore, #tpu.memory_space<semaphore_mem>>
      %dma_start3A = arith.constant 0 : i32
      %dma_start3A_49 = tpu.memref_slice %arg5[%arg0, %add3A_41, %dma_start3A] : memref<2x10000x128xf32, #tpu.memory_space<hbm>> -> memref<1x104x128xf32, #tpu.memory_space<hbm>>
      %dma_start3A_50 = tpu.memref_squeeze %dma_start3A_49 : memref<1x104x128xf32, #tpu.memory_space<hbm>> -> memref<104x128xf32, #tpu.memory_space<hbm>>
      %dma_start3A_51 = arith.constant 0 : i32
      %dma_start3A_52 = tpu.memref_slice %arg5[%arg0, %add3A_41, %dma_start3A_51] : memref<2x10000x128xf32, #tpu.memory_space<hbm>> -> memref<1x104x128xf32, #tpu.memory_space<hbm>>
      %dma_start3A_53 = tpu.memref_squeeze %dma_start3A_52 : memref<1x104x128xf32, #tpu.memory_space<hbm>> -> memref<104x128xf32, #tpu.memory_space<hbm>>
      tpu.enqueue_dma source(%arg9 : memref<104x128xf32, #tpu.memory_space<vmem>>) target(%dma_start3A_53 : memref<104x128xf32, #tpu.memory_space<hbm>>) target_semaphore(%run_scoped3A : memref<!tpu.dma_semaphore, #tpu.memory_space<semaphore_mem>>)
      %dma_wait3A = arith.constant 0 : i32
      %dma_wait3A_54 = tpu.memref_slice %arg5[%arg0, %add3A_41, %dma_wait3A] : memref<2x10000x128xf32, #tpu.memory_space<hbm>> -> memref<1x104x128xf32, #tpu.memory_space<hbm>>
      %dma_wait3A_55 = tpu.memref_squeeze %dma_wait3A_54 : memref<1x104x128xf32, #tpu.memory_space<hbm>> -> memref<104x128xf32, #tpu.memory_space<hbm>>
      %dma_wait3A_56 = arith.constant 0 : i32
      %dma_wait3A_57 = tpu.memref_slice %arg5[%arg0, %add3A_41, %dma_wait3A_56] : memref<2x10000x128xf32, #tpu.memory_space<hbm>> -> memref<1x104x128xf32, #tpu.memory_space<hbm>>
      %dma_wait3A_58 = tpu.memref_squeeze %dma_wait3A_57 : memref<1x104x128xf32, #tpu.memory_space<hbm>> -> memref<104x128xf32, #tpu.memory_space<hbm>>
      tpu.wait_dma2 semaphore(%run_scoped3A : memref<!tpu.dma_semaphore, #tpu.memory_space<semaphore_mem>>) src(%arg9 : memref<104x128xf32, #tpu.memory_space<vmem>>) dst(%dma_wait3A_58 : memref<104x128xf32, #tpu.memory_space<hbm>>)
      tpu.yield
    }) : () -> ()
    %add3A_42 = arith.constant 520 : i32
    %add3A_43 = arith.addi %mul3A_8, %add3A_42 : i32
    "tpu.region"() ({
      %run_scoped3A = tpu.sem_alloc : memref<!tpu.dma_semaphore, #tpu.memory_space<semaphore_mem>>
      %dma_start3A = arith.constant 0 : i32
      %dma_start3A_49 = tpu.memref_slice %arg10[%add3A_43, %dma_start3A] : memref<10000x128xf32, #tpu.memory_space<vmem_shared>> -> memref<104x128xf32, #tpu.memory_space<vmem_shared>>
      %dma_start3A_50 = arith.constant 0 : i32
      %dma_start3A_51 = tpu.memref_slice %arg10[%add3A_43, %dma_start3A_50] : memref<10000x128xf32, #tpu.memory_space<vmem_shared>> -> memref<104x128xf32, #tpu.memory_space<vmem_shared>>
      tpu.enqueue_dma source(%dma_start3A_51 : memref<104x128xf32, #tpu.memory_space<vmem_shared>>) target(%arg9 : memref<104x128xf32, #tpu.memory_space<vmem>>) target_semaphore(%run_scoped3A : memref<!tpu.dma_semaphore, #tpu.memory_space<semaphore_mem>>)
      %dma_wait3A = arith.constant 0 : i32
      %dma_wait3A_52 = tpu.memref_slice %arg10[%add3A_43, %dma_wait3A] : memref<10000x128xf32, #tpu.memory_space<vmem_shared>> -> memref<104x128xf32, #tpu.memory_space<vmem_shared>>
      %dma_wait3A_53 = arith.constant 0 : i32
      %dma_wait3A_54 = tpu.memref_slice %arg10[%add3A_43, %dma_wait3A_53] : memref<10000x128xf32, #tpu.memory_space<vmem_shared>> -> memref<104x128xf32, #tpu.memory_space<vmem_shared>>
      tpu.wait_dma2 semaphore(%run_scoped3A : memref<!tpu.dma_semaphore, #tpu.memory_space<semaphore_mem>>) src(%dma_wait3A_54 : memref<104x128xf32, #tpu.memory_space<vmem_shared>>) dst(%arg9 : memref<104x128xf32, #tpu.memory_space<vmem>>)
      tpu.yield
    }) : () -> ()
    "tpu.region"() ({
      %run_scoped3A = tpu.sem_alloc : memref<!tpu.dma_semaphore, #tpu.memory_space<semaphore_mem>>
      %dma_start3A = arith.constant 0 : i32
      %dma_start3A_49 = tpu.memref_slice %arg5[%arg0, %add3A_43, %dma_start3A] : memref<2x10000x128xf32, #tpu.memory_space<hbm>> -> memref<1x104x128xf32, #tpu.memory_space<hbm>>
      %dma_start3A_50 = tpu.memref_squeeze %dma_start3A_49 : memref<1x104x128xf32, #tpu.memory_space<hbm>> -> memref<104x128xf32, #tpu.memory_space<hbm>>
      %dma_start3A_51 = arith.constant 0 : i32
      %dma_start3A_52 = tpu.memref_slice %arg5[%arg0, %add3A_43, %dma_start3A_51] : memref<2x10000x128xf32, #tpu.memory_space<hbm>> -> memref<1x104x128xf32, #tpu.memory_space<hbm>>
      %dma_start3A_53 = tpu.memref_squeeze %dma_start3A_52 : memref<1x104x128xf32, #tpu.memory_space<hbm>> -> memref<104x128xf32, #tpu.memory_space<hbm>>
      tpu.enqueue_dma source(%arg9 : memref<104x128xf32, #tpu.memory_space<vmem>>) target(%dma_start3A_53 : memref<104x128xf32, #tpu.memory_space<hbm>>) target_semaphore(%run_scoped3A : memref<!tpu.dma_semaphore, #tpu.memory_space<semaphore_mem>>)
      %dma_wait3A = arith.constant 0 : i32
      %dma_wait3A_54 = tpu.memref_slice %arg5[%arg0, %add3A_43, %dma_wait3A] : memref<2x10000x128xf32, #tpu.memory_space<hbm>> -> memref<1x104x128xf32, #tpu.memory_space<hbm>>
      %dma_wait3A_55 = tpu.memref_squeeze %dma_wait3A_54 : memref<1x104x128xf32, #tpu.memory_space<hbm>> -> memref<104x128xf32, #tpu.memory_space<hbm>>
      %dma_wait3A_56 = arith.constant 0 : i32
      %dma_wait3A_57 = tpu.memref_slice %arg5[%arg0, %add3A_43, %dma_wait3A_56] : memref<2x10000x128xf32, #tpu.memory_space<hbm>> -> memref<1x104x128xf32, #tpu.memory_space<hbm>>
      %dma_wait3A_58 = tpu.memref_squeeze %dma_wait3A_57 : memref<1x104x128xf32, #tpu.memory_space<hbm>> -> memref<104x128xf32, #tpu.memory_space<hbm>>
      tpu.wait_dma2 semaphore(%run_scoped3A : memref<!tpu.dma_semaphore, #tpu.memory_space<semaphore_mem>>) src(%arg9 : memref<104x128xf32, #tpu.memory_space<vmem>>) dst(%dma_wait3A_58 : memref<104x128xf32, #tpu.memory_space<hbm>>)
      tpu.yield
    }) : () -> ()
    %eq3A_44 = arith.constant 15 : i32
    %eq3A_45 = arith.cmpi eq, %arg1, %eq3A_44 : i32
    %convert_element_type3A_46 = arith.extui %eq3A_45 : i1 to i32
    %cond3A_47 = arith.constant 0 : i32
    %cond3A_48 = arith.cmpi ne, %convert_element_type3A_46, %cond3A_47 : i32
    scf.if %cond3A_48 {
      "tpu.region"() ({
        %run_scoped3A = tpu.sem_alloc : memref<!tpu.dma_semaphore, #tpu.memory_space<semaphore_mem>>
        %dma_start3A = arith.constant 0 : i32
        %dma_start3A_49 = arith.constant 0 : i32
        %dma_start3A_50 = tpu.memref_slice %arg9[%dma_start3A, %dma_start3A_49] : memref<104x128xf32, #tpu.memory_space<vmem>> -> memref<16x128xf32, #tpu.memory_space<vmem>>
        %dma_start3A_51 = arith.constant 9984 : i32
        %dma_start3A_52 = arith.constant 0 : i32
        %dma_start3A_53 = tpu.memref_slice %arg10[%dma_start3A_51, %dma_start3A_52] : memref<10000x128xf32, #tpu.memory_space<vmem_shared>> -> memref<16x128xf32, #tpu.memory_space<vmem_shared>>
        %dma_start3A_54 = arith.constant 0 : i32
        %dma_start3A_55 = arith.constant 0 : i32
        %dma_start3A_56 = tpu.memref_slice %arg9[%dma_start3A_54, %dma_start3A_55] : memref<104x128xf32, #tpu.memory_space<vmem>> -> memref<16x128xf32, #tpu.memory_space<vmem>>
        %dma_start3A_57 = arith.constant 9984 : i32
        %dma_start3A_58 = arith.constant 0 : i32
        %dma_start3A_59 = tpu.memref_slice %arg10[%dma_start3A_57, %dma_start3A_58] : memref<10000x128xf32, #tpu.memory_space<vmem_shared>> -> memref<16x128xf32, #tpu.memory_space<vmem_shared>>
        tpu.enqueue_dma source(%dma_start3A_59 : memref<16x128xf32, #tpu.memory_space<vmem_shared>>) target(%dma_start3A_56 : memref<16x128xf32, #tpu.memory_space<vmem>>) target_semaphore(%run_scoped3A : memref<!tpu.dma_semaphore, #tpu.memory_space<semaphore_mem>>)
        %dma_wait3A = arith.constant 0 : i32
        %dma_wait3A_60 = arith.constant 0 : i32
        %dma_wait3A_61 = tpu.memref_slice %arg9[%dma_wait3A, %dma_wait3A_60] : memref<104x128xf32, #tpu.memory_space<vmem>> -> memref<16x128xf32, #tpu.memory_space<vmem>>
        %dma_wait3A_62 = arith.constant 9984 : i32
        %dma_wait3A_63 = arith.constant 0 : i32
        %dma_wait3A_64 = tpu.memref_slice %arg10[%dma_wait3A_62, %dma_wait3A_63] : memref<10000x128xf32, #tpu.memory_space<vmem_shared>> -> memref<16x128xf32, #tpu.memory_space<vmem_shared>>
        %dma_wait3A_65 = arith.constant 0 : i32
        %dma_wait3A_66 = arith.constant 0 : i32
        %dma_wait3A_67 = tpu.memref_slice %arg9[%dma_wait3A_65, %dma_wait3A_66] : memref<104x128xf32, #tpu.memory_space<vmem>> -> memref<16x128xf32, #tpu.memory_space<vmem>>
        %dma_wait3A_68 = arith.constant 9984 : i32
        %dma_wait3A_69 = arith.constant 0 : i32
        %dma_wait3A_70 = tpu.memref_slice %arg10[%dma_wait3A_68, %dma_wait3A_69] : memref<10000x128xf32, #tpu.memory_space<vmem_shared>> -> memref<16x128xf32, #tpu.memory_space<vmem_shared>>
        tpu.wait_dma2 semaphore(%run_scoped3A : memref<!tpu.dma_semaphore, #tpu.memory_space<semaphore_mem>>) src(%dma_wait3A_70 : memref<16x128xf32, #tpu.memory_space<vmem_shared>>) dst(%dma_wait3A_67 : memref<16x128xf32, #tpu.memory_space<vmem>>)
        tpu.yield
      }) : () -> ()
      "tpu.region"() ({
        %run_scoped3A = tpu.sem_alloc : memref<!tpu.dma_semaphore, #tpu.memory_space<semaphore_mem>>
        %dma_start3A = arith.constant 0 : i32
        %dma_start3A_49 = arith.constant 0 : i32
        %dma_start3A_50 = tpu.memref_slice %arg9[%dma_start3A, %dma_start3A_49] : memref<104x128xf32, #tpu.memory_space<vmem>> -> memref<16x128xf32, #tpu.memory_space<vmem>>
        %dma_start3A_51 = arith.constant 9984 : i32
        %dma_start3A_52 = arith.constant 0 : i32
        %dma_start3A_53 = tpu.memref_slice %arg5[%arg0, %dma_start3A_51, %dma_start3A_52] : memref<2x10000x128xf32, #tpu.memory_space<hbm>> -> memref<1x16x128xf32, #tpu.memory_space<hbm>>
        %dma_start3A_54 = tpu.memref_squeeze %dma_start3A_53 : memref<1x16x128xf32, #tpu.memory_space<hbm>> -> memref<16x128xf32, #tpu.memory_space<hbm>>
        %dma_start3A_55 = arith.constant 9984 : i32
        %dma_start3A_56 = arith.constant 0 : i32
        %dma_start3A_57 = tpu.memref_slice %arg5[%arg0, %dma_start3A_55, %dma_start3A_56] : memref<2x10000x128xf32, #tpu.memory_space<hbm>> -> memref<1x16x128xf32, #tpu.memory_space<hbm>>
        %dma_start3A_58 = tpu.memref_squeeze %dma_start3A_57 : memref<1x16x128xf32, #tpu.memory_space<hbm>> -> memref<16x128xf32, #tpu.memory_space<hbm>>
        %dma_start3A_59 = arith.constant 0 : i32
        %dma_start3A_60 = arith.constant 0 : i32
        %dma_start3A_61 = tpu.memref_slice %arg9[%dma_start3A_59, %dma_start3A_60] : memref<104x128xf32, #tpu.memory_space<vmem>> -> memref<16x128xf32, #tpu.memory_space<vmem>>
        tpu.enqueue_dma source(%dma_start3A_61 : memref<16x128xf32, #tpu.memory_space<vmem>>) target(%dma_start3A_58 : memref<16x128xf32, #tpu.memory_space<hbm>>) target_semaphore(%run_scoped3A : memref<!tpu.dma_semaphore, #tpu.memory_space<semaphore_mem>>)
        %dma_wait3A = arith.constant 0 : i32
        %dma_wait3A_62 = arith.constant 0 : i32
        %dma_wait3A_63 = tpu.memref_slice %arg9[%dma_wait3A, %dma_wait3A_62] : memref<104x128xf32, #tpu.memory_space<vmem>> -> memref<16x128xf32, #tpu.memory_space<vmem>>
        %dma_wait3A_64 = arith.constant 9984 : i32
        %dma_wait3A_65 = arith.constant 0 : i32
        %dma_wait3A_66 = tpu.memref_slice %arg5[%arg0, %dma_wait3A_64, %dma_wait3A_65] : memref<2x10000x128xf32, #tpu.memory_space<hbm>> -> memref<1x16x128xf32, #tpu.memory_space<hbm>>
        %dma_wait3A_67 = tpu.memref_squeeze %dma_wait3A_66 : memref<1x16x128xf32, #tpu.memory_space<hbm>> -> memref<16x128xf32, #tpu.memory_space<hbm>>
        %dma_wait3A_68 = arith.constant 9984 : i32
        %dma_wait3A_69 = arith.constant 0 : i32
        %dma_wait3A_70 = tpu.memref_slice %arg5[%arg0, %dma_wait3A_68, %dma_wait3A_69] : memref<2x10000x128xf32, #tpu.memory_space<hbm>> -> memref<1x16x128xf32, #tpu.memory_space<hbm>>
        %dma_wait3A_71 = tpu.memref_squeeze %dma_wait3A_70 : memref<1x16x128xf32, #tpu.memory_space<hbm>> -> memref<16x128xf32, #tpu.memory_space<hbm>>
        %dma_wait3A_72 = arith.constant 0 : i32
        %dma_wait3A_73 = arith.constant 0 : i32
        %dma_wait3A_74 = tpu.memref_slice %arg9[%dma_wait3A_72, %dma_wait3A_73] : memref<104x128xf32, #tpu.memory_space<vmem>> -> memref<16x128xf32, #tpu.memory_space<vmem>>
        tpu.wait_dma2 semaphore(%run_scoped3A : memref<!tpu.dma_semaphore, #tpu.memory_space<semaphore_mem>>) src(%dma_wait3A_74 : memref<16x128xf32, #tpu.memory_space<vmem>>) dst(%dma_wait3A_71 : memref<16x128xf32, #tpu.memory_space<hbm>>)
        tpu.yield
      }) : () -> ()
    } else {
    }
    return
  }
}

#map = affine_map<(d0, d1) -> (0, 0)>
#map1 = affine_map<(d0, d1) -> (0, 0, 0)>
module attributes {stable_mosaic.version = 14 : i64} {
  func.func @_sc_aggregate(%arg0: i32, %arg1: i32, %arg2: memref<10000x128xf32, #tpu.memory_space<hbm>>, %arg3: memref<2560x125xi32, #tpu.memory_space<hbm>>, %arg4: memref<2560x125xi32, #tpu.memory_space<hbm>>, %arg5: memref<2x10000x128xf32, #tpu.memory_space<hbm>>, %arg6: memref<80x125xi32, #tpu.memory_space<vmem>>, %arg7: memref<80x125xi32, #tpu.memory_space<vmem>>, %arg8: memref<125x128xf32, #tpu.memory_space<vmem>>, %arg9: memref<104x128xf32, #tpu.memory_space<vmem>>, %arg10: memref<10000x128xf32, #tpu.memory_space<vmem_shared>>, %arg11: memref<!tpu.dma_semaphore, #tpu.memory_space<semaphore_mem>>) attributes {dimension_semantics = [#tpu.dimension_semantics<core_parallel>, #tpu.dimension_semantics<subcore_parallel>], iteration_bounds = array<i64: 2, 16>, scalar_prefetch = 0 : i64, scratch_operands = 6 : i64, tpu.core_type = #tpu.core_type<sc_vector_subcore>, window_params = [{transform_indices = #map}, {transform_indices = #map}, {transform_indices = #map}, {transform_indices = #map1}]} {
    %mul3A = arith.constant 16 : i32
    %mul3A_0 = arith.muli %arg0, %mul3A : i32
    %add3A = arith.addi %mul3A_0, %arg1 : i32
    %broadcast_in_dim3A = arith.constant 0.000000e+00 : f32
    %broadcast_in_dim3A_1 = vector.broadcast %broadcast_in_dim3A : f32 to vector<16xf32>
    %scan3A = arith.constant 0 : i32
    %scan3A_2 = arith.constant 0 : i32
    %scan3A_3 = arith.constant 104 : i32
    %scan3A_4 = arith.addi %scan3A_2, %scan3A_3 : i32
    %scan3A_5 = arith.constant 1 : i32
    scf.for %scan3A_49 = %scan3A_2 to %scan3A_4 step %scan3A_5  : i32 {
      %swap3A = arith.index_cast %scan3A_49 : i32 to index
      %swap3A_50 = arith.constant 0 : index
      %swap3A_51 = tpu.vector_load %arg9[%swap3A, %swap3A_50] {strides = array<i32>} : memref<104x128xf32, #tpu.memory_space<vmem>>, vector<1x16xf32>,
      %swap3A_52 = vector.shape_cast %swap3A_51 : vector<1x16xf32> to vector<16xf32>
      %swap3A_53 = vector.shape_cast %broadcast_in_dim3A_1 : vector<16xf32> to vector<1x16xf32>
      tpu.vector_store %arg9[%swap3A, %swap3A_50], %swap3A_53 {strides = array<i32>} : memref<104x128xf32, #tpu.memory_space<vmem>>, vector<1x16xf32>,
      %swap3A_54 = arith.index_cast %scan3A_49 : i32 to index
      %swap3A_55 = arith.constant 16 : index
      %swap3A_56 = tpu.vector_load %arg9[%swap3A_54, %swap3A_55] {strides = array<i32>} : memref<104x128xf32, #tpu.memory_space<vmem>>, vector<1x16xf32>,
      %swap3A_57 = vector.shape_cast %swap3A_56 : vector<1x16xf32> to vector<16xf32>
      %swap3A_58 = vector.shape_cast %broadcast_in_dim3A_1 : vector<16xf32> to vector<1x16xf32>
      tpu.vector_store %arg9[%swap3A_54, %swap3A_55], %swap3A_58 {strides = array<i32>} : memref<104x128xf32, #tpu.memory_space<vmem>>, vector<1x16xf32>,
      %swap3A_59 = arith.index_cast %scan3A_49 : i32 to index
      %swap3A_60 = arith.constant 32 : index
      %swap3A_61 = tpu.vector_load %arg9[%swap3A_59, %swap3A_60] {strides = array<i32>} : memref<104x128xf32, #tpu.memory_space<vmem>>, vector<1x16xf32>,
      %swap3A_62 = vector.shape_cast %swap3A_61 : vector<1x16xf32> to vector<16xf32>
      %swap3A_63 = vector.shape_cast %broadcast_in_dim3A_1 : vector<16xf32> to vector<1x16xf32>
      tpu.vector_store %arg9[%swap3A_59, %swap3A_60], %swap3A_63 {strides = array<i32>} : memref<104x128xf32, #tpu.memory_space<vmem>>, vector<1x16xf32>,
      %swap3A_64 = arith.index_cast %scan3A_49 : i32 to index
      %swap3A_65 = arith.constant 48 : index
      %swap3A_66 = tpu.vector_load %arg9[%swap3A_64, %swap3A_65] {strides = array<i32>} : memref<104x128xf32, #tpu.memory_space<vmem>>, vector<1x16xf32>,
      %swap3A_67 = vector.shape_cast %swap3A_66 : vector<1x16xf32> to vector<16xf32>
      %swap3A_68 = vector.shape_cast %broadcast_in_dim3A_1 : vector<16xf32> to vector<1x16xf32>
      tpu.vector_store %arg9[%swap3A_64, %swap3A_65], %swap3A_68 {strides = array<i32>} : memref<104x128xf32, #tpu.memory_space<vmem>>, vector<1x16xf32>,
      %swap3A_69 = arith.index_cast %scan3A_49 : i32 to index
      %swap3A_70 = arith.constant 64 : index
      %swap3A_71 = tpu.vector_load %arg9[%swap3A_69, %swap3A_70] {strides = array<i32>} : memref<104x128xf32, #tpu.memory_space<vmem>>, vector<1x16xf32>,
      %swap3A_72 = vector.shape_cast %swap3A_71 : vector<1x16xf32> to vector<16xf32>
      %swap3A_73 = vector.shape_cast %broadcast_in_dim3A_1 : vector<16xf32> to vector<1x16xf32>
      tpu.vector_store %arg9[%swap3A_69, %swap3A_70], %swap3A_73 {strides = array<i32>} : memref<104x128xf32, #tpu.memory_space<vmem>>, vector<1x16xf32>,
      %swap3A_74 = arith.index_cast %scan3A_49 : i32 to index
      %swap3A_75 = arith.constant 80 : index
      %swap3A_76 = tpu.vector_load %arg9[%swap3A_74, %swap3A_75] {strides = array<i32>} : memref<104x128xf32, #tpu.memory_space<vmem>>, vector<1x16xf32>,
      %swap3A_77 = vector.shape_cast %swap3A_76 : vector<1x16xf32> to vector<16xf32>
      %swap3A_78 = vector.shape_cast %broadcast_in_dim3A_1 : vector<16xf32> to vector<1x16xf32>
      tpu.vector_store %arg9[%swap3A_74, %swap3A_75], %swap3A_78 {strides = array<i32>} : memref<104x128xf32, #tpu.memory_space<vmem>>, vector<1x16xf32>,
      %swap3A_79 = arith.index_cast %scan3A_49 : i32 to index
      %swap3A_80 = arith.constant 96 : index
      %swap3A_81 = tpu.vector_load %arg9[%swap3A_79, %swap3A_80] {strides = array<i32>} : memref<104x128xf32, #tpu.memory_space<vmem>>, vector<1x16xf32>,
      %swap3A_82 = vector.shape_cast %swap3A_81 : vector<1x16xf32> to vector<16xf32>
      %swap3A_83 = vector.shape_cast %broadcast_in_dim3A_1 : vector<16xf32> to vector<1x16xf32>
      tpu.vector_store %arg9[%swap3A_79, %swap3A_80], %swap3A_83 {strides = array<i32>} : memref<104x128xf32, #tpu.memory_space<vmem>>, vector<1x16xf32>,
      %swap3A_84 = arith.index_cast %scan3A_49 : i32 to index
      %swap3A_85 = arith.constant 112 : index
      %swap3A_86 = tpu.vector_load %arg9[%swap3A_84, %swap3A_85] {strides = array<i32>} : memref<104x128xf32, #tpu.memory_space<vmem>>, vector<1x16xf32>,
      %swap3A_87 = vector.shape_cast %swap3A_86 : vector<1x16xf32> to vector<16xf32>
      %swap3A_88 = vector.shape_cast %broadcast_in_dim3A_1 : vector<16xf32> to vector<1x16xf32>
      tpu.vector_store %arg9[%swap3A_84, %swap3A_85], %swap3A_88 {strides = array<i32>} : memref<104x128xf32, #tpu.memory_space<vmem>>, vector<1x16xf32>,
    }
    %scan3A_6 = arith.constant 104 : i32
    %mul3A_7 = arith.constant 624 : i32
    %mul3A_8 = arith.muli %arg1, %mul3A_7 : i32
    %add3A_9 = arith.constant 0 : i32
    %add3A_10 = arith.addi %mul3A_8, %add3A_9 : i32
    "tpu.region"() ({
      %run_scoped3A = tpu.sem_alloc : memref<!tpu.dma_semaphore, #tpu.memory_space<semaphore_mem>>
      %dma_start3A = arith.constant 0 : i32
      %dma_start3A_49 = tpu.memref_slice %arg10[%add3A_10, %dma_start3A] : memref<10000x128xf32, #tpu.memory_space<vmem_shared>> -> memref<104x128xf32, #tpu.memory_space<vmem_shared>>
      %dma_start3A_50 = arith.constant 0 : i32
      %dma_start3A_51 = tpu.memref_slice %arg10[%add3A_10, %dma_start3A_50] : memref<10000x128xf32, #tpu.memory_space<vmem_shared>> -> memref<104x128xf32, #tpu.memory_space<vmem_shared>>
      tpu.enqueue_dma source(%arg9 : memref<104x128xf32, #tpu.memory_space<vmem>>) target(%dma_start3A_51 : memref<104x128xf32, #tpu.memory_space<vmem_shared>>) target_semaphore(%run_scoped3A : memref<!tpu.dma_semaphore, #tpu.memory_space<semaphore_mem>>)
      %dma_wait3A = arith.constant 0 : i32
      %dma_wait3A_52 = tpu.memref_slice %arg10[%add3A_10, %dma_wait3A] : memref<10000x128xf32, #tpu.memory_space<vmem_shared>> -> memref<104x128xf32, #tpu.memory_space<vmem_shared>>
      %dma_wait3A_53 = arith.constant 0 : i32
      %dma_wait3A_54 = tpu.memref_slice %arg10[%add3A_10, %dma_wait3A_53] : memref<10000x128xf32, #tpu.memory_space<vmem_shared>> -> memref<104x128xf32, #tpu.memory_space<vmem_shared>>
      tpu.wait_dma2 semaphore(%run_scoped3A : memref<!tpu.dma_semaphore, #tpu.memory_space<semaphore_mem>>) src(%arg9 : memref<104x128xf32, #tpu.memory_space<vmem>>) dst(%dma_wait3A_54 : memref<104x128xf32, #tpu.memory_space<vmem_shared>>)
      tpu.yield
    }) : () -> ()
    %add3A_11 = arith.constant 104 : i32
    %add3A_12 = arith.addi %mul3A_8, %add3A_11 : i32
    "tpu.region"() ({
      %run_scoped3A = tpu.sem_alloc : memref<!tpu.dma_semaphore, #tpu.memory_space<semaphore_mem>>
      %dma_start3A = arith.constant 0 : i32
      %dma_start3A_49 = tpu.memref_slice %arg10[%add3A_12, %dma_start3A] : memref<10000x128xf32, #tpu.memory_space<vmem_shared>> -> memref<104x128xf32, #tpu.memory_space<vmem_shared>>
      %dma_start3A_50 = arith.constant 0 : i32
      %dma_start3A_51 = tpu.memref_slice %arg10[%add3A_12, %dma_start3A_50] : memref<10000x128xf32, #tpu.memory_space<vmem_shared>> -> memref<104x128xf32, #tpu.memory_space<vmem_shared>>
      tpu.enqueue_dma source(%arg9 : memref<104x128xf32, #tpu.memory_space<vmem>>) target(%dma_start3A_51 : memref<104x128xf32, #tpu.memory_space<vmem_shared>>) target_semaphore(%run_scoped3A : memref<!tpu.dma_semaphore, #tpu.memory_space<semaphore_mem>>)
      %dma_wait3A = arith.constant 0 : i32
      %dma_wait3A_52 = tpu.memref_slice %arg10[%add3A_12, %dma_wait3A] : memref<10000x128xf32, #tpu.memory_space<vmem_shared>> -> memref<104x128xf32, #tpu.memory_space<vmem_shared>>
      %dma_wait3A_53 = arith.constant 0 : i32
      %dma_wait3A_54 = tpu.memref_slice %arg10[%add3A_12, %dma_wait3A_53] : memref<10000x128xf32, #tpu.memory_space<vmem_shared>> -> memref<104x128xf32, #tpu.memory_space<vmem_shared>>
      tpu.wait_dma2 semaphore(%run_scoped3A : memref<!tpu.dma_semaphore, #tpu.memory_space<semaphore_mem>>) src(%arg9 : memref<104x128xf32, #tpu.memory_space<vmem>>) dst(%dma_wait3A_54 : memref<104x128xf32, #tpu.memory_space<vmem_shared>>)
      tpu.yield
    }) : () -> ()
    %add3A_13 = arith.constant 208 : i32
    %add3A_14 = arith.addi %mul3A_8, %add3A_13 : i32
    "tpu.region"() ({
      %run_scoped3A = tpu.sem_alloc : memref<!tpu.dma_semaphore, #tpu.memory_space<semaphore_mem>>
      %dma_start3A = arith.constant 0 : i32
      %dma_start3A_49 = tpu.memref_slice %arg10[%add3A_14, %dma_start3A] : memref<10000x128xf32, #tpu.memory_space<vmem_shared>> -> memref<104x128xf32, #tpu.memory_space<vmem_shared>>
      %dma_start3A_50 = arith.constant 0 : i32
      %dma_start3A_51 = tpu.memref_slice %arg10[%add3A_14, %dma_start3A_50] : memref<10000x128xf32, #tpu.memory_space<vmem_shared>> -> memref<104x128xf32, #tpu.memory_space<vmem_shared>>
      tpu.enqueue_dma source(%arg9 : memref<104x128xf32, #tpu.memory_space<vmem>>) target(%dma_start3A_51 : memref<104x128xf32, #tpu.memory_space<vmem_shared>>) target_semaphore(%run_scoped3A : memref<!tpu.dma_semaphore, #tpu.memory_space<semaphore_mem>>)
      %dma_wait3A = arith.constant 0 : i32
      %dma_wait3A_52 = tpu.memref_slice %arg10[%add3A_14, %dma_wait3A] : memref<10000x128xf32, #tpu.memory_space<vmem_shared>> -> memref<104x128xf32, #tpu.memory_space<vmem_shared>>
      %dma_wait3A_53 = arith.constant 0 : i32
      %dma_wait3A_54 = tpu.memref_slice %arg10[%add3A_14, %dma_wait3A_53] : memref<10000x128xf32, #tpu.memory_space<vmem_shared>> -> memref<104x128xf32, #tpu.memory_space<vmem_shared>>
      tpu.wait_dma2 semaphore(%run_scoped3A : memref<!tpu.dma_semaphore, #tpu.memory_space<semaphore_mem>>) src(%arg9 : memref<104x128xf32, #tpu.memory_space<vmem>>) dst(%dma_wait3A_54 : memref<104x128xf32, #tpu.memory_space<vmem_shared>>)
      tpu.yield
    }) : () -> ()
    %add3A_15 = arith.constant 312 : i32
    %add3A_16 = arith.addi %mul3A_8, %add3A_15 : i32
    "tpu.region"() ({
      %run_scoped3A = tpu.sem_alloc : memref<!tpu.dma_semaphore, #tpu.memory_space<semaphore_mem>>
      %dma_start3A = arith.constant 0 : i32
      %dma_start3A_49 = tpu.memref_slice %arg10[%add3A_16, %dma_start3A] : memref<10000x128xf32, #tpu.memory_space<vmem_shared>> -> memref<104x128xf32, #tpu.memory_space<vmem_shared>>
      %dma_start3A_50 = arith.constant 0 : i32
      %dma_start3A_51 = tpu.memref_slice %arg10[%add3A_16, %dma_start3A_50] : memref<10000x128xf32, #tpu.memory_space<vmem_shared>> -> memref<104x128xf32, #tpu.memory_space<vmem_shared>>
      tpu.enqueue_dma source(%arg9 : memref<104x128xf32, #tpu.memory_space<vmem>>) target(%dma_start3A_51 : memref<104x128xf32, #tpu.memory_space<vmem_shared>>) target_semaphore(%run_scoped3A : memref<!tpu.dma_semaphore, #tpu.memory_space<semaphore_mem>>)
      %dma_wait3A = arith.constant 0 : i32
      %dma_wait3A_52 = tpu.memref_slice %arg10[%add3A_16, %dma_wait3A] : memref<10000x128xf32, #tpu.memory_space<vmem_shared>> -> memref<104x128xf32, #tpu.memory_space<vmem_shared>>
      %dma_wait3A_53 = arith.constant 0 : i32
      %dma_wait3A_54 = tpu.memref_slice %arg10[%add3A_16, %dma_wait3A_53] : memref<10000x128xf32, #tpu.memory_space<vmem_shared>> -> memref<104x128xf32, #tpu.memory_space<vmem_shared>>
      tpu.wait_dma2 semaphore(%run_scoped3A : memref<!tpu.dma_semaphore, #tpu.memory_space<semaphore_mem>>) src(%arg9 : memref<104x128xf32, #tpu.memory_space<vmem>>) dst(%dma_wait3A_54 : memref<104x128xf32, #tpu.memory_space<vmem_shared>>)
      tpu.yield
    }) : () -> ()
    %add3A_17 = arith.constant 416 : i32
    %add3A_18 = arith.addi %mul3A_8, %add3A_17 : i32
    "tpu.region"() ({
      %run_scoped3A = tpu.sem_alloc : memref<!tpu.dma_semaphore, #tpu.memory_space<semaphore_mem>>
      %dma_start3A = arith.constant 0 : i32
      %dma_start3A_49 = tpu.memref_slice %arg10[%add3A_18, %dma_start3A] : memref<10000x128xf32, #tpu.memory_space<vmem_shared>> -> memref<104x128xf32, #tpu.memory_space<vmem_shared>>
      %dma_start3A_50 = arith.constant 0 : i32
      %dma_start3A_51 = tpu.memref_slice %arg10[%add3A_18, %dma_start3A_50] : memref<10000x128xf32, #tpu.memory_space<vmem_shared>> -> memref<104x128xf32, #tpu.memory_space<vmem_shared>>
      tpu.enqueue_dma source(%arg9 : memref<104x128xf32, #tpu.memory_space<vmem>>) target(%dma_start3A_51 : memref<104x128xf32, #tpu.memory_space<vmem_shared>>) target_semaphore(%run_scoped3A : memref<!tpu.dma_semaphore, #tpu.memory_space<semaphore_mem>>)
      %dma_wait3A = arith.constant 0 : i32
      %dma_wait3A_52 = tpu.memref_slice %arg10[%add3A_18, %dma_wait3A] : memref<10000x128xf32, #tpu.memory_space<vmem_shared>> -> memref<104x128xf32, #tpu.memory_space<vmem_shared>>
      %dma_wait3A_53 = arith.constant 0 : i32
      %dma_wait3A_54 = tpu.memref_slice %arg10[%add3A_18, %dma_wait3A_53] : memref<10000x128xf32, #tpu.memory_space<vmem_shared>> -> memref<104x128xf32, #tpu.memory_space<vmem_shared>>
      tpu.wait_dma2 semaphore(%run_scoped3A : memref<!tpu.dma_semaphore, #tpu.memory_space<semaphore_mem>>) src(%arg9 : memref<104x128xf32, #tpu.memory_space<vmem>>) dst(%dma_wait3A_54 : memref<104x128xf32, #tpu.memory_space<vmem_shared>>)
      tpu.yield
    }) : () -> ()
    %add3A_19 = arith.constant 520 : i32
    %add3A_20 = arith.addi %mul3A_8, %add3A_19 : i32
    "tpu.region"() ({
      %run_scoped3A = tpu.sem_alloc : memref<!tpu.dma_semaphore, #tpu.memory_space<semaphore_mem>>
      %dma_start3A = arith.constant 0 : i32
      %dma_start3A_49 = tpu.memref_slice %arg10[%add3A_20, %dma_start3A] : memref<10000x128xf32, #tpu.memory_space<vmem_shared>> -> memref<104x128xf32, #tpu.memory_space<vmem_shared>>
      %dma_start3A_50 = arith.constant 0 : i32
      %dma_start3A_51 = tpu.memref_slice %arg10[%add3A_20, %dma_start3A_50] : memref<10000x128xf32, #tpu.memory_space<vmem_shared>> -> memref<104x128xf32, #tpu.memory_space<vmem_shared>>
      tpu.enqueue_dma source(%arg9 : memref<104x128xf32, #tpu.memory_space<vmem>>) target(%dma_start3A_51 : memref<104x128xf32, #tpu.memory_space<vmem_shared>>) target_semaphore(%run_scoped3A : memref<!tpu.dma_semaphore, #tpu.memory_space<semaphore_mem>>)
      %dma_wait3A = arith.constant 0 : i32
      %dma_wait3A_52 = tpu.memref_slice %arg10[%add3A_20, %dma_wait3A] : memref<10000x128xf32, #tpu.memory_space<vmem_shared>> -> memref<104x128xf32, #tpu.memory_space<vmem_shared>>
      %dma_wait3A_53 = arith.constant 0 : i32
      %dma_wait3A_54 = tpu.memref_slice %arg10[%add3A_20, %dma_wait3A_53] : memref<10000x128xf32, #tpu.memory_space<vmem_shared>> -> memref<104x128xf32, #tpu.memory_space<vmem_shared>>
      tpu.wait_dma2 semaphore(%run_scoped3A : memref<!tpu.dma_semaphore, #tpu.memory_space<semaphore_mem>>) src(%arg9 : memref<104x128xf32, #tpu.memory_space<vmem>>) dst(%dma_wait3A_54 : memref<104x128xf32, #tpu.memory_space<vmem_shared>>)
      tpu.yield
    }) : () -> ()
    %eq3A = arith.constant 15 : i32
    %eq3A_21 = arith.cmpi eq, %arg1, %eq3A : i32
    %convert_element_type3A = arith.extui %eq3A_21 : i1 to i32
    %cond3A = arith.constant 0 : i32
    %cond3A_22 = arith.cmpi ne, %convert_element_type3A, %cond3A : i32
    scf.if %cond3A_22 {
      "tpu.region"() ({
        %run_scoped3A = tpu.sem_alloc : memref<!tpu.dma_semaphore, #tpu.memory_space<semaphore_mem>>
        %dma_start3A = arith.constant 0 : i32
        %dma_start3A_49 = arith.constant 0 : i32
        %dma_start3A_50 = tpu.memref_slice %arg9[%dma_start3A, %dma_start3A_49] : memref<104x128xf32, #tpu.memory_space<vmem>> -> memref<16x128xf32, #tpu.memory_space<vmem>>
        %dma_start3A_51 = arith.constant 9984 : i32
        %dma_start3A_52 = arith.constant 0 : i32
        %dma_start3A_53 = tpu.memref_slice %arg10[%dma_start3A_51, %dma_start3A_52] : memref<10000x128xf32, #tpu.memory_space<vmem_shared>> -> memref<16x128xf32, #tpu.memory_space<vmem_shared>>
        %dma_start3A_54 = arith.constant 9984 : i32
        %dma_start3A_55 = arith.constant 0 : i32
        %dma_start3A_56 = tpu.memref_slice %arg10[%dma_start3A_54, %dma_start3A_55] : memref<10000x128xf32, #tpu.memory_space<vmem_shared>> -> memref<16x128xf32, #tpu.memory_space<vmem_shared>>
        %dma_start3A_57 = arith.constant 0 : i32
        %dma_start3A_58 = arith.constant 0 : i32
        %dma_start3A_59 = tpu.memref_slice %arg9[%dma_start3A_57, %dma_start3A_58] : memref<104x128xf32, #tpu.memory_space<vmem>> -> memref<16x128xf32, #tpu.memory_space<vmem>>
        tpu.enqueue_dma source(%dma_start3A_59 : memref<16x128xf32, #tpu.memory_space<vmem>>) target(%dma_start3A_56 : memref<16x128xf32, #tpu.memory_space<vmem_shared>>) target_semaphore(%run_scoped3A : memref<!tpu.dma_semaphore, #tpu.memory_space<semaphore_mem>>)
        %dma_wait3A = arith.constant 0 : i32
        %dma_wait3A_60 = arith.constant 0 : i32
        %dma_wait3A_61 = tpu.memref_slice %arg9[%dma_wait3A, %dma_wait3A_60] : memref<104x128xf32, #tpu.memory_space<vmem>> -> memref<16x128xf32, #tpu.memory_space<vmem>>
        %dma_wait3A_62 = arith.constant 9984 : i32
        %dma_wait3A_63 = arith.constant 0 : i32
        %dma_wait3A_64 = tpu.memref_slice %arg10[%dma_wait3A_62, %dma_wait3A_63] : memref<10000x128xf32, #tpu.memory_space<vmem_shared>> -> memref<16x128xf32, #tpu.memory_space<vmem_shared>>
        %dma_wait3A_65 = arith.constant 9984 : i32
        %dma_wait3A_66 = arith.constant 0 : i32
        %dma_wait3A_67 = tpu.memref_slice %arg10[%dma_wait3A_65, %dma_wait3A_66] : memref<10000x128xf32, #tpu.memory_space<vmem_shared>> -> memref<16x128xf32, #tpu.memory_space<vmem_shared>>
        %dma_wait3A_68 = arith.constant 0 : i32
        %dma_wait3A_69 = arith.constant 0 : i32
        %dma_wait3A_70 = tpu.memref_slice %arg9[%dma_wait3A_68, %dma_wait3A_69] : memref<104x128xf32, #tpu.memory_space<vmem>> -> memref<16x128xf32, #tpu.memory_space<vmem>>
        tpu.wait_dma2 semaphore(%run_scoped3A : memref<!tpu.dma_semaphore, #tpu.memory_space<semaphore_mem>>) src(%dma_wait3A_70 : memref<16x128xf32, #tpu.memory_space<vmem>>) dst(%dma_wait3A_67 : memref<16x128xf32, #tpu.memory_space<vmem_shared>>)
        tpu.yield
      }) : () -> ()
    } else {
    }
    %barrier3A = arith.constant 0 : index
    tpu.barrier barrier_id(%barrier3A)
    %mul3A_23 = arith.constant 80 : i32
    %mul3A_24 = arith.muli %add3A, %mul3A_23 : i32
    "tpu.region"() ({
      %run_scoped3A = tpu.sem_alloc : memref<!tpu.dma_semaphore, #tpu.memory_space<semaphore_mem>>
      %dma_start3A = arith.constant 0 : i32
      %dma_start3A_49 = tpu.memref_slice %arg3[%mul3A_24, %dma_start3A] : memref<2560x125xi32, #tpu.memory_space<hbm>> -> memref<80x125xi32, #tpu.memory_space<hbm>>
      %dma_start3A_50 = arith.constant 0 : i32
      %dma_start3A_51 = tpu.memref_slice %arg3[%mul3A_24, %dma_start3A_50] : memref<2560x125xi32, #tpu.memory_space<hbm>> -> memref<80x125xi32, #tpu.memory_space<hbm>>
      tpu.enqueue_dma source(%dma_start3A_51 : memref<80x125xi32, #tpu.memory_space<hbm>>) target(%arg6 : memref<80x125xi32, #tpu.memory_space<vmem>>) target_semaphore(%run_scoped3A : memref<!tpu.dma_semaphore, #tpu.memory_space<semaphore_mem>>)
      %dma_wait3A = arith.constant 0 : i32
      %dma_wait3A_52 = tpu.memref_slice %arg3[%mul3A_24, %dma_wait3A] : memref<2560x125xi32, #tpu.memory_space<hbm>> -> memref<80x125xi32, #tpu.memory_space<hbm>>
      %dma_wait3A_53 = arith.constant 0 : i32
      %dma_wait3A_54 = tpu.memref_slice %arg3[%mul3A_24, %dma_wait3A_53] : memref<2560x125xi32, #tpu.memory_space<hbm>> -> memref<80x125xi32, #tpu.memory_space<hbm>>
      tpu.wait_dma2 semaphore(%run_scoped3A : memref<!tpu.dma_semaphore, #tpu.memory_space<semaphore_mem>>) src(%dma_wait3A_54 : memref<80x125xi32, #tpu.memory_space<hbm>>) dst(%arg6 : memref<80x125xi32, #tpu.memory_space<vmem>>)
      tpu.yield
    }) : () -> ()
    "tpu.region"() ({
      %run_scoped3A = tpu.sem_alloc : memref<!tpu.dma_semaphore, #tpu.memory_space<semaphore_mem>>
      %dma_start3A = arith.constant 0 : i32
      %dma_start3A_49 = tpu.memref_slice %arg4[%mul3A_24, %dma_start3A] : memref<2560x125xi32, #tpu.memory_space<hbm>> -> memref<80x125xi32, #tpu.memory_space<hbm>>
      %dma_start3A_50 = arith.constant 0 : i32
      %dma_start3A_51 = tpu.memref_slice %arg4[%mul3A_24, %dma_start3A_50] : memref<2560x125xi32, #tpu.memory_space<hbm>> -> memref<80x125xi32, #tpu.memory_space<hbm>>
      tpu.enqueue_dma source(%dma_start3A_51 : memref<80x125xi32, #tpu.memory_space<hbm>>) target(%arg7 : memref<80x125xi32, #tpu.memory_space<vmem>>) target_semaphore(%run_scoped3A : memref<!tpu.dma_semaphore, #tpu.memory_space<semaphore_mem>>)
      %dma_wait3A = arith.constant 0 : i32
      %dma_wait3A_52 = tpu.memref_slice %arg4[%mul3A_24, %dma_wait3A] : memref<2560x125xi32, #tpu.memory_space<hbm>> -> memref<80x125xi32, #tpu.memory_space<hbm>>
      %dma_wait3A_53 = arith.constant 0 : i32
      %dma_wait3A_54 = tpu.memref_slice %arg4[%mul3A_24, %dma_wait3A_53] : memref<2560x125xi32, #tpu.memory_space<hbm>> -> memref<80x125xi32, #tpu.memory_space<hbm>>
      tpu.wait_dma2 semaphore(%run_scoped3A : memref<!tpu.dma_semaphore, #tpu.memory_space<semaphore_mem>>) src(%dma_wait3A_54 : memref<80x125xi32, #tpu.memory_space<hbm>>) dst(%arg7 : memref<80x125xi32, #tpu.memory_space<vmem>>)
      tpu.yield
    }) : () -> ()
    %scan3A_25 = arith.constant 0 : i32
    %scan3A_26 = arith.constant 0 : i32
    %scan3A_27 = arith.constant 80 : i32
    %scan3A_28 = arith.addi %scan3A_26, %scan3A_27 : i32
    %scan3A_29 = arith.constant 1 : i32
    scf.for %scan3A_49 = %scan3A_26 to %scan3A_28 step %scan3A_29  : i32 {
      %dma_start3A = arith.constant 0 : i32
      %dma_start3A_50 = tpu.memref_slice %arg6[%scan3A_49, %dma_start3A] : memref<80x125xi32, #tpu.memory_space<vmem>> -> memref<1x125xi32, #tpu.memory_space<vmem>>
      %dma_start3A_51 = tpu.memref_squeeze %dma_start3A_50 : memref<1x125xi32, #tpu.memory_space<vmem>> -> memref<125xi32, #tpu.memory_space<vmem>>
      %dma_start3A_52 = arith.constant 0 : i32
      %dma_start3A_53 = arith.constant 0 : i32
      %dma_start3A_54 = tpu.memref_slice %arg2[%dma_start3A_52, %dma_start3A_53] : memref<10000x128xf32, #tpu.memory_space<hbm>> -> memref<10000x128xf32, #tpu.memory_space<hbm>>
      tpu.enqueue_indirect_dma source(%dma_start3A_54 : memref<10000x128xf32, #tpu.memory_space<hbm>>) target(%arg8 : memref<125x128xf32, #tpu.memory_space<vmem>>) offsets(%dma_start3A_51 : memref<125xi32, #tpu.memory_space<vmem>>) semaphore(%arg11 : memref<!tpu.dma_semaphore, #tpu.memory_space<semaphore_mem>>)
      %dma_wait3A = arith.constant 0 : i32
      %dma_wait3A_55 = tpu.memref_slice %arg6[%scan3A_49, %dma_wait3A] : memref<80x125xi32, #tpu.memory_space<vmem>> -> memref<1x125xi32, #tpu.memory_space<vmem>>
      %dma_wait3A_56 = tpu.memref_squeeze %dma_wait3A_55 : memref<1x125xi32, #tpu.memory_space<vmem>> -> memref<125xi32, #tpu.memory_space<vmem>>
      %dma_wait3A_57 = arith.constant 0 : i32
      %dma_wait3A_58 = arith.constant 0 : i32
      %dma_wait3A_59 = tpu.memref_slice %arg2[%dma_wait3A_57, %dma_wait3A_58] : memref<10000x128xf32, #tpu.memory_space<hbm>> -> memref<10000x128xf32, #tpu.memory_space<hbm>>
      tpu.wait_indirect_dma semaphore(%arg11 : memref<!tpu.dma_semaphore, #tpu.memory_space<semaphore_mem>>) src(%dma_wait3A_59 : memref<10000x128xf32, #tpu.memory_space<hbm>>) dst(%arg8 : memref<125x128xf32, #tpu.memory_space<vmem>>)
      "tpu.region"() ({
        %run_scoped3A = tpu.sem_alloc : memref<!tpu.dma_semaphore, #tpu.memory_space<semaphore_mem>>
        %dma_start3A_60 = arith.constant 0 : i32
        %dma_start3A_61 = tpu.memref_slice %arg7[%scan3A_49, %dma_start3A_60] : memref<80x125xi32, #tpu.memory_space<vmem>> -> memref<1x125xi32, #tpu.memory_space<vmem>>
        %dma_start3A_62 = tpu.memref_squeeze %dma_start3A_61 : memref<1x125xi32, #tpu.memory_space<vmem>> -> memref<125xi32, #tpu.memory_space<vmem>>
        %dma_start3A_63 = arith.constant 0 : i32
        %dma_start3A_64 = arith.constant 0 : i32
        %dma_start3A_65 = tpu.memref_slice %arg10[%dma_start3A_63, %dma_start3A_64] : memref<10000x128xf32, #tpu.memory_space<vmem_shared>> -> memref<10000x128xf32, #tpu.memory_space<vmem_shared>>
        tpu.enqueue_indirect_dma source(%arg8 : memref<125x128xf32, #tpu.memory_space<vmem>>) target(%dma_start3A_65 : memref<10000x128xf32, #tpu.memory_space<vmem_shared>>) offsets(%dma_start3A_62 : memref<125xi32, #tpu.memory_space<vmem>>) semaphore(%run_scoped3A : memref<!tpu.dma_semaphore, #tpu.memory_space<semaphore_mem>>) {add = true}
        %dma_wait3A_66 = arith.constant 0 : i32
        %dma_wait3A_67 = tpu.memref_slice %arg7[%scan3A_49, %dma_wait3A_66] : memref<80x125xi32, #tpu.memory_space<vmem>> -> memref<1x125xi32, #tpu.memory_space<vmem>>
        %dma_wait3A_68 = tpu.memref_squeeze %dma_wait3A_67 : memref<1x125xi32, #tpu.memory_space<vmem>> -> memref<125xi32, #tpu.memory_space<vmem>>
        %dma_wait3A_69 = arith.constant 0 : i32
        %dma_wait3A_70 = arith.constant 0 : i32
        %dma_wait3A_71 = tpu.memref_slice %arg10[%dma_wait3A_69, %dma_wait3A_70] : memref<10000x128xf32, #tpu.memory_space<vmem_shared>> -> memref<10000x128xf32, #tpu.memory_space<vmem_shared>>
        tpu.wait_indirect_dma semaphore(%run_scoped3A : memref<!tpu.dma_semaphore, #tpu.memory_space<semaphore_mem>>) src(%arg8 : memref<125x128xf32, #tpu.memory_space<vmem>>) dst(%dma_wait3A_71 : memref<10000x128xf32, #tpu.memory_space<vmem_shared>>)
        tpu.yield
      }) : () -> ()
    }
    %scan3A_30 = arith.constant 80 : i32
    %barrier3A_31 = arith.constant 0 : index
    tpu.barrier barrier_id(%barrier3A_31)
    %add3A_32 = arith.constant 0 : i32
    %add3A_33 = arith.addi %mul3A_8, %add3A_32 : i32
    "tpu.region"() ({
      %run_scoped3A = tpu.sem_alloc : memref<!tpu.dma_semaphore, #tpu.memory_space<semaphore_mem>>
      %dma_start3A = arith.constant 0 : i32
      %dma_start3A_49 = tpu.memref_slice %arg10[%add3A_33, %dma_start3A] : memref<10000x128xf32, #tpu.memory_space<vmem_shared>> -> memref<104x128xf32, #tpu.memory_space<vmem_shared>>
      %dma_start3A_50 = arith.constant 0 : i32
      %dma_start3A_51 = tpu.memref_slice %arg10[%add3A_33, %dma_start3A_50] : memref<10000x128xf32, #tpu.memory_space<vmem_shared>> -> memref<104x128xf32, #tpu.memory_space<vmem_shared>>
      tpu.enqueue_dma source(%dma_start3A_51 : memref<104x128xf32, #tpu.memory_space<vmem_shared>>) target(%arg9 : memref<104x128xf32, #tpu.memory_space<vmem>>) target_semaphore(%run_scoped3A : memref<!tpu.dma_semaphore, #tpu.memory_space<semaphore_mem>>)
      %dma_wait3A = arith.constant 0 : i32
      %dma_wait3A_52 = tpu.memref_slice %arg10[%add3A_33, %dma_wait3A] : memref<10000x128xf32, #tpu.memory_space<vmem_shared>> -> memref<104x128xf32, #tpu.memory_space<vmem_shared>>
      %dma_wait3A_53 = arith.constant 0 : i32
      %dma_wait3A_54 = tpu.memref_slice %arg10[%add3A_33, %dma_wait3A_53] : memref<10000x128xf32, #tpu.memory_space<vmem_shared>> -> memref<104x128xf32, #tpu.memory_space<vmem_shared>>
      tpu.wait_dma2 semaphore(%run_scoped3A : memref<!tpu.dma_semaphore, #tpu.memory_space<semaphore_mem>>) src(%dma_wait3A_54 : memref<104x128xf32, #tpu.memory_space<vmem_shared>>) dst(%arg9 : memref<104x128xf32, #tpu.memory_space<vmem>>)
      tpu.yield
    }) : () -> ()
    "tpu.region"() ({
      %run_scoped3A = tpu.sem_alloc : memref<!tpu.dma_semaphore, #tpu.memory_space<semaphore_mem>>
      %dma_start3A = arith.constant 0 : i32
      %dma_start3A_49 = tpu.memref_slice %arg5[%arg0, %add3A_33, %dma_start3A] : memref<2x10000x128xf32, #tpu.memory_space<hbm>> -> memref<1x104x128xf32, #tpu.memory_space<hbm>>
      %dma_start3A_50 = tpu.memref_squeeze %dma_start3A_49 : memref<1x104x128xf32, #tpu.memory_space<hbm>> -> memref<104x128xf32, #tpu.memory_space<hbm>>
      %dma_start3A_51 = arith.constant 0 : i32
      %dma_start3A_52 = tpu.memref_slice %arg5[%arg0, %add3A_33, %dma_start3A_51] : memref<2x10000x128xf32, #tpu.memory_space<hbm>> -> memref<1x104x128xf32, #tpu.memory_space<hbm>>
      %dma_start3A_53 = tpu.memref_squeeze %dma_start3A_52 : memref<1x104x128xf32, #tpu.memory_space<hbm>> -> memref<104x128xf32, #tpu.memory_space<hbm>>
      tpu.enqueue_dma source(%arg9 : memref<104x128xf32, #tpu.memory_space<vmem>>) target(%dma_start3A_53 : memref<104x128xf32, #tpu.memory_space<hbm>>) target_semaphore(%run_scoped3A : memref<!tpu.dma_semaphore, #tpu.memory_space<semaphore_mem>>)
      %dma_wait3A = arith.constant 0 : i32
      %dma_wait3A_54 = tpu.memref_slice %arg5[%arg0, %add3A_33, %dma_wait3A] : memref<2x10000x128xf32, #tpu.memory_space<hbm>> -> memref<1x104x128xf32, #tpu.memory_space<hbm>>
      %dma_wait3A_55 = tpu.memref_squeeze %dma_wait3A_54 : memref<1x104x128xf32, #tpu.memory_space<hbm>> -> memref<104x128xf32, #tpu.memory_space<hbm>>
      %dma_wait3A_56 = arith.constant 0 : i32
      %dma_wait3A_57 = tpu.memref_slice %arg5[%arg0, %add3A_33, %dma_wait3A_56] : memref<2x10000x128xf32, #tpu.memory_space<hbm>> -> memref<1x104x128xf32, #tpu.memory_space<hbm>>
      %dma_wait3A_58 = tpu.memref_squeeze %dma_wait3A_57 : memref<1x104x128xf32, #tpu.memory_space<hbm>> -> memref<104x128xf32, #tpu.memory_space<hbm>>
      tpu.wait_dma2 semaphore(%run_scoped3A : memref<!tpu.dma_semaphore, #tpu.memory_space<semaphore_mem>>) src(%arg9 : memref<104x128xf32, #tpu.memory_space<vmem>>) dst(%dma_wait3A_58 : memref<104x128xf32, #tpu.memory_space<hbm>>)
      tpu.yield
    }) : () -> ()
    %add3A_34 = arith.constant 104 : i32
    %add3A_35 = arith.addi %mul3A_8, %add3A_34 : i32
    "tpu.region"() ({
      %run_scoped3A = tpu.sem_alloc : memref<!tpu.dma_semaphore, #tpu.memory_space<semaphore_mem>>
      %dma_start3A = arith.constant 0 : i32
      %dma_start3A_49 = tpu.memref_slice %arg10[%add3A_35, %dma_start3A] : memref<10000x128xf32, #tpu.memory_space<vmem_shared>> -> memref<104x128xf32, #tpu.memory_space<vmem_shared>>
      %dma_start3A_50 = arith.constant 0 : i32
      %dma_start3A_51 = tpu.memref_slice %arg10[%add3A_35, %dma_start3A_50] : memref<10000x128xf32, #tpu.memory_space<vmem_shared>> -> memref<104x128xf32, #tpu.memory_space<vmem_shared>>
      tpu.enqueue_dma source(%dma_start3A_51 : memref<104x128xf32, #tpu.memory_space<vmem_shared>>) target(%arg9 : memref<104x128xf32, #tpu.memory_space<vmem>>) target_semaphore(%run_scoped3A : memref<!tpu.dma_semaphore, #tpu.memory_space<semaphore_mem>>)
      %dma_wait3A = arith.constant 0 : i32
      %dma_wait3A_52 = tpu.memref_slice %arg10[%add3A_35, %dma_wait3A] : memref<10000x128xf32, #tpu.memory_space<vmem_shared>> -> memref<104x128xf32, #tpu.memory_space<vmem_shared>>
      %dma_wait3A_53 = arith.constant 0 : i32
      %dma_wait3A_54 = tpu.memref_slice %arg10[%add3A_35, %dma_wait3A_53] : memref<10000x128xf32, #tpu.memory_space<vmem_shared>> -> memref<104x128xf32, #tpu.memory_space<vmem_shared>>
      tpu.wait_dma2 semaphore(%run_scoped3A : memref<!tpu.dma_semaphore, #tpu.memory_space<semaphore_mem>>) src(%dma_wait3A_54 : memref<104x128xf32, #tpu.memory_space<vmem_shared>>) dst(%arg9 : memref<104x128xf32, #tpu.memory_space<vmem>>)
      tpu.yield
    }) : () -> ()
    "tpu.region"() ({
      %run_scoped3A = tpu.sem_alloc : memref<!tpu.dma_semaphore, #tpu.memory_space<semaphore_mem>>
      %dma_start3A = arith.constant 0 : i32
      %dma_start3A_49 = tpu.memref_slice %arg5[%arg0, %add3A_35, %dma_start3A] : memref<2x10000x128xf32, #tpu.memory_space<hbm>> -> memref<1x104x128xf32, #tpu.memory_space<hbm>>
      %dma_start3A_50 = tpu.memref_squeeze %dma_start3A_49 : memref<1x104x128xf32, #tpu.memory_space<hbm>> -> memref<104x128xf32, #tpu.memory_space<hbm>>
      %dma_start3A_51 = arith.constant 0 : i32
      %dma_start3A_52 = tpu.memref_slice %arg5[%arg0, %add3A_35, %dma_start3A_51] : memref<2x10000x128xf32, #tpu.memory_space<hbm>> -> memref<1x104x128xf32, #tpu.memory_space<hbm>>
      %dma_start3A_53 = tpu.memref_squeeze %dma_start3A_52 : memref<1x104x128xf32, #tpu.memory_space<hbm>> -> memref<104x128xf32, #tpu.memory_space<hbm>>
      tpu.enqueue_dma source(%arg9 : memref<104x128xf32, #tpu.memory_space<vmem>>) target(%dma_start3A_53 : memref<104x128xf32, #tpu.memory_space<hbm>>) target_semaphore(%run_scoped3A : memref<!tpu.dma_semaphore, #tpu.memory_space<semaphore_mem>>)
      %dma_wait3A = arith.constant 0 : i32
      %dma_wait3A_54 = tpu.memref_slice %arg5[%arg0, %add3A_35, %dma_wait3A] : memref<2x10000x128xf32, #tpu.memory_space<hbm>> -> memref<1x104x128xf32, #tpu.memory_space<hbm>>
      %dma_wait3A_55 = tpu.memref_squeeze %dma_wait3A_54 : memref<1x104x128xf32, #tpu.memory_space<hbm>> -> memref<104x128xf32, #tpu.memory_space<hbm>>
      %dma_wait3A_56 = arith.constant 0 : i32
      %dma_wait3A_57 = tpu.memref_slice %arg5[%arg0, %add3A_35, %dma_wait3A_56] : memref<2x10000x128xf32, #tpu.memory_space<hbm>> -> memref<1x104x128xf32, #tpu.memory_space<hbm>>
      %dma_wait3A_58 = tpu.memref_squeeze %dma_wait3A_57 : memref<1x104x128xf32, #tpu.memory_space<hbm>> -> memref<104x128xf32, #tpu.memory_space<hbm>>
      tpu.wait_dma2 semaphore(%run_scoped3A : memref<!tpu.dma_semaphore, #tpu.memory_space<semaphore_mem>>) src(%arg9 : memref<104x128xf32, #tpu.memory_space<vmem>>) dst(%dma_wait3A_58 : memref<104x128xf32, #tpu.memory_space<hbm>>)
      tpu.yield
    }) : () -> ()
    %add3A_36 = arith.constant 208 : i32
    %add3A_37 = arith.addi %mul3A_8, %add3A_36 : i32
    "tpu.region"() ({
      %run_scoped3A = tpu.sem_alloc : memref<!tpu.dma_semaphore, #tpu.memory_space<semaphore_mem>>
      %dma_start3A = arith.constant 0 : i32
      %dma_start3A_49 = tpu.memref_slice %arg10[%add3A_37, %dma_start3A] : memref<10000x128xf32, #tpu.memory_space<vmem_shared>> -> memref<104x128xf32, #tpu.memory_space<vmem_shared>>
      %dma_start3A_50 = arith.constant 0 : i32
      %dma_start3A_51 = tpu.memref_slice %arg10[%add3A_37, %dma_start3A_50] : memref<10000x128xf32, #tpu.memory_space<vmem_shared>> -> memref<104x128xf32, #tpu.memory_space<vmem_shared>>
      tpu.enqueue_dma source(%dma_start3A_51 : memref<104x128xf32, #tpu.memory_space<vmem_shared>>) target(%arg9 : memref<104x128xf32, #tpu.memory_space<vmem>>) target_semaphore(%run_scoped3A : memref<!tpu.dma_semaphore, #tpu.memory_space<semaphore_mem>>)
      %dma_wait3A = arith.constant 0 : i32
      %dma_wait3A_52 = tpu.memref_slice %arg10[%add3A_37, %dma_wait3A] : memref<10000x128xf32, #tpu.memory_space<vmem_shared>> -> memref<104x128xf32, #tpu.memory_space<vmem_shared>>
      %dma_wait3A_53 = arith.constant 0 : i32
      %dma_wait3A_54 = tpu.memref_slice %arg10[%add3A_37, %dma_wait3A_53] : memref<10000x128xf32, #tpu.memory_space<vmem_shared>> -> memref<104x128xf32, #tpu.memory_space<vmem_shared>>
      tpu.wait_dma2 semaphore(%run_scoped3A : memref<!tpu.dma_semaphore, #tpu.memory_space<semaphore_mem>>) src(%dma_wait3A_54 : memref<104x128xf32, #tpu.memory_space<vmem_shared>>) dst(%arg9 : memref<104x128xf32, #tpu.memory_space<vmem>>)
      tpu.yield
    }) : () -> ()
    "tpu.region"() ({
      %run_scoped3A = tpu.sem_alloc : memref<!tpu.dma_semaphore, #tpu.memory_space<semaphore_mem>>
      %dma_start3A = arith.constant 0 : i32
      %dma_start3A_49 = tpu.memref_slice %arg5[%arg0, %add3A_37, %dma_start3A] : memref<2x10000x128xf32, #tpu.memory_space<hbm>> -> memref<1x104x128xf32, #tpu.memory_space<hbm>>
      %dma_start3A_50 = tpu.memref_squeeze %dma_start3A_49 : memref<1x104x128xf32, #tpu.memory_space<hbm>> -> memref<104x128xf32, #tpu.memory_space<hbm>>
      %dma_start3A_51 = arith.constant 0 : i32
      %dma_start3A_52 = tpu.memref_slice %arg5[%arg0, %add3A_37, %dma_start3A_51] : memref<2x10000x128xf32, #tpu.memory_space<hbm>> -> memref<1x104x128xf32, #tpu.memory_space<hbm>>
      %dma_start3A_53 = tpu.memref_squeeze %dma_start3A_52 : memref<1x104x128xf32, #tpu.memory_space<hbm>> -> memref<104x128xf32, #tpu.memory_space<hbm>>
      tpu.enqueue_dma source(%arg9 : memref<104x128xf32, #tpu.memory_space<vmem>>) target(%dma_start3A_53 : memref<104x128xf32, #tpu.memory_space<hbm>>) target_semaphore(%run_scoped3A : memref<!tpu.dma_semaphore, #tpu.memory_space<semaphore_mem>>)
      %dma_wait3A = arith.constant 0 : i32
      %dma_wait3A_54 = tpu.memref_slice %arg5[%arg0, %add3A_37, %dma_wait3A] : memref<2x10000x128xf32, #tpu.memory_space<hbm>> -> memref<1x104x128xf32, #tpu.memory_space<hbm>>
      %dma_wait3A_55 = tpu.memref_squeeze %dma_wait3A_54 : memref<1x104x128xf32, #tpu.memory_space<hbm>> -> memref<104x128xf32, #tpu.memory_space<hbm>>
      %dma_wait3A_56 = arith.constant 0 : i32
      %dma_wait3A_57 = tpu.memref_slice %arg5[%arg0, %add3A_37, %dma_wait3A_56] : memref<2x10000x128xf32, #tpu.memory_space<hbm>> -> memref<1x104x128xf32, #tpu.memory_space<hbm>>
      %dma_wait3A_58 = tpu.memref_squeeze %dma_wait3A_57 : memref<1x104x128xf32, #tpu.memory_space<hbm>> -> memref<104x128xf32, #tpu.memory_space<hbm>>
      tpu.wait_dma2 semaphore(%run_scoped3A : memref<!tpu.dma_semaphore, #tpu.memory_space<semaphore_mem>>) src(%arg9 : memref<104x128xf32, #tpu.memory_space<vmem>>) dst(%dma_wait3A_58 : memref<104x128xf32, #tpu.memory_space<hbm>>)
      tpu.yield
    }) : () -> ()
    %add3A_38 = arith.constant 312 : i32
    %add3A_39 = arith.addi %mul3A_8, %add3A_38 : i32
    "tpu.region"() ({
      %run_scoped3A = tpu.sem_alloc : memref<!tpu.dma_semaphore, #tpu.memory_space<semaphore_mem>>
      %dma_start3A = arith.constant 0 : i32
      %dma_start3A_49 = tpu.memref_slice %arg10[%add3A_39, %dma_start3A] : memref<10000x128xf32, #tpu.memory_space<vmem_shared>> -> memref<104x128xf32, #tpu.memory_space<vmem_shared>>
      %dma_start3A_50 = arith.constant 0 : i32
      %dma_start3A_51 = tpu.memref_slice %arg10[%add3A_39, %dma_start3A_50] : memref<10000x128xf32, #tpu.memory_space<vmem_shared>> -> memref<104x128xf32, #tpu.memory_space<vmem_shared>>
      tpu.enqueue_dma source(%dma_start3A_51 : memref<104x128xf32, #tpu.memory_space<vmem_shared>>) target(%arg9 : memref<104x128xf32, #tpu.memory_space<vmem>>) target_semaphore(%run_scoped3A : memref<!tpu.dma_semaphore, #tpu.memory_space<semaphore_mem>>)
      %dma_wait3A = arith.constant 0 : i32
      %dma_wait3A_52 = tpu.memref_slice %arg10[%add3A_39, %dma_wait3A] : memref<10000x128xf32, #tpu.memory_space<vmem_shared>> -> memref<104x128xf32, #tpu.memory_space<vmem_shared>>
      %dma_wait3A_53 = arith.constant 0 : i32
      %dma_wait3A_54 = tpu.memref_slice %arg10[%add3A_39, %dma_wait3A_53] : memref<10000x128xf32, #tpu.memory_space<vmem_shared>> -> memref<104x128xf32, #tpu.memory_space<vmem_shared>>
      tpu.wait_dma2 semaphore(%run_scoped3A : memref<!tpu.dma_semaphore, #tpu.memory_space<semaphore_mem>>) src(%dma_wait3A_54 : memref<104x128xf32, #tpu.memory_space<vmem_shared>>) dst(%arg9 : memref<104x128xf32, #tpu.memory_space<vmem>>)
      tpu.yield
    }) : () -> ()
    "tpu.region"() ({
      %run_scoped3A = tpu.sem_alloc : memref<!tpu.dma_semaphore, #tpu.memory_space<semaphore_mem>>
      %dma_start3A = arith.constant 0 : i32
      %dma_start3A_49 = tpu.memref_slice %arg5[%arg0, %add3A_39, %dma_start3A] : memref<2x10000x128xf32, #tpu.memory_space<hbm>> -> memref<1x104x128xf32, #tpu.memory_space<hbm>>
      %dma_start3A_50 = tpu.memref_squeeze %dma_start3A_49 : memref<1x104x128xf32, #tpu.memory_space<hbm>> -> memref<104x128xf32, #tpu.memory_space<hbm>>
      %dma_start3A_51 = arith.constant 0 : i32
      %dma_start3A_52 = tpu.memref_slice %arg5[%arg0, %add3A_39, %dma_start3A_51] : memref<2x10000x128xf32, #tpu.memory_space<hbm>> -> memref<1x104x128xf32, #tpu.memory_space<hbm>>
      %dma_start3A_53 = tpu.memref_squeeze %dma_start3A_52 : memref<1x104x128xf32, #tpu.memory_space<hbm>> -> memref<104x128xf32, #tpu.memory_space<hbm>>
      tpu.enqueue_dma source(%arg9 : memref<104x128xf32, #tpu.memory_space<vmem>>) target(%dma_start3A_53 : memref<104x128xf32, #tpu.memory_space<hbm>>) target_semaphore(%run_scoped3A : memref<!tpu.dma_semaphore, #tpu.memory_space<semaphore_mem>>)
      %dma_wait3A = arith.constant 0 : i32
      %dma_wait3A_54 = tpu.memref_slice %arg5[%arg0, %add3A_39, %dma_wait3A] : memref<2x10000x128xf32, #tpu.memory_space<hbm>> -> memref<1x104x128xf32, #tpu.memory_space<hbm>>
      %dma_wait3A_55 = tpu.memref_squeeze %dma_wait3A_54 : memref<1x104x128xf32, #tpu.memory_space<hbm>> -> memref<104x128xf32, #tpu.memory_space<hbm>>
      %dma_wait3A_56 = arith.constant 0 : i32
      %dma_wait3A_57 = tpu.memref_slice %arg5[%arg0, %add3A_39, %dma_wait3A_56] : memref<2x10000x128xf32, #tpu.memory_space<hbm>> -> memref<1x104x128xf32, #tpu.memory_space<hbm>>
      %dma_wait3A_58 = tpu.memref_squeeze %dma_wait3A_57 : memref<1x104x128xf32, #tpu.memory_space<hbm>> -> memref<104x128xf32, #tpu.memory_space<hbm>>
      tpu.wait_dma2 semaphore(%run_scoped3A : memref<!tpu.dma_semaphore, #tpu.memory_space<semaphore_mem>>) src(%arg9 : memref<104x128xf32, #tpu.memory_space<vmem>>) dst(%dma_wait3A_58 : memref<104x128xf32, #tpu.memory_space<hbm>>)
      tpu.yield
    }) : () -> ()
    %add3A_40 = arith.constant 416 : i32
    %add3A_41 = arith.addi %mul3A_8, %add3A_40 : i32
    "tpu.region"() ({
      %run_scoped3A = tpu.sem_alloc : memref<!tpu.dma_semaphore, #tpu.memory_space<semaphore_mem>>
      %dma_start3A = arith.constant 0 : i32
      %dma_start3A_49 = tpu.memref_slice %arg10[%add3A_41, %dma_start3A] : memref<10000x128xf32, #tpu.memory_space<vmem_shared>> -> memref<104x128xf32, #tpu.memory_space<vmem_shared>>
      %dma_start3A_50 = arith.constant 0 : i32
      %dma_start3A_51 = tpu.memref_slice %arg10[%add3A_41, %dma_start3A_50] : memref<10000x128xf32, #tpu.memory_space<vmem_shared>> -> memref<104x128xf32, #tpu.memory_space<vmem_shared>>
      tpu.enqueue_dma source(%dma_start3A_51 : memref<104x128xf32, #tpu.memory_space<vmem_shared>>) target(%arg9 : memref<104x128xf32, #tpu.memory_space<vmem>>) target_semaphore(%run_scoped3A : memref<!tpu.dma_semaphore, #tpu.memory_space<semaphore_mem>>)
      %dma_wait3A = arith.constant 0 : i32
      %dma_wait3A_52 = tpu.memref_slice %arg10[%add3A_41, %dma_wait3A] : memref<10000x128xf32, #tpu.memory_space<vmem_shared>> -> memref<104x128xf32, #tpu.memory_space<vmem_shared>>
      %dma_wait3A_53 = arith.constant 0 : i32
      %dma_wait3A_54 = tpu.memref_slice %arg10[%add3A_41, %dma_wait3A_53] : memref<10000x128xf32, #tpu.memory_space<vmem_shared>> -> memref<104x128xf32, #tpu.memory_space<vmem_shared>>
      tpu.wait_dma2 semaphore(%run_scoped3A : memref<!tpu.dma_semaphore, #tpu.memory_space<semaphore_mem>>) src(%dma_wait3A_54 : memref<104x128xf32, #tpu.memory_space<vmem_shared>>) dst(%arg9 : memref<104x128xf32, #tpu.memory_space<vmem>>)
      tpu.yield
    }) : () -> ()
    "tpu.region"() ({
      %run_scoped3A = tpu.sem_alloc : memref<!tpu.dma_semaphore, #tpu.memory_space<semaphore_mem>>
      %dma_start3A = arith.constant 0 : i32
      %dma_start3A_49 = tpu.memref_slice %arg5[%arg0, %add3A_41, %dma_start3A] : memref<2x10000x128xf32, #tpu.memory_space<hbm>> -> memref<1x104x128xf32, #tpu.memory_space<hbm>>
      %dma_start3A_50 = tpu.memref_squeeze %dma_start3A_49 : memref<1x104x128xf32, #tpu.memory_space<hbm>> -> memref<104x128xf32, #tpu.memory_space<hbm>>
      %dma_start3A_51 = arith.constant 0 : i32
      %dma_start3A_52 = tpu.memref_slice %arg5[%arg0, %add3A_41, %dma_start3A_51] : memref<2x10000x128xf32, #tpu.memory_space<hbm>> -> memref<1x104x128xf32, #tpu.memory_space<hbm>>
      %dma_start3A_53 = tpu.memref_squeeze %dma_start3A_52 : memref<1x104x128xf32, #tpu.memory_space<hbm>> -> memref<104x128xf32, #tpu.memory_space<hbm>>
      tpu.enqueue_dma source(%arg9 : memref<104x128xf32, #tpu.memory_space<vmem>>) target(%dma_start3A_53 : memref<104x128xf32, #tpu.memory_space<hbm>>) target_semaphore(%run_scoped3A : memref<!tpu.dma_semaphore, #tpu.memory_space<semaphore_mem>>)
      %dma_wait3A = arith.constant 0 : i32
      %dma_wait3A_54 = tpu.memref_slice %arg5[%arg0, %add3A_41, %dma_wait3A] : memref<2x10000x128xf32, #tpu.memory_space<hbm>> -> memref<1x104x128xf32, #tpu.memory_space<hbm>>
      %dma_wait3A_55 = tpu.memref_squeeze %dma_wait3A_54 : memref<1x104x128xf32, #tpu.memory_space<hbm>> -> memref<104x128xf32, #tpu.memory_space<hbm>>
      %dma_wait3A_56 = arith.constant 0 : i32
      %dma_wait3A_57 = tpu.memref_slice %arg5[%arg0, %add3A_41, %dma_wait3A_56] : memref<2x10000x128xf32, #tpu.memory_space<hbm>> -> memref<1x104x128xf32, #tpu.memory_space<hbm>>
      %dma_wait3A_58 = tpu.memref_squeeze %dma_wait3A_57 : memref<1x104x128xf32, #tpu.memory_space<hbm>> -> memref<104x128xf32, #tpu.memory_space<hbm>>
      tpu.wait_dma2 semaphore(%run_scoped3A : memref<!tpu.dma_semaphore, #tpu.memory_space<semaphore_mem>>) src(%arg9 : memref<104x128xf32, #tpu.memory_space<vmem>>) dst(%dma_wait3A_58 : memref<104x128xf32, #tpu.memory_space<hbm>>)
      tpu.yield
    }) : () -> ()
    %add3A_42 = arith.constant 520 : i32
    %add3A_43 = arith.addi %mul3A_8, %add3A_42 : i32
    "tpu.region"() ({
      %run_scoped3A = tpu.sem_alloc : memref<!tpu.dma_semaphore, #tpu.memory_space<semaphore_mem>>
      %dma_start3A = arith.constant 0 : i32
      %dma_start3A_49 = tpu.memref_slice %arg10[%add3A_43, %dma_start3A] : memref<10000x128xf32, #tpu.memory_space<vmem_shared>> -> memref<104x128xf32, #tpu.memory_space<vmem_shared>>
      %dma_start3A_50 = arith.constant 0 : i32
      %dma_start3A_51 = tpu.memref_slice %arg10[%add3A_43, %dma_start3A_50] : memref<10000x128xf32, #tpu.memory_space<vmem_shared>> -> memref<104x128xf32, #tpu.memory_space<vmem_shared>>
      tpu.enqueue_dma source(%dma_start3A_51 : memref<104x128xf32, #tpu.memory_space<vmem_shared>>) target(%arg9 : memref<104x128xf32, #tpu.memory_space<vmem>>) target_semaphore(%run_scoped3A : memref<!tpu.dma_semaphore, #tpu.memory_space<semaphore_mem>>)
      %dma_wait3A = arith.constant 0 : i32
      %dma_wait3A_52 = tpu.memref_slice %arg10[%add3A_43, %dma_wait3A] : memref<10000x128xf32, #tpu.memory_space<vmem_shared>> -> memref<104x128xf32, #tpu.memory_space<vmem_shared>>
      %dma_wait3A_53 = arith.constant 0 : i32
      %dma_wait3A_54 = tpu.memref_slice %arg10[%add3A_43, %dma_wait3A_53] : memref<10000x128xf32, #tpu.memory_space<vmem_shared>> -> memref<104x128xf32, #tpu.memory_space<vmem_shared>>
      tpu.wait_dma2 semaphore(%run_scoped3A : memref<!tpu.dma_semaphore, #tpu.memory_space<semaphore_mem>>) src(%dma_wait3A_54 : memref<104x128xf32, #tpu.memory_space<vmem_shared>>) dst(%arg9 : memref<104x128xf32, #tpu.memory_space<vmem>>)
      tpu.yield
    }) : () -> ()
    "tpu.region"() ({
      %run_scoped3A = tpu.sem_alloc : memref<!tpu.dma_semaphore, #tpu.memory_space<semaphore_mem>>
      %dma_start3A = arith.constant 0 : i32
      %dma_start3A_49 = tpu.memref_slice %arg5[%arg0, %add3A_43, %dma_start3A] : memref<2x10000x128xf32, #tpu.memory_space<hbm>> -> memref<1x104x128xf32, #tpu.memory_space<hbm>>
      %dma_start3A_50 = tpu.memref_squeeze %dma_start3A_49 : memref<1x104x128xf32, #tpu.memory_space<hbm>> -> memref<104x128xf32, #tpu.memory_space<hbm>>
      %dma_start3A_51 = arith.constant 0 : i32
      %dma_start3A_52 = tpu.memref_slice %arg5[%arg0, %add3A_43, %dma_start3A_51] : memref<2x10000x128xf32, #tpu.memory_space<hbm>> -> memref<1x104x128xf32, #tpu.memory_space<hbm>>
      %dma_start3A_53 = tpu.memref_squeeze %dma_start3A_52 : memref<1x104x128xf32, #tpu.memory_space<hbm>> -> memref<104x128xf32, #tpu.memory_space<hbm>>
      tpu.enqueue_dma source(%arg9 : memref<104x128xf32, #tpu.memory_space<vmem>>) target(%dma_start3A_53 : memref<104x128xf32, #tpu.memory_space<hbm>>) target_semaphore(%run_scoped3A : memref<!tpu.dma_semaphore, #tpu.memory_space<semaphore_mem>>)
      %dma_wait3A = arith.constant 0 : i32
      %dma_wait3A_54 = tpu.memref_slice %arg5[%arg0, %add3A_43, %dma_wait3A] : memref<2x10000x128xf32, #tpu.memory_space<hbm>> -> memref<1x104x128xf32, #tpu.memory_space<hbm>>
      %dma_wait3A_55 = tpu.memref_squeeze %dma_wait3A_54 : memref<1x104x128xf32, #tpu.memory_space<hbm>> -> memref<104x128xf32, #tpu.memory_space<hbm>>
      %dma_wait3A_56 = arith.constant 0 : i32
      %dma_wait3A_57 = tpu.memref_slice %arg5[%arg0, %add3A_43, %dma_wait3A_56] : memref<2x10000x128xf32, #tpu.memory_space<hbm>> -> memref<1x104x128xf32, #tpu.memory_space<hbm>>
      %dma_wait3A_58 = tpu.memref_squeeze %dma_wait3A_57 : memref<1x104x128xf32, #tpu.memory_space<hbm>> -> memref<104x128xf32, #tpu.memory_space<hbm>>
      tpu.wait_dma2 semaphore(%run_scoped3A : memref<!tpu.dma_semaphore, #tpu.memory_space<semaphore_mem>>) src(%arg9 : memref<104x128xf32, #tpu.memory_space<vmem>>) dst(%dma_wait3A_58 : memref<104x128xf32, #tpu.memory_space<hbm>>)
      tpu.yield
    }) : () -> ()
    %eq3A_44 = arith.constant 15 : i32
    %eq3A_45 = arith.cmpi eq, %arg1, %eq3A_44 : i32
    %convert_element_type3A_46 = arith.extui %eq3A_45 : i1 to i32
    %cond3A_47 = arith.constant 0 : i32
    %cond3A_48 = arith.cmpi ne, %convert_element_type3A_46, %cond3A_47 : i32
    scf.if %cond3A_48 {
      "tpu.region"() ({
        %run_scoped3A = tpu.sem_alloc : memref<!tpu.dma_semaphore, #tpu.memory_space<semaphore_mem>>
        %dma_start3A = arith.constant 0 : i32
        %dma_start3A_49 = arith.constant 0 : i32
        %dma_start3A_50 = tpu.memref_slice %arg9[%dma_start3A, %dma_start3A_49] : memref<104x128xf32, #tpu.memory_space<vmem>> -> memref<16x128xf32, #tpu.memory_space<vmem>>
        %dma_start3A_51 = arith.constant 9984 : i32
        %dma_start3A_52 = arith.constant 0 : i32
        %dma_start3A_53 = tpu.memref_slice %arg10[%dma_start3A_51, %dma_start3A_52] : memref<10000x128xf32, #tpu.memory_space<vmem_shared>> -> memref<16x128xf32, #tpu.memory_space<vmem_shared>>
        %dma_start3A_54 = arith.constant 0 : i32
        %dma_start3A_55 = arith.constant 0 : i32
        %dma_start3A_56 = tpu.memref_slice %arg9[%dma_start3A_54, %dma_start3A_55] : memref<104x128xf32, #tpu.memory_space<vmem>> -> memref<16x128xf32, #tpu.memory_space<vmem>>
        %dma_start3A_57 = arith.constant 9984 : i32
        %dma_start3A_58 = arith.constant 0 : i32
        %dma_start3A_59 = tpu.memref_slice %arg10[%dma_start3A_57, %dma_start3A_58] : memref<10000x128xf32, #tpu.memory_space<vmem_shared>> -> memref<16x128xf32, #tpu.memory_space<vmem_shared>>
        tpu.enqueue_dma source(%dma_start3A_59 : memref<16x128xf32, #tpu.memory_space<vmem_shared>>) target(%dma_start3A_56 : memref<16x128xf32, #tpu.memory_space<vmem>>) target_semaphore(%run_scoped3A : memref<!tpu.dma_semaphore, #tpu.memory_space<semaphore_mem>>)
        %dma_wait3A = arith.constant 0 : i32
        %dma_wait3A_60 = arith.constant 0 : i32
        %dma_wait3A_61 = tpu.memref_slice %arg9[%dma_wait3A, %dma_wait3A_60] : memref<104x128xf32, #tpu.memory_space<vmem>> -> memref<16x128xf32, #tpu.memory_space<vmem>>
        %dma_wait3A_62 = arith.constant 9984 : i32
        %dma_wait3A_63 = arith.constant 0 : i32
        %dma_wait3A_64 = tpu.memref_slice %arg10[%dma_wait3A_62, %dma_wait3A_63] : memref<10000x128xf32, #tpu.memory_space<vmem_shared>> -> memref<16x128xf32, #tpu.memory_space<vmem_shared>>
        %dma_wait3A_65 = arith.constant 0 : i32
        %dma_wait3A_66 = arith.constant 0 : i32
        %dma_wait3A_67 = tpu.memref_slice %arg9[%dma_wait3A_65, %dma_wait3A_66] : memref<104x128xf32, #tpu.memory_space<vmem>> -> memref<16x128xf32, #tpu.memory_space<vmem>>
        %dma_wait3A_68 = arith.constant 9984 : i32
        %dma_wait3A_69 = arith.constant 0 : i32
        %dma_wait3A_70 = tpu.memref_slice %arg10[%dma_wait3A_68, %dma_wait3A_69] : memref<10000x128xf32, #tpu.memory_space<vmem_shared>> -> memref<16x128xf32, #tpu.memory_space<vmem_shared>>
        tpu.wait_dma2 semaphore(%run_scoped3A : memref<!tpu.dma_semaphore, #tpu.memory_space<semaphore_mem>>) src(%dma_wait3A_70 : memref<16x128xf32, #tpu.memory_space<vmem_shared>>) dst(%dma_wait3A_67 : memref<16x128xf32, #tpu.memory_space<vmem>>)
        tpu.yield
      }) : () -> ()
      "tpu.region"() ({
        %run_scoped3A = tpu.sem_alloc : memref<!tpu.dma_semaphore, #tpu.memory_space<semaphore_mem>>
        %dma_start3A = arith.constant 0 : i32
        %dma_start3A_49 = arith.constant 0 : i32
        %dma_start3A_50 = tpu.memref_slice %arg9[%dma_start3A, %dma_start3A_49] : memref<104x128xf32, #tpu.memory_space<vmem>> -> memref<16x128xf32, #tpu.memory_space<vmem>>
        %dma_start3A_51 = arith.constant 9984 : i32
        %dma_start3A_52 = arith.constant 0 : i32
        %dma_start3A_53 = tpu.memref_slice %arg5[%arg0, %dma_start3A_51, %dma_start3A_52] : memref<2x10000x128xf32, #tpu.memory_space<hbm>> -> memref<1x16x128xf32, #tpu.memory_space<hbm>>
        %dma_start3A_54 = tpu.memref_squeeze %dma_start3A_53 : memref<1x16x128xf32, #tpu.memory_space<hbm>> -> memref<16x128xf32, #tpu.memory_space<hbm>>
        %dma_start3A_55 = arith.constant 9984 : i32
        %dma_start3A_56 = arith.constant 0 : i32
        %dma_start3A_57 = tpu.memref_slice %arg5[%arg0, %dma_start3A_55, %dma_start3A_56] : memref<2x10000x128xf32, #tpu.memory_space<hbm>> -> memref<1x16x128xf32, #tpu.memory_space<hbm>>
        %dma_start3A_58 = tpu.memref_squeeze %dma_start3A_57 : memref<1x16x128xf32, #tpu.memory_space<hbm>> -> memref<16x128xf32, #tpu.memory_space<hbm>>
        %dma_start3A_59 = arith.constant 0 : i32
        %dma_start3A_60 = arith.constant 0 : i32
        %dma_start3A_61 = tpu.memref_slice %arg9[%dma_start3A_59, %dma_start3A_60] : memref<104x128xf32, #tpu.memory_space<vmem>> -> memref<16x128xf32, #tpu.memory_space<vmem>>
        tpu.enqueue_dma source(%dma_start3A_61 : memref<16x128xf32, #tpu.memory_space<vmem>>) target(%dma_start3A_58 : memref<16x128xf32, #tpu.memory_space<hbm>>) target_semaphore(%run_scoped3A : memref<!tpu.dma_semaphore, #tpu.memory_space<semaphore_mem>>)
        %dma_wait3A = arith.constant 0 : i32
        %dma_wait3A_62 = arith.constant 0 : i32
        %dma_wait3A_63 = tpu.memref_slice %arg9[%dma_wait3A, %dma_wait3A_62] : memref<104x128xf32, #tpu.memory_space<vmem>> -> memref<16x128xf32, #tpu.memory_space<vmem>>
        %dma_wait3A_64 = arith.constant 9984 : i32
        %dma_wait3A_65 = arith.constant 0 : i32
        %dma_wait3A_66 = tpu.memref_slice %arg5[%arg0, %dma_wait3A_64, %dma_wait3A_65] : memref<2x10000x128xf32, #tpu.memory_space<hbm>> -> memref<1x16x128xf32, #tpu.memory_space<hbm>>
        %dma_wait3A_67 = tpu.memref_squeeze %dma_wait3A_66 : memref<1x16x128xf32, #tpu.memory_space<hbm>> -> memref<16x128xf32, #tpu.memory_space<hbm>>
        %dma_wait3A_68 = arith.constant 9984 : i32
        %dma_wait3A_69 = arith.constant 0 : i32
        %dma_wait3A_70 = tpu.memref_slice %arg5[%arg0, %dma_wait3A_68, %dma_wait3A_69] : memref<2x10000x128xf32, #tpu.memory_space<hbm>> -> memref<1x16x128xf32, #tpu.memory_space<hbm>>
        %dma_wait3A_71 = tpu.memref_squeeze %dma_wait3A_70 : memref<1x16x128xf32, #tpu.memory_space<hbm>> -> memref<16x128xf32, #tpu.memory_space<hbm>>
        %dma_wait3A_72 = arith.constant 0 : i32
        %dma_wait3A_73 = arith.constant 0 : i32
        %dma_wait3A_74 = tpu.memref_slice %arg9[%dma_wait3A_72, %dma_wait3A_73] : memref<104x128xf32, #tpu.memory_space<vmem>> -> memref<16x128xf32, #tpu.memory_space<vmem>>
        tpu.wait_dma2 semaphore(%run_scoped3A : memref<!tpu.dma_semaphore, #tpu.memory_space<semaphore_mem>>) src(%dma_wait3A_74 : memref<16x128xf32, #tpu.memory_space<vmem>>) dst(%dma_wait3A_71 : memref<16x128xf32, #tpu.memory_space<hbm>>)
        tpu.yield
      }) : () -> ()
    } else {
    }
    return
  }
}

#map = affine_map<(d0, d1) -> (0, 0)>
#map1 = affine_map<(d0, d1) -> (0, 0, 0)>
module attributes {stable_mosaic.version = 14 : i64} {
  func.func @_sc_aggregate(%arg0: i32, %arg1: i32, %arg2: memref<10000x128xf32, #tpu.memory_space<hbm>>, %arg3: memref<2560x125xi32, #tpu.memory_space<hbm>>, %arg4: memref<2560x125xi32, #tpu.memory_space<hbm>>, %arg5: memref<2x10000x128xf32, #tpu.memory_space<hbm>>, %arg6: memref<80x125xi32, #tpu.memory_space<vmem>>, %arg7: memref<80x125xi32, #tpu.memory_space<vmem>>, %arg8: memref<125x128xf32, #tpu.memory_space<vmem>>, %arg9: memref<104x128xf32, #tpu.memory_space<vmem>>, %arg10: memref<10000x128xf32, #tpu.memory_space<vmem_shared>>, %arg11: memref<!tpu.dma_semaphore, #tpu.memory_space<semaphore_mem>>) attributes {dimension_semantics = [#tpu.dimension_semantics<core_parallel>, #tpu.dimension_semantics<subcore_parallel>], iteration_bounds = array<i64: 2, 16>, scalar_prefetch = 0 : i64, scratch_operands = 6 : i64, tpu.core_type = #tpu.core_type<sc_vector_subcore>, window_params = [{transform_indices = #map}, {transform_indices = #map}, {transform_indices = #map}, {transform_indices = #map1}]} {
    %mul3A = arith.constant 16 : i32
    %mul3A_0 = arith.muli %arg0, %mul3A : i32
    %add3A = arith.addi %mul3A_0, %arg1 : i32
    %broadcast_in_dim3A = arith.constant 0.000000e+00 : f32
    %broadcast_in_dim3A_1 = vector.broadcast %broadcast_in_dim3A : f32 to vector<16xf32>
    %scan3A = arith.constant 0 : i32
    %scan3A_2 = arith.constant 0 : i32
    %scan3A_3 = arith.constant 104 : i32
    %scan3A_4 = arith.addi %scan3A_2, %scan3A_3 : i32
    %scan3A_5 = arith.constant 1 : i32
    scf.for %scan3A_49 = %scan3A_2 to %scan3A_4 step %scan3A_5  : i32 {
      %swap3A = arith.index_cast %scan3A_49 : i32 to index
      %swap3A_50 = arith.constant 0 : index
      %swap3A_51 = tpu.vector_load %arg9[%swap3A, %swap3A_50] {strides = array<i32>} : memref<104x128xf32, #tpu.memory_space<vmem>>, vector<1x16xf32>,
      %swap3A_52 = vector.shape_cast %swap3A_51 : vector<1x16xf32> to vector<16xf32>
      %swap3A_53 = vector.shape_cast %broadcast_in_dim3A_1 : vector<16xf32> to vector<1x16xf32>
      tpu.vector_store %arg9[%swap3A, %swap3A_50], %swap3A_53 {strides = array<i32>} : memref<104x128xf32, #tpu.memory_space<vmem>>, vector<1x16xf32>,
      %swap3A_54 = arith.index_cast %scan3A_49 : i32 to index
      %swap3A_55 = arith.constant 16 : index
      %swap3A_56 = tpu.vector_load %arg9[%swap3A_54, %swap3A_55] {strides = array<i32>} : memref<104x128xf32, #tpu.memory_space<vmem>>, vector<1x16xf32>,
      %swap3A_57 = vector.shape_cast %swap3A_56 : vector<1x16xf32> to vector<16xf32>
      %swap3A_58 = vector.shape_cast %broadcast_in_dim3A_1 : vector<16xf32> to vector<1x16xf32>
      tpu.vector_store %arg9[%swap3A_54, %swap3A_55], %swap3A_58 {strides = array<i32>} : memref<104x128xf32, #tpu.memory_space<vmem>>, vector<1x16xf32>,
      %swap3A_59 = arith.index_cast %scan3A_49 : i32 to index
      %swap3A_60 = arith.constant 32 : index
      %swap3A_61 = tpu.vector_load %arg9[%swap3A_59, %swap3A_60] {strides = array<i32>} : memref<104x128xf32, #tpu.memory_space<vmem>>, vector<1x16xf32>,
      %swap3A_62 = vector.shape_cast %swap3A_61 : vector<1x16xf32> to vector<16xf32>
      %swap3A_63 = vector.shape_cast %broadcast_in_dim3A_1 : vector<16xf32> to vector<1x16xf32>
      tpu.vector_store %arg9[%swap3A_59, %swap3A_60], %swap3A_63 {strides = array<i32>} : memref<104x128xf32, #tpu.memory_space<vmem>>, vector<1x16xf32>,
      %swap3A_64 = arith.index_cast %scan3A_49 : i32 to index
      %swap3A_65 = arith.constant 48 : index
      %swap3A_66 = tpu.vector_load %arg9[%swap3A_64, %swap3A_65] {strides = array<i32>} : memref<104x128xf32, #tpu.memory_space<vmem>>, vector<1x16xf32>,
      %swap3A_67 = vector.shape_cast %swap3A_66 : vector<1x16xf32> to vector<16xf32>
      %swap3A_68 = vector.shape_cast %broadcast_in_dim3A_1 : vector<16xf32> to vector<1x16xf32>
      tpu.vector_store %arg9[%swap3A_64, %swap3A_65], %swap3A_68 {strides = array<i32>} : memref<104x128xf32, #tpu.memory_space<vmem>>, vector<1x16xf32>,
      %swap3A_69 = arith.index_cast %scan3A_49 : i32 to index
      %swap3A_70 = arith.constant 64 : index
      %swap3A_71 = tpu.vector_load %arg9[%swap3A_69, %swap3A_70] {strides = array<i32>} : memref<104x128xf32, #tpu.memory_space<vmem>>, vector<1x16xf32>,
      %swap3A_72 = vector.shape_cast %swap3A_71 : vector<1x16xf32> to vector<16xf32>
      %swap3A_73 = vector.shape_cast %broadcast_in_dim3A_1 : vector<16xf32> to vector<1x16xf32>
      tpu.vector_store %arg9[%swap3A_69, %swap3A_70], %swap3A_73 {strides = array<i32>} : memref<104x128xf32, #tpu.memory_space<vmem>>, vector<1x16xf32>,
      %swap3A_74 = arith.index_cast %scan3A_49 : i32 to index
      %swap3A_75 = arith.constant 80 : index
      %swap3A_76 = tpu.vector_load %arg9[%swap3A_74, %swap3A_75] {strides = array<i32>} : memref<104x128xf32, #tpu.memory_space<vmem>>, vector<1x16xf32>,
      %swap3A_77 = vector.shape_cast %swap3A_76 : vector<1x16xf32> to vector<16xf32>
      %swap3A_78 = vector.shape_cast %broadcast_in_dim3A_1 : vector<16xf32> to vector<1x16xf32>
      tpu.vector_store %arg9[%swap3A_74, %swap3A_75], %swap3A_78 {strides = array<i32>} : memref<104x128xf32, #tpu.memory_space<vmem>>, vector<1x16xf32>,
      %swap3A_79 = arith.index_cast %scan3A_49 : i32 to index
      %swap3A_80 = arith.constant 96 : index
      %swap3A_81 = tpu.vector_load %arg9[%swap3A_79, %swap3A_80] {strides = array<i32>} : memref<104x128xf32, #tpu.memory_space<vmem>>, vector<1x16xf32>,
      %swap3A_82 = vector.shape_cast %swap3A_81 : vector<1x16xf32> to vector<16xf32>
      %swap3A_83 = vector.shape_cast %broadcast_in_dim3A_1 : vector<16xf32> to vector<1x16xf32>
      tpu.vector_store %arg9[%swap3A_79, %swap3A_80], %swap3A_83 {strides = array<i32>} : memref<104x128xf32, #tpu.memory_space<vmem>>, vector<1x16xf32>,
      %swap3A_84 = arith.index_cast %scan3A_49 : i32 to index
      %swap3A_85 = arith.constant 112 : index
      %swap3A_86 = tpu.vector_load %arg9[%swap3A_84, %swap3A_85] {strides = array<i32>} : memref<104x128xf32, #tpu.memory_space<vmem>>, vector<1x16xf32>,
      %swap3A_87 = vector.shape_cast %swap3A_86 : vector<1x16xf32> to vector<16xf32>
      %swap3A_88 = vector.shape_cast %broadcast_in_dim3A_1 : vector<16xf32> to vector<1x16xf32>
      tpu.vector_store %arg9[%swap3A_84, %swap3A_85], %swap3A_88 {strides = array<i32>} : memref<104x128xf32, #tpu.memory_space<vmem>>, vector<1x16xf32>,
    }
    %scan3A_6 = arith.constant 104 : i32
    %mul3A_7 = arith.constant 624 : i32
    %mul3A_8 = arith.muli %arg1, %mul3A_7 : i32
    %add3A_9 = arith.constant 0 : i32
    %add3A_10 = arith.addi %mul3A_8, %add3A_9 : i32
    "tpu.region"() ({
      %run_scoped3A = tpu.sem_alloc : memref<!tpu.dma_semaphore, #tpu.memory_space<semaphore_mem>>
      %dma_start3A = arith.constant 0 : i32
      %dma_start3A_49 = tpu.memref_slice %arg10[%add3A_10, %dma_start3A] : memref<10000x128xf32, #tpu.memory_space<vmem_shared>> -> memref<104x128xf32, #tpu.memory_space<vmem_shared>>
      %dma_start3A_50 = arith.constant 0 : i32
      %dma_start3A_51 = tpu.memref_slice %arg10[%add3A_10, %dma_start3A_50] : memref<10000x128xf32, #tpu.memory_space<vmem_shared>> -> memref<104x128xf32, #tpu.memory_space<vmem_shared>>
      tpu.enqueue_dma source(%arg9 : memref<104x128xf32, #tpu.memory_space<vmem>>) target(%dma_start3A_51 : memref<104x128xf32, #tpu.memory_space<vmem_shared>>) target_semaphore(%run_scoped3A : memref<!tpu.dma_semaphore, #tpu.memory_space<semaphore_mem>>)
      %dma_wait3A = arith.constant 0 : i32
      %dma_wait3A_52 = tpu.memref_slice %arg10[%add3A_10, %dma_wait3A] : memref<10000x128xf32, #tpu.memory_space<vmem_shared>> -> memref<104x128xf32, #tpu.memory_space<vmem_shared>>
      %dma_wait3A_53 = arith.constant 0 : i32
      %dma_wait3A_54 = tpu.memref_slice %arg10[%add3A_10, %dma_wait3A_53] : memref<10000x128xf32, #tpu.memory_space<vmem_shared>> -> memref<104x128xf32, #tpu.memory_space<vmem_shared>>
      tpu.wait_dma2 semaphore(%run_scoped3A : memref<!tpu.dma_semaphore, #tpu.memory_space<semaphore_mem>>) src(%arg9 : memref<104x128xf32, #tpu.memory_space<vmem>>) dst(%dma_wait3A_54 : memref<104x128xf32, #tpu.memory_space<vmem_shared>>)
      tpu.yield
    }) : () -> ()
    %add3A_11 = arith.constant 104 : i32
    %add3A_12 = arith.addi %mul3A_8, %add3A_11 : i32
    "tpu.region"() ({
      %run_scoped3A = tpu.sem_alloc : memref<!tpu.dma_semaphore, #tpu.memory_space<semaphore_mem>>
      %dma_start3A = arith.constant 0 : i32
      %dma_start3A_49 = tpu.memref_slice %arg10[%add3A_12, %dma_start3A] : memref<10000x128xf32, #tpu.memory_space<vmem_shared>> -> memref<104x128xf32, #tpu.memory_space<vmem_shared>>
      %dma_start3A_50 = arith.constant 0 : i32
      %dma_start3A_51 = tpu.memref_slice %arg10[%add3A_12, %dma_start3A_50] : memref<10000x128xf32, #tpu.memory_space<vmem_shared>> -> memref<104x128xf32, #tpu.memory_space<vmem_shared>>
      tpu.enqueue_dma source(%arg9 : memref<104x128xf32, #tpu.memory_space<vmem>>) target(%dma_start3A_51 : memref<104x128xf32, #tpu.memory_space<vmem_shared>>) target_semaphore(%run_scoped3A : memref<!tpu.dma_semaphore, #tpu.memory_space<semaphore_mem>>)
      %dma_wait3A = arith.constant 0 : i32
      %dma_wait3A_52 = tpu.memref_slice %arg10[%add3A_12, %dma_wait3A] : memref<10000x128xf32, #tpu.memory_space<vmem_shared>> -> memref<104x128xf32, #tpu.memory_space<vmem_shared>>
      %dma_wait3A_53 = arith.constant 0 : i32
      %dma_wait3A_54 = tpu.memref_slice %arg10[%add3A_12, %dma_wait3A_53] : memref<10000x128xf32, #tpu.memory_space<vmem_shared>> -> memref<104x128xf32, #tpu.memory_space<vmem_shared>>
      tpu.wait_dma2 semaphore(%run_scoped3A : memref<!tpu.dma_semaphore, #tpu.memory_space<semaphore_mem>>) src(%arg9 : memref<104x128xf32, #tpu.memory_space<vmem>>) dst(%dma_wait3A_54 : memref<104x128xf32, #tpu.memory_space<vmem_shared>>)
      tpu.yield
    }) : () -> ()
    %add3A_13 = arith.constant 208 : i32
    %add3A_14 = arith.addi %mul3A_8, %add3A_13 : i32
    "tpu.region"() ({
      %run_scoped3A = tpu.sem_alloc : memref<!tpu.dma_semaphore, #tpu.memory_space<semaphore_mem>>
      %dma_start3A = arith.constant 0 : i32
      %dma_start3A_49 = tpu.memref_slice %arg10[%add3A_14, %dma_start3A] : memref<10000x128xf32, #tpu.memory_space<vmem_shared>> -> memref<104x128xf32, #tpu.memory_space<vmem_shared>>
      %dma_start3A_50 = arith.constant 0 : i32
      %dma_start3A_51 = tpu.memref_slice %arg10[%add3A_14, %dma_start3A_50] : memref<10000x128xf32, #tpu.memory_space<vmem_shared>> -> memref<104x128xf32, #tpu.memory_space<vmem_shared>>
      tpu.enqueue_dma source(%arg9 : memref<104x128xf32, #tpu.memory_space<vmem>>) target(%dma_start3A_51 : memref<104x128xf32, #tpu.memory_space<vmem_shared>>) target_semaphore(%run_scoped3A : memref<!tpu.dma_semaphore, #tpu.memory_space<semaphore_mem>>)
      %dma_wait3A = arith.constant 0 : i32
      %dma_wait3A_52 = tpu.memref_slice %arg10[%add3A_14, %dma_wait3A] : memref<10000x128xf32, #tpu.memory_space<vmem_shared>> -> memref<104x128xf32, #tpu.memory_space<vmem_shared>>
      %dma_wait3A_53 = arith.constant 0 : i32
      %dma_wait3A_54 = tpu.memref_slice %arg10[%add3A_14, %dma_wait3A_53] : memref<10000x128xf32, #tpu.memory_space<vmem_shared>> -> memref<104x128xf32, #tpu.memory_space<vmem_shared>>
      tpu.wait_dma2 semaphore(%run_scoped3A : memref<!tpu.dma_semaphore, #tpu.memory_space<semaphore_mem>>) src(%arg9 : memref<104x128xf32, #tpu.memory_space<vmem>>) dst(%dma_wait3A_54 : memref<104x128xf32, #tpu.memory_space<vmem_shared>>)
      tpu.yield
    }) : () -> ()
    %add3A_15 = arith.constant 312 : i32
    %add3A_16 = arith.addi %mul3A_8, %add3A_15 : i32
    "tpu.region"() ({
      %run_scoped3A = tpu.sem_alloc : memref<!tpu.dma_semaphore, #tpu.memory_space<semaphore_mem>>
      %dma_start3A = arith.constant 0 : i32
      %dma_start3A_49 = tpu.memref_slice %arg10[%add3A_16, %dma_start3A] : memref<10000x128xf32, #tpu.memory_space<vmem_shared>> -> memref<104x128xf32, #tpu.memory_space<vmem_shared>>
      %dma_start3A_50 = arith.constant 0 : i32
      %dma_start3A_51 = tpu.memref_slice %arg10[%add3A_16, %dma_start3A_50] : memref<10000x128xf32, #tpu.memory_space<vmem_shared>> -> memref<104x128xf32, #tpu.memory_space<vmem_shared>>
      tpu.enqueue_dma source(%arg9 : memref<104x128xf32, #tpu.memory_space<vmem>>) target(%dma_start3A_51 : memref<104x128xf32, #tpu.memory_space<vmem_shared>>) target_semaphore(%run_scoped3A : memref<!tpu.dma_semaphore, #tpu.memory_space<semaphore_mem>>)
      %dma_wait3A = arith.constant 0 : i32
      %dma_wait3A_52 = tpu.memref_slice %arg10[%add3A_16, %dma_wait3A] : memref<10000x128xf32, #tpu.memory_space<vmem_shared>> -> memref<104x128xf32, #tpu.memory_space<vmem_shared>>
      %dma_wait3A_53 = arith.constant 0 : i32
      %dma_wait3A_54 = tpu.memref_slice %arg10[%add3A_16, %dma_wait3A_53] : memref<10000x128xf32, #tpu.memory_space<vmem_shared>> -> memref<104x128xf32, #tpu.memory_space<vmem_shared>>
      tpu.wait_dma2 semaphore(%run_scoped3A : memref<!tpu.dma_semaphore, #tpu.memory_space<semaphore_mem>>) src(%arg9 : memref<104x128xf32, #tpu.memory_space<vmem>>) dst(%dma_wait3A_54 : memref<104x128xf32, #tpu.memory_space<vmem_shared>>)
      tpu.yield
    }) : () -> ()
    %add3A_17 = arith.constant 416 : i32
    %add3A_18 = arith.addi %mul3A_8, %add3A_17 : i32
    "tpu.region"() ({
      %run_scoped3A = tpu.sem_alloc : memref<!tpu.dma_semaphore, #tpu.memory_space<semaphore_mem>>
      %dma_start3A = arith.constant 0 : i32
      %dma_start3A_49 = tpu.memref_slice %arg10[%add3A_18, %dma_start3A] : memref<10000x128xf32, #tpu.memory_space<vmem_shared>> -> memref<104x128xf32, #tpu.memory_space<vmem_shared>>
      %dma_start3A_50 = arith.constant 0 : i32
      %dma_start3A_51 = tpu.memref_slice %arg10[%add3A_18, %dma_start3A_50] : memref<10000x128xf32, #tpu.memory_space<vmem_shared>> -> memref<104x128xf32, #tpu.memory_space<vmem_shared>>
      tpu.enqueue_dma source(%arg9 : memref<104x128xf32, #tpu.memory_space<vmem>>) target(%dma_start3A_51 : memref<104x128xf32, #tpu.memory_space<vmem_shared>>) target_semaphore(%run_scoped3A : memref<!tpu.dma_semaphore, #tpu.memory_space<semaphore_mem>>)
      %dma_wait3A = arith.constant 0 : i32
      %dma_wait3A_52 = tpu.memref_slice %arg10[%add3A_18, %dma_wait3A] : memref<10000x128xf32, #tpu.memory_space<vmem_shared>> -> memref<104x128xf32, #tpu.memory_space<vmem_shared>>
      %dma_wait3A_53 = arith.constant 0 : i32
      %dma_wait3A_54 = tpu.memref_slice %arg10[%add3A_18, %dma_wait3A_53] : memref<10000x128xf32, #tpu.memory_space<vmem_shared>> -> memref<104x128xf32, #tpu.memory_space<vmem_shared>>
      tpu.wait_dma2 semaphore(%run_scoped3A : memref<!tpu.dma_semaphore, #tpu.memory_space<semaphore_mem>>) src(%arg9 : memref<104x128xf32, #tpu.memory_space<vmem>>) dst(%dma_wait3A_54 : memref<104x128xf32, #tpu.memory_space<vmem_shared>>)
      tpu.yield
    }) : () -> ()
    %add3A_19 = arith.constant 520 : i32
    %add3A_20 = arith.addi %mul3A_8, %add3A_19 : i32
    "tpu.region"() ({
      %run_scoped3A = tpu.sem_alloc : memref<!tpu.dma_semaphore, #tpu.memory_space<semaphore_mem>>
      %dma_start3A = arith.constant 0 : i32
      %dma_start3A_49 = tpu.memref_slice %arg10[%add3A_20, %dma_start3A] : memref<10000x128xf32, #tpu.memory_space<vmem_shared>> -> memref<104x128xf32, #tpu.memory_space<vmem_shared>>
      %dma_start3A_50 = arith.constant 0 : i32
      %dma_start3A_51 = tpu.memref_slice %arg10[%add3A_20, %dma_start3A_50] : memref<10000x128xf32, #tpu.memory_space<vmem_shared>> -> memref<104x128xf32, #tpu.memory_space<vmem_shared>>
      tpu.enqueue_dma source(%arg9 : memref<104x128xf32, #tpu.memory_space<vmem>>) target(%dma_start3A_51 : memref<104x128xf32, #tpu.memory_space<vmem_shared>>) target_semaphore(%run_scoped3A : memref<!tpu.dma_semaphore, #tpu.memory_space<semaphore_mem>>)
      %dma_wait3A = arith.constant 0 : i32
      %dma_wait3A_52 = tpu.memref_slice %arg10[%add3A_20, %dma_wait3A] : memref<10000x128xf32, #tpu.memory_space<vmem_shared>> -> memref<104x128xf32, #tpu.memory_space<vmem_shared>>
      %dma_wait3A_53 = arith.constant 0 : i32
      %dma_wait3A_54 = tpu.memref_slice %arg10[%add3A_20, %dma_wait3A_53] : memref<10000x128xf32, #tpu.memory_space<vmem_shared>> -> memref<104x128xf32, #tpu.memory_space<vmem_shared>>
      tpu.wait_dma2 semaphore(%run_scoped3A : memref<!tpu.dma_semaphore, #tpu.memory_space<semaphore_mem>>) src(%arg9 : memref<104x128xf32, #tpu.memory_space<vmem>>) dst(%dma_wait3A_54 : memref<104x128xf32, #tpu.memory_space<vmem_shared>>)
      tpu.yield
    }) : () -> ()
    %eq3A = arith.constant 15 : i32
    %eq3A_21 = arith.cmpi eq, %arg1, %eq3A : i32
    %convert_element_type3A = arith.extui %eq3A_21 : i1 to i32
    %cond3A = arith.constant 0 : i32
    %cond3A_22 = arith.cmpi ne, %convert_element_type3A, %cond3A : i32
    scf.if %cond3A_22 {
      "tpu.region"() ({
        %run_scoped3A = tpu.sem_alloc : memref<!tpu.dma_semaphore, #tpu.memory_space<semaphore_mem>>
        %dma_start3A = arith.constant 0 : i32
        %dma_start3A_49 = arith.constant 0 : i32
        %dma_start3A_50 = tpu.memref_slice %arg9[%dma_start3A, %dma_start3A_49] : memref<104x128xf32, #tpu.memory_space<vmem>> -> memref<16x128xf32, #tpu.memory_space<vmem>>
        %dma_start3A_51 = arith.constant 9984 : i32
        %dma_start3A_52 = arith.constant 0 : i32
        %dma_start3A_53 = tpu.memref_slice %arg10[%dma_start3A_51, %dma_start3A_52] : memref<10000x128xf32, #tpu.memory_space<vmem_shared>> -> memref<16x128xf32, #tpu.memory_space<vmem_shared>>
        %dma_start3A_54 = arith.constant 9984 : i32
        %dma_start3A_55 = arith.constant 0 : i32
        %dma_start3A_56 = tpu.memref_slice %arg10[%dma_start3A_54, %dma_start3A_55] : memref<10000x128xf32, #tpu.memory_space<vmem_shared>> -> memref<16x128xf32, #tpu.memory_space<vmem_shared>>
        %dma_start3A_57 = arith.constant 0 : i32
        %dma_start3A_58 = arith.constant 0 : i32
        %dma_start3A_59 = tpu.memref_slice %arg9[%dma_start3A_57, %dma_start3A_58] : memref<104x128xf32, #tpu.memory_space<vmem>> -> memref<16x128xf32, #tpu.memory_space<vmem>>
        tpu.enqueue_dma source(%dma_start3A_59 : memref<16x128xf32, #tpu.memory_space<vmem>>) target(%dma_start3A_56 : memref<16x128xf32, #tpu.memory_space<vmem_shared>>) target_semaphore(%run_scoped3A : memref<!tpu.dma_semaphore, #tpu.memory_space<semaphore_mem>>)
        %dma_wait3A = arith.constant 0 : i32
        %dma_wait3A_60 = arith.constant 0 : i32
        %dma_wait3A_61 = tpu.memref_slice %arg9[%dma_wait3A, %dma_wait3A_60] : memref<104x128xf32, #tpu.memory_space<vmem>> -> memref<16x128xf32, #tpu.memory_space<vmem>>
        %dma_wait3A_62 = arith.constant 9984 : i32
        %dma_wait3A_63 = arith.constant 0 : i32
        %dma_wait3A_64 = tpu.memref_slice %arg10[%dma_wait3A_62, %dma_wait3A_63] : memref<10000x128xf32, #tpu.memory_space<vmem_shared>> -> memref<16x128xf32, #tpu.memory_space<vmem_shared>>
        %dma_wait3A_65 = arith.constant 9984 : i32
        %dma_wait3A_66 = arith.constant 0 : i32
        %dma_wait3A_67 = tpu.memref_slice %arg10[%dma_wait3A_65, %dma_wait3A_66] : memref<10000x128xf32, #tpu.memory_space<vmem_shared>> -> memref<16x128xf32, #tpu.memory_space<vmem_shared>>
        %dma_wait3A_68 = arith.constant 0 : i32
        %dma_wait3A_69 = arith.constant 0 : i32
        %dma_wait3A_70 = tpu.memref_slice %arg9[%dma_wait3A_68, %dma_wait3A_69] : memref<104x128xf32, #tpu.memory_space<vmem>> -> memref<16x128xf32, #tpu.memory_space<vmem>>
        tpu.wait_dma2 semaphore(%run_scoped3A : memref<!tpu.dma_semaphore, #tpu.memory_space<semaphore_mem>>) src(%dma_wait3A_70 : memref<16x128xf32, #tpu.memory_space<vmem>>) dst(%dma_wait3A_67 : memref<16x128xf32, #tpu.memory_space<vmem_shared>>)
        tpu.yield
      }) : () -> ()
    } else {
    }
    %barrier3A = arith.constant 0 : index
    tpu.barrier barrier_id(%barrier3A)
    %mul3A_23 = arith.constant 80 : i32
    %mul3A_24 = arith.muli %add3A, %mul3A_23 : i32
    "tpu.region"() ({
      %run_scoped3A = tpu.sem_alloc : memref<!tpu.dma_semaphore, #tpu.memory_space<semaphore_mem>>
      %dma_start3A = arith.constant 0 : i32
      %dma_start3A_49 = tpu.memref_slice %arg3[%mul3A_24, %dma_start3A] : memref<2560x125xi32, #tpu.memory_space<hbm>> -> memref<80x125xi32, #tpu.memory_space<hbm>>
      %dma_start3A_50 = arith.constant 0 : i32
      %dma_start3A_51 = tpu.memref_slice %arg3[%mul3A_24, %dma_start3A_50] : memref<2560x125xi32, #tpu.memory_space<hbm>> -> memref<80x125xi32, #tpu.memory_space<hbm>>
      tpu.enqueue_dma source(%dma_start3A_51 : memref<80x125xi32, #tpu.memory_space<hbm>>) target(%arg6 : memref<80x125xi32, #tpu.memory_space<vmem>>) target_semaphore(%run_scoped3A : memref<!tpu.dma_semaphore, #tpu.memory_space<semaphore_mem>>)
      %dma_wait3A = arith.constant 0 : i32
      %dma_wait3A_52 = tpu.memref_slice %arg3[%mul3A_24, %dma_wait3A] : memref<2560x125xi32, #tpu.memory_space<hbm>> -> memref<80x125xi32, #tpu.memory_space<hbm>>
      %dma_wait3A_53 = arith.constant 0 : i32
      %dma_wait3A_54 = tpu.memref_slice %arg3[%mul3A_24, %dma_wait3A_53] : memref<2560x125xi32, #tpu.memory_space<hbm>> -> memref<80x125xi32, #tpu.memory_space<hbm>>
      tpu.wait_dma2 semaphore(%run_scoped3A : memref<!tpu.dma_semaphore, #tpu.memory_space<semaphore_mem>>) src(%dma_wait3A_54 : memref<80x125xi32, #tpu.memory_space<hbm>>) dst(%arg6 : memref<80x125xi32, #tpu.memory_space<vmem>>)
      tpu.yield
    }) : () -> ()
    "tpu.region"() ({
      %run_scoped3A = tpu.sem_alloc : memref<!tpu.dma_semaphore, #tpu.memory_space<semaphore_mem>>
      %dma_start3A = arith.constant 0 : i32
      %dma_start3A_49 = tpu.memref_slice %arg4[%mul3A_24, %dma_start3A] : memref<2560x125xi32, #tpu.memory_space<hbm>> -> memref<80x125xi32, #tpu.memory_space<hbm>>
      %dma_start3A_50 = arith.constant 0 : i32
      %dma_start3A_51 = tpu.memref_slice %arg4[%mul3A_24, %dma_start3A_50] : memref<2560x125xi32, #tpu.memory_space<hbm>> -> memref<80x125xi32, #tpu.memory_space<hbm>>
      tpu.enqueue_dma source(%dma_start3A_51 : memref<80x125xi32, #tpu.memory_space<hbm>>) target(%arg7 : memref<80x125xi32, #tpu.memory_space<vmem>>) target_semaphore(%run_scoped3A : memref<!tpu.dma_semaphore, #tpu.memory_space<semaphore_mem>>)
      %dma_wait3A = arith.constant 0 : i32
      %dma_wait3A_52 = tpu.memref_slice %arg4[%mul3A_24, %dma_wait3A] : memref<2560x125xi32, #tpu.memory_space<hbm>> -> memref<80x125xi32, #tpu.memory_space<hbm>>
      %dma_wait3A_53 = arith.constant 0 : i32
      %dma_wait3A_54 = tpu.memref_slice %arg4[%mul3A_24, %dma_wait3A_53] : memref<2560x125xi32, #tpu.memory_space<hbm>> -> memref<80x125xi32, #tpu.memory_space<hbm>>
      tpu.wait_dma2 semaphore(%run_scoped3A : memref<!tpu.dma_semaphore, #tpu.memory_space<semaphore_mem>>) src(%dma_wait3A_54 : memref<80x125xi32, #tpu.memory_space<hbm>>) dst(%arg7 : memref<80x125xi32, #tpu.memory_space<vmem>>)
      tpu.yield
    }) : () -> ()
    %scan3A_25 = arith.constant 0 : i32
    %scan3A_26 = arith.constant 0 : i32
    %scan3A_27 = arith.constant 80 : i32
    %scan3A_28 = arith.addi %scan3A_26, %scan3A_27 : i32
    %scan3A_29 = arith.constant 1 : i32
    scf.for %scan3A_49 = %scan3A_26 to %scan3A_28 step %scan3A_29  : i32 {
      %dma_start3A = arith.constant 0 : i32
      %dma_start3A_50 = tpu.memref_slice %arg6[%scan3A_49, %dma_start3A] : memref<80x125xi32, #tpu.memory_space<vmem>> -> memref<1x125xi32, #tpu.memory_space<vmem>>
      %dma_start3A_51 = tpu.memref_squeeze %dma_start3A_50 : memref<1x125xi32, #tpu.memory_space<vmem>> -> memref<125xi32, #tpu.memory_space<vmem>>
      %dma_start3A_52 = arith.constant 0 : i32
      %dma_start3A_53 = arith.constant 0 : i32
      %dma_start3A_54 = tpu.memref_slice %arg2[%dma_start3A_52, %dma_start3A_53] : memref<10000x128xf32, #tpu.memory_space<hbm>> -> memref<10000x128xf32, #tpu.memory_space<hbm>>
      tpu.enqueue_indirect_dma source(%dma_start3A_54 : memref<10000x128xf32, #tpu.memory_space<hbm>>) target(%arg8 : memref<125x128xf32, #tpu.memory_space<vmem>>) offsets(%dma_start3A_51 : memref<125xi32, #tpu.memory_space<vmem>>) semaphore(%arg11 : memref<!tpu.dma_semaphore, #tpu.memory_space<semaphore_mem>>)
      %dma_wait3A = arith.constant 0 : i32
      %dma_wait3A_55 = tpu.memref_slice %arg6[%scan3A_49, %dma_wait3A] : memref<80x125xi32, #tpu.memory_space<vmem>> -> memref<1x125xi32, #tpu.memory_space<vmem>>
      %dma_wait3A_56 = tpu.memref_squeeze %dma_wait3A_55 : memref<1x125xi32, #tpu.memory_space<vmem>> -> memref<125xi32, #tpu.memory_space<vmem>>
      %dma_wait3A_57 = arith.constant 0 : i32
      %dma_wait3A_58 = arith.constant 0 : i32
      %dma_wait3A_59 = tpu.memref_slice %arg2[%dma_wait3A_57, %dma_wait3A_58] : memref<10000x128xf32, #tpu.memory_space<hbm>> -> memref<10000x128xf32, #tpu.memory_space<hbm>>
      tpu.wait_indirect_dma semaphore(%arg11 : memref<!tpu.dma_semaphore, #tpu.memory_space<semaphore_mem>>) src(%dma_wait3A_59 : memref<10000x128xf32, #tpu.memory_space<hbm>>) dst(%arg8 : memref<125x128xf32, #tpu.memory_space<vmem>>)
      "tpu.region"() ({
        %run_scoped3A = tpu.sem_alloc : memref<!tpu.dma_semaphore, #tpu.memory_space<semaphore_mem>>
        %dma_start3A_60 = arith.constant 0 : i32
        %dma_start3A_61 = tpu.memref_slice %arg7[%scan3A_49, %dma_start3A_60] : memref<80x125xi32, #tpu.memory_space<vmem>> -> memref<1x125xi32, #tpu.memory_space<vmem>>
        %dma_start3A_62 = tpu.memref_squeeze %dma_start3A_61 : memref<1x125xi32, #tpu.memory_space<vmem>> -> memref<125xi32, #tpu.memory_space<vmem>>
        %dma_start3A_63 = arith.constant 0 : i32
        %dma_start3A_64 = arith.constant 0 : i32
        %dma_start3A_65 = tpu.memref_slice %arg10[%dma_start3A_63, %dma_start3A_64] : memref<10000x128xf32, #tpu.memory_space<vmem_shared>> -> memref<10000x128xf32, #tpu.memory_space<vmem_shared>>
        tpu.enqueue_indirect_dma source(%arg8 : memref<125x128xf32, #tpu.memory_space<vmem>>) target(%dma_start3A_65 : memref<10000x128xf32, #tpu.memory_space<vmem_shared>>) offsets(%dma_start3A_62 : memref<125xi32, #tpu.memory_space<vmem>>) semaphore(%run_scoped3A : memref<!tpu.dma_semaphore, #tpu.memory_space<semaphore_mem>>) {add = true}
        %dma_wait3A_66 = arith.constant 0 : i32
        %dma_wait3A_67 = tpu.memref_slice %arg7[%scan3A_49, %dma_wait3A_66] : memref<80x125xi32, #tpu.memory_space<vmem>> -> memref<1x125xi32, #tpu.memory_space<vmem>>
        %dma_wait3A_68 = tpu.memref_squeeze %dma_wait3A_67 : memref<1x125xi32, #tpu.memory_space<vmem>> -> memref<125xi32, #tpu.memory_space<vmem>>
        %dma_wait3A_69 = arith.constant 0 : i32
        %dma_wait3A_70 = arith.constant 0 : i32
        %dma_wait3A_71 = tpu.memref_slice %arg10[%dma_wait3A_69, %dma_wait3A_70] : memref<10000x128xf32, #tpu.memory_space<vmem_shared>> -> memref<10000x128xf32, #tpu.memory_space<vmem_shared>>
        tpu.wait_indirect_dma semaphore(%run_scoped3A : memref<!tpu.dma_semaphore, #tpu.memory_space<semaphore_mem>>) src(%arg8 : memref<125x128xf32, #tpu.memory_space<vmem>>) dst(%dma_wait3A_71 : memref<10000x128xf32, #tpu.memory_space<vmem_shared>>)
        tpu.yield
      }) : () -> ()
    }
    %scan3A_30 = arith.constant 80 : i32
    %barrier3A_31 = arith.constant 0 : index
    tpu.barrier barrier_id(%barrier3A_31)
    %add3A_32 = arith.constant 0 : i32
    %add3A_33 = arith.addi %mul3A_8, %add3A_32 : i32
    "tpu.region"() ({
      %run_scoped3A = tpu.sem_alloc : memref<!tpu.dma_semaphore, #tpu.memory_space<semaphore_mem>>
      %dma_start3A = arith.constant 0 : i32
      %dma_start3A_49 = tpu.memref_slice %arg10[%add3A_33, %dma_start3A] : memref<10000x128xf32, #tpu.memory_space<vmem_shared>> -> memref<104x128xf32, #tpu.memory_space<vmem_shared>>
      %dma_start3A_50 = arith.constant 0 : i32
      %dma_start3A_51 = tpu.memref_slice %arg10[%add3A_33, %dma_start3A_50] : memref<10000x128xf32, #tpu.memory_space<vmem_shared>> -> memref<104x128xf32, #tpu.memory_space<vmem_shared>>
      tpu.enqueue_dma source(%dma_start3A_51 : memref<104x128xf32, #tpu.memory_space<vmem_shared>>) target(%arg9 : memref<104x128xf32, #tpu.memory_space<vmem>>) target_semaphore(%run_scoped3A : memref<!tpu.dma_semaphore, #tpu.memory_space<semaphore_mem>>)
      %dma_wait3A = arith.constant 0 : i32
      %dma_wait3A_52 = tpu.memref_slice %arg10[%add3A_33, %dma_wait3A] : memref<10000x128xf32, #tpu.memory_space<vmem_shared>> -> memref<104x128xf32, #tpu.memory_space<vmem_shared>>
      %dma_wait3A_53 = arith.constant 0 : i32
      %dma_wait3A_54 = tpu.memref_slice %arg10[%add3A_33, %dma_wait3A_53] : memref<10000x128xf32, #tpu.memory_space<vmem_shared>> -> memref<104x128xf32, #tpu.memory_space<vmem_shared>>
      tpu.wait_dma2 semaphore(%run_scoped3A : memref<!tpu.dma_semaphore, #tpu.memory_space<semaphore_mem>>) src(%dma_wait3A_54 : memref<104x128xf32, #tpu.memory_space<vmem_shared>>) dst(%arg9 : memref<104x128xf32, #tpu.memory_space<vmem>>)
      tpu.yield
    }) : () -> ()
    "tpu.region"() ({
      %run_scoped3A = tpu.sem_alloc : memref<!tpu.dma_semaphore, #tpu.memory_space<semaphore_mem>>
      %dma_start3A = arith.constant 0 : i32
      %dma_start3A_49 = tpu.memref_slice %arg5[%arg0, %add3A_33, %dma_start3A] : memref<2x10000x128xf32, #tpu.memory_space<hbm>> -> memref<1x104x128xf32, #tpu.memory_space<hbm>>
      %dma_start3A_50 = tpu.memref_squeeze %dma_start3A_49 : memref<1x104x128xf32, #tpu.memory_space<hbm>> -> memref<104x128xf32, #tpu.memory_space<hbm>>
      %dma_start3A_51 = arith.constant 0 : i32
      %dma_start3A_52 = tpu.memref_slice %arg5[%arg0, %add3A_33, %dma_start3A_51] : memref<2x10000x128xf32, #tpu.memory_space<hbm>> -> memref<1x104x128xf32, #tpu.memory_space<hbm>>
      %dma_start3A_53 = tpu.memref_squeeze %dma_start3A_52 : memref<1x104x128xf32, #tpu.memory_space<hbm>> -> memref<104x128xf32, #tpu.memory_space<hbm>>
      tpu.enqueue_dma source(%arg9 : memref<104x128xf32, #tpu.memory_space<vmem>>) target(%dma_start3A_53 : memref<104x128xf32, #tpu.memory_space<hbm>>) target_semaphore(%run_scoped3A : memref<!tpu.dma_semaphore, #tpu.memory_space<semaphore_mem>>)
      %dma_wait3A = arith.constant 0 : i32
      %dma_wait3A_54 = tpu.memref_slice %arg5[%arg0, %add3A_33, %dma_wait3A] : memref<2x10000x128xf32, #tpu.memory_space<hbm>> -> memref<1x104x128xf32, #tpu.memory_space<hbm>>
      %dma_wait3A_55 = tpu.memref_squeeze %dma_wait3A_54 : memref<1x104x128xf32, #tpu.memory_space<hbm>> -> memref<104x128xf32, #tpu.memory_space<hbm>>
      %dma_wait3A_56 = arith.constant 0 : i32
      %dma_wait3A_57 = tpu.memref_slice %arg5[%arg0, %add3A_33, %dma_wait3A_56] : memref<2x10000x128xf32, #tpu.memory_space<hbm>> -> memref<1x104x128xf32, #tpu.memory_space<hbm>>
      %dma_wait3A_58 = tpu.memref_squeeze %dma_wait3A_57 : memref<1x104x128xf32, #tpu.memory_space<hbm>> -> memref<104x128xf32, #tpu.memory_space<hbm>>
      tpu.wait_dma2 semaphore(%run_scoped3A : memref<!tpu.dma_semaphore, #tpu.memory_space<semaphore_mem>>) src(%arg9 : memref<104x128xf32, #tpu.memory_space<vmem>>) dst(%dma_wait3A_58 : memref<104x128xf32, #tpu.memory_space<hbm>>)
      tpu.yield
    }) : () -> ()
    %add3A_34 = arith.constant 104 : i32
    %add3A_35 = arith.addi %mul3A_8, %add3A_34 : i32
    "tpu.region"() ({
      %run_scoped3A = tpu.sem_alloc : memref<!tpu.dma_semaphore, #tpu.memory_space<semaphore_mem>>
      %dma_start3A = arith.constant 0 : i32
      %dma_start3A_49 = tpu.memref_slice %arg10[%add3A_35, %dma_start3A] : memref<10000x128xf32, #tpu.memory_space<vmem_shared>> -> memref<104x128xf32, #tpu.memory_space<vmem_shared>>
      %dma_start3A_50 = arith.constant 0 : i32
      %dma_start3A_51 = tpu.memref_slice %arg10[%add3A_35, %dma_start3A_50] : memref<10000x128xf32, #tpu.memory_space<vmem_shared>> -> memref<104x128xf32, #tpu.memory_space<vmem_shared>>
      tpu.enqueue_dma source(%dma_start3A_51 : memref<104x128xf32, #tpu.memory_space<vmem_shared>>) target(%arg9 : memref<104x128xf32, #tpu.memory_space<vmem>>) target_semaphore(%run_scoped3A : memref<!tpu.dma_semaphore, #tpu.memory_space<semaphore_mem>>)
      %dma_wait3A = arith.constant 0 : i32
      %dma_wait3A_52 = tpu.memref_slice %arg10[%add3A_35, %dma_wait3A] : memref<10000x128xf32, #tpu.memory_space<vmem_shared>> -> memref<104x128xf32, #tpu.memory_space<vmem_shared>>
      %dma_wait3A_53 = arith.constant 0 : i32
      %dma_wait3A_54 = tpu.memref_slice %arg10[%add3A_35, %dma_wait3A_53] : memref<10000x128xf32, #tpu.memory_space<vmem_shared>> -> memref<104x128xf32, #tpu.memory_space<vmem_shared>>
      tpu.wait_dma2 semaphore(%run_scoped3A : memref<!tpu.dma_semaphore, #tpu.memory_space<semaphore_mem>>) src(%dma_wait3A_54 : memref<104x128xf32, #tpu.memory_space<vmem_shared>>) dst(%arg9 : memref<104x128xf32, #tpu.memory_space<vmem>>)
      tpu.yield
    }) : () -> ()
    "tpu.region"() ({
      %run_scoped3A = tpu.sem_alloc : memref<!tpu.dma_semaphore, #tpu.memory_space<semaphore_mem>>
      %dma_start3A = arith.constant 0 : i32
      %dma_start3A_49 = tpu.memref_slice %arg5[%arg0, %add3A_35, %dma_start3A] : memref<2x10000x128xf32, #tpu.memory_space<hbm>> -> memref<1x104x128xf32, #tpu.memory_space<hbm>>
      %dma_start3A_50 = tpu.memref_squeeze %dma_start3A_49 : memref<1x104x128xf32, #tpu.memory_space<hbm>> -> memref<104x128xf32, #tpu.memory_space<hbm>>
      %dma_start3A_51 = arith.constant 0 : i32
      %dma_start3A_52 = tpu.memref_slice %arg5[%arg0, %add3A_35, %dma_start3A_51] : memref<2x10000x128xf32, #tpu.memory_space<hbm>> -> memref<1x104x128xf32, #tpu.memory_space<hbm>>
      %dma_start3A_53 = tpu.memref_squeeze %dma_start3A_52 : memref<1x104x128xf32, #tpu.memory_space<hbm>> -> memref<104x128xf32, #tpu.memory_space<hbm>>
      tpu.enqueue_dma source(%arg9 : memref<104x128xf32, #tpu.memory_space<vmem>>) target(%dma_start3A_53 : memref<104x128xf32, #tpu.memory_space<hbm>>) target_semaphore(%run_scoped3A : memref<!tpu.dma_semaphore, #tpu.memory_space<semaphore_mem>>)
      %dma_wait3A = arith.constant 0 : i32
      %dma_wait3A_54 = tpu.memref_slice %arg5[%arg0, %add3A_35, %dma_wait3A] : memref<2x10000x128xf32, #tpu.memory_space<hbm>> -> memref<1x104x128xf32, #tpu.memory_space<hbm>>
      %dma_wait3A_55 = tpu.memref_squeeze %dma_wait3A_54 : memref<1x104x128xf32, #tpu.memory_space<hbm>> -> memref<104x128xf32, #tpu.memory_space<hbm>>
      %dma_wait3A_56 = arith.constant 0 : i32
      %dma_wait3A_57 = tpu.memref_slice %arg5[%arg0, %add3A_35, %dma_wait3A_56] : memref<2x10000x128xf32, #tpu.memory_space<hbm>> -> memref<1x104x128xf32, #tpu.memory_space<hbm>>
      %dma_wait3A_58 = tpu.memref_squeeze %dma_wait3A_57 : memref<1x104x128xf32, #tpu.memory_space<hbm>> -> memref<104x128xf32, #tpu.memory_space<hbm>>
      tpu.wait_dma2 semaphore(%run_scoped3A : memref<!tpu.dma_semaphore, #tpu.memory_space<semaphore_mem>>) src(%arg9 : memref<104x128xf32, #tpu.memory_space<vmem>>) dst(%dma_wait3A_58 : memref<104x128xf32, #tpu.memory_space<hbm>>)
      tpu.yield
    }) : () -> ()
    %add3A_36 = arith.constant 208 : i32
    %add3A_37 = arith.addi %mul3A_8, %add3A_36 : i32
    "tpu.region"() ({
      %run_scoped3A = tpu.sem_alloc : memref<!tpu.dma_semaphore, #tpu.memory_space<semaphore_mem>>
      %dma_start3A = arith.constant 0 : i32
      %dma_start3A_49 = tpu.memref_slice %arg10[%add3A_37, %dma_start3A] : memref<10000x128xf32, #tpu.memory_space<vmem_shared>> -> memref<104x128xf32, #tpu.memory_space<vmem_shared>>
      %dma_start3A_50 = arith.constant 0 : i32
      %dma_start3A_51 = tpu.memref_slice %arg10[%add3A_37, %dma_start3A_50] : memref<10000x128xf32, #tpu.memory_space<vmem_shared>> -> memref<104x128xf32, #tpu.memory_space<vmem_shared>>
      tpu.enqueue_dma source(%dma_start3A_51 : memref<104x128xf32, #tpu.memory_space<vmem_shared>>) target(%arg9 : memref<104x128xf32, #tpu.memory_space<vmem>>) target_semaphore(%run_scoped3A : memref<!tpu.dma_semaphore, #tpu.memory_space<semaphore_mem>>)
      %dma_wait3A = arith.constant 0 : i32
      %dma_wait3A_52 = tpu.memref_slice %arg10[%add3A_37, %dma_wait3A] : memref<10000x128xf32, #tpu.memory_space<vmem_shared>> -> memref<104x128xf32, #tpu.memory_space<vmem_shared>>
      %dma_wait3A_53 = arith.constant 0 : i32
      %dma_wait3A_54 = tpu.memref_slice %arg10[%add3A_37, %dma_wait3A_53] : memref<10000x128xf32, #tpu.memory_space<vmem_shared>> -> memref<104x128xf32, #tpu.memory_space<vmem_shared>>
      tpu.wait_dma2 semaphore(%run_scoped3A : memref<!tpu.dma_semaphore, #tpu.memory_space<semaphore_mem>>) src(%dma_wait3A_54 : memref<104x128xf32, #tpu.memory_space<vmem_shared>>) dst(%arg9 : memref<104x128xf32, #tpu.memory_space<vmem>>)
      tpu.yield
    }) : () -> ()
    "tpu.region"() ({
      %run_scoped3A = tpu.sem_alloc : memref<!tpu.dma_semaphore, #tpu.memory_space<semaphore_mem>>
      %dma_start3A = arith.constant 0 : i32
      %dma_start3A_49 = tpu.memref_slice %arg5[%arg0, %add3A_37, %dma_start3A] : memref<2x10000x128xf32, #tpu.memory_space<hbm>> -> memref<1x104x128xf32, #tpu.memory_space<hbm>>
      %dma_start3A_50 = tpu.memref_squeeze %dma_start3A_49 : memref<1x104x128xf32, #tpu.memory_space<hbm>> -> memref<104x128xf32, #tpu.memory_space<hbm>>
      %dma_start3A_51 = arith.constant 0 : i32
      %dma_start3A_52 = tpu.memref_slice %arg5[%arg0, %add3A_37, %dma_start3A_51] : memref<2x10000x128xf32, #tpu.memory_space<hbm>> -> memref<1x104x128xf32, #tpu.memory_space<hbm>>
      %dma_start3A_53 = tpu.memref_squeeze %dma_start3A_52 : memref<1x104x128xf32, #tpu.memory_space<hbm>> -> memref<104x128xf32, #tpu.memory_space<hbm>>
      tpu.enqueue_dma source(%arg9 : memref<104x128xf32, #tpu.memory_space<vmem>>) target(%dma_start3A_53 : memref<104x128xf32, #tpu.memory_space<hbm>>) target_semaphore(%run_scoped3A : memref<!tpu.dma_semaphore, #tpu.memory_space<semaphore_mem>>)
      %dma_wait3A = arith.constant 0 : i32
      %dma_wait3A_54 = tpu.memref_slice %arg5[%arg0, %add3A_37, %dma_wait3A] : memref<2x10000x128xf32, #tpu.memory_space<hbm>> -> memref<1x104x128xf32, #tpu.memory_space<hbm>>
      %dma_wait3A_55 = tpu.memref_squeeze %dma_wait3A_54 : memref<1x104x128xf32, #tpu.memory_space<hbm>> -> memref<104x128xf32, #tpu.memory_space<hbm>>
      %dma_wait3A_56 = arith.constant 0 : i32
      %dma_wait3A_57 = tpu.memref_slice %arg5[%arg0, %add3A_37, %dma_wait3A_56] : memref<2x10000x128xf32, #tpu.memory_space<hbm>> -> memref<1x104x128xf32, #tpu.memory_space<hbm>>
      %dma_wait3A_58 = tpu.memref_squeeze %dma_wait3A_57 : memref<1x104x128xf32, #tpu.memory_space<hbm>> -> memref<104x128xf32, #tpu.memory_space<hbm>>
      tpu.wait_dma2 semaphore(%run_scoped3A : memref<!tpu.dma_semaphore, #tpu.memory_space<semaphore_mem>>) src(%arg9 : memref<104x128xf32, #tpu.memory_space<vmem>>) dst(%dma_wait3A_58 : memref<104x128xf32, #tpu.memory_space<hbm>>)
      tpu.yield
    }) : () -> ()
    %add3A_38 = arith.constant 312 : i32
    %add3A_39 = arith.addi %mul3A_8, %add3A_38 : i32
    "tpu.region"() ({
      %run_scoped3A = tpu.sem_alloc : memref<!tpu.dma_semaphore, #tpu.memory_space<semaphore_mem>>
      %dma_start3A = arith.constant 0 : i32
      %dma_start3A_49 = tpu.memref_slice %arg10[%add3A_39, %dma_start3A] : memref<10000x128xf32, #tpu.memory_space<vmem_shared>> -> memref<104x128xf32, #tpu.memory_space<vmem_shared>>
      %dma_start3A_50 = arith.constant 0 : i32
      %dma_start3A_51 = tpu.memref_slice %arg10[%add3A_39, %dma_start3A_50] : memref<10000x128xf32, #tpu.memory_space<vmem_shared>> -> memref<104x128xf32, #tpu.memory_space<vmem_shared>>
      tpu.enqueue_dma source(%dma_start3A_51 : memref<104x128xf32, #tpu.memory_space<vmem_shared>>) target(%arg9 : memref<104x128xf32, #tpu.memory_space<vmem>>) target_semaphore(%run_scoped3A : memref<!tpu.dma_semaphore, #tpu.memory_space<semaphore_mem>>)
      %dma_wait3A = arith.constant 0 : i32
      %dma_wait3A_52 = tpu.memref_slice %arg10[%add3A_39, %dma_wait3A] : memref<10000x128xf32, #tpu.memory_space<vmem_shared>> -> memref<104x128xf32, #tpu.memory_space<vmem_shared>>
      %dma_wait3A_53 = arith.constant 0 : i32
      %dma_wait3A_54 = tpu.memref_slice %arg10[%add3A_39, %dma_wait3A_53] : memref<10000x128xf32, #tpu.memory_space<vmem_shared>> -> memref<104x128xf32, #tpu.memory_space<vmem_shared>>
      tpu.wait_dma2 semaphore(%run_scoped3A : memref<!tpu.dma_semaphore, #tpu.memory_space<semaphore_mem>>) src(%dma_wait3A_54 : memref<104x128xf32, #tpu.memory_space<vmem_shared>>) dst(%arg9 : memref<104x128xf32, #tpu.memory_space<vmem>>)
      tpu.yield
    }) : () -> ()
    "tpu.region"() ({
      %run_scoped3A = tpu.sem_alloc : memref<!tpu.dma_semaphore, #tpu.memory_space<semaphore_mem>>
      %dma_start3A = arith.constant 0 : i32
      %dma_start3A_49 = tpu.memref_slice %arg5[%arg0, %add3A_39, %dma_start3A] : memref<2x10000x128xf32, #tpu.memory_space<hbm>> -> memref<1x104x128xf32, #tpu.memory_space<hbm>>
      %dma_start3A_50 = tpu.memref_squeeze %dma_start3A_49 : memref<1x104x128xf32, #tpu.memory_space<hbm>> -> memref<104x128xf32, #tpu.memory_space<hbm>>
      %dma_start3A_51 = arith.constant 0 : i32
      %dma_start3A_52 = tpu.memref_slice %arg5[%arg0, %add3A_39, %dma_start3A_51] : memref<2x10000x128xf32, #tpu.memory_space<hbm>> -> memref<1x104x128xf32, #tpu.memory_space<hbm>>
      %dma_start3A_53 = tpu.memref_squeeze %dma_start3A_52 : memref<1x104x128xf32, #tpu.memory_space<hbm>> -> memref<104x128xf32, #tpu.memory_space<hbm>>
      tpu.enqueue_dma source(%arg9 : memref<104x128xf32, #tpu.memory_space<vmem>>) target(%dma_start3A_53 : memref<104x128xf32, #tpu.memory_space<hbm>>) target_semaphore(%run_scoped3A : memref<!tpu.dma_semaphore, #tpu.memory_space<semaphore_mem>>)
      %dma_wait3A = arith.constant 0 : i32
      %dma_wait3A_54 = tpu.memref_slice %arg5[%arg0, %add3A_39, %dma_wait3A] : memref<2x10000x128xf32, #tpu.memory_space<hbm>> -> memref<1x104x128xf32, #tpu.memory_space<hbm>>
      %dma_wait3A_55 = tpu.memref_squeeze %dma_wait3A_54 : memref<1x104x128xf32, #tpu.memory_space<hbm>> -> memref<104x128xf32, #tpu.memory_space<hbm>>
      %dma_wait3A_56 = arith.constant 0 : i32
      %dma_wait3A_57 = tpu.memref_slice %arg5[%arg0, %add3A_39, %dma_wait3A_56] : memref<2x10000x128xf32, #tpu.memory_space<hbm>> -> memref<1x104x128xf32, #tpu.memory_space<hbm>>
      %dma_wait3A_58 = tpu.memref_squeeze %dma_wait3A_57 : memref<1x104x128xf32, #tpu.memory_space<hbm>> -> memref<104x128xf32, #tpu.memory_space<hbm>>
      tpu.wait_dma2 semaphore(%run_scoped3A : memref<!tpu.dma_semaphore, #tpu.memory_space<semaphore_mem>>) src(%arg9 : memref<104x128xf32, #tpu.memory_space<vmem>>) dst(%dma_wait3A_58 : memref<104x128xf32, #tpu.memory_space<hbm>>)
      tpu.yield
    }) : () -> ()
    %add3A_40 = arith.constant 416 : i32
    %add3A_41 = arith.addi %mul3A_8, %add3A_40 : i32
    "tpu.region"() ({
      %run_scoped3A = tpu.sem_alloc : memref<!tpu.dma_semaphore, #tpu.memory_space<semaphore_mem>>
      %dma_start3A = arith.constant 0 : i32
      %dma_start3A_49 = tpu.memref_slice %arg10[%add3A_41, %dma_start3A] : memref<10000x128xf32, #tpu.memory_space<vmem_shared>> -> memref<104x128xf32, #tpu.memory_space<vmem_shared>>
      %dma_start3A_50 = arith.constant 0 : i32
      %dma_start3A_51 = tpu.memref_slice %arg10[%add3A_41, %dma_start3A_50] : memref<10000x128xf32, #tpu.memory_space<vmem_shared>> -> memref<104x128xf32, #tpu.memory_space<vmem_shared>>
      tpu.enqueue_dma source(%dma_start3A_51 : memref<104x128xf32, #tpu.memory_space<vmem_shared>>) target(%arg9 : memref<104x128xf32, #tpu.memory_space<vmem>>) target_semaphore(%run_scoped3A : memref<!tpu.dma_semaphore, #tpu.memory_space<semaphore_mem>>)
      %dma_wait3A = arith.constant 0 : i32
      %dma_wait3A_52 = tpu.memref_slice %arg10[%add3A_41, %dma_wait3A] : memref<10000x128xf32, #tpu.memory_space<vmem_shared>> -> memref<104x128xf32, #tpu.memory_space<vmem_shared>>
      %dma_wait3A_53 = arith.constant 0 : i32
      %dma_wait3A_54 = tpu.memref_slice %arg10[%add3A_41, %dma_wait3A_53] : memref<10000x128xf32, #tpu.memory_space<vmem_shared>> -> memref<104x128xf32, #tpu.memory_space<vmem_shared>>
      tpu.wait_dma2 semaphore(%run_scoped3A : memref<!tpu.dma_semaphore, #tpu.memory_space<semaphore_mem>>) src(%dma_wait3A_54 : memref<104x128xf32, #tpu.memory_space<vmem_shared>>) dst(%arg9 : memref<104x128xf32, #tpu.memory_space<vmem>>)
      tpu.yield
    }) : () -> ()
    "tpu.region"() ({
      %run_scoped3A = tpu.sem_alloc : memref<!tpu.dma_semaphore, #tpu.memory_space<semaphore_mem>>
      %dma_start3A = arith.constant 0 : i32
      %dma_start3A_49 = tpu.memref_slice %arg5[%arg0, %add3A_41, %dma_start3A] : memref<2x10000x128xf32, #tpu.memory_space<hbm>> -> memref<1x104x128xf32, #tpu.memory_space<hbm>>
      %dma_start3A_50 = tpu.memref_squeeze %dma_start3A_49 : memref<1x104x128xf32, #tpu.memory_space<hbm>> -> memref<104x128xf32, #tpu.memory_space<hbm>>
      %dma_start3A_51 = arith.constant 0 : i32
      %dma_start3A_52 = tpu.memref_slice %arg5[%arg0, %add3A_41, %dma_start3A_51] : memref<2x10000x128xf32, #tpu.memory_space<hbm>> -> memref<1x104x128xf32, #tpu.memory_space<hbm>>
      %dma_start3A_53 = tpu.memref_squeeze %dma_start3A_52 : memref<1x104x128xf32, #tpu.memory_space<hbm>> -> memref<104x128xf32, #tpu.memory_space<hbm>>
      tpu.enqueue_dma source(%arg9 : memref<104x128xf32, #tpu.memory_space<vmem>>) target(%dma_start3A_53 : memref<104x128xf32, #tpu.memory_space<hbm>>) target_semaphore(%run_scoped3A : memref<!tpu.dma_semaphore, #tpu.memory_space<semaphore_mem>>)
      %dma_wait3A = arith.constant 0 : i32
      %dma_wait3A_54 = tpu.memref_slice %arg5[%arg0, %add3A_41, %dma_wait3A] : memref<2x10000x128xf32, #tpu.memory_space<hbm>> -> memref<1x104x128xf32, #tpu.memory_space<hbm>>
      %dma_wait3A_55 = tpu.memref_squeeze %dma_wait3A_54 : memref<1x104x128xf32, #tpu.memory_space<hbm>> -> memref<104x128xf32, #tpu.memory_space<hbm>>
      %dma_wait3A_56 = arith.constant 0 : i32
      %dma_wait3A_57 = tpu.memref_slice %arg5[%arg0, %add3A_41, %dma_wait3A_56] : memref<2x10000x128xf32, #tpu.memory_space<hbm>> -> memref<1x104x128xf32, #tpu.memory_space<hbm>>
      %dma_wait3A_58 = tpu.memref_squeeze %dma_wait3A_57 : memref<1x104x128xf32, #tpu.memory_space<hbm>> -> memref<104x128xf32, #tpu.memory_space<hbm>>
      tpu.wait_dma2 semaphore(%run_scoped3A : memref<!tpu.dma_semaphore, #tpu.memory_space<semaphore_mem>>) src(%arg9 : memref<104x128xf32, #tpu.memory_space<vmem>>) dst(%dma_wait3A_58 : memref<104x128xf32, #tpu.memory_space<hbm>>)
      tpu.yield
    }) : () -> ()
    %add3A_42 = arith.constant 520 : i32
    %add3A_43 = arith.addi %mul3A_8, %add3A_42 : i32
    "tpu.region"() ({
      %run_scoped3A = tpu.sem_alloc : memref<!tpu.dma_semaphore, #tpu.memory_space<semaphore_mem>>
      %dma_start3A = arith.constant 0 : i32
      %dma_start3A_49 = tpu.memref_slice %arg10[%add3A_43, %dma_start3A] : memref<10000x128xf32, #tpu.memory_space<vmem_shared>> -> memref<104x128xf32, #tpu.memory_space<vmem_shared>>
      %dma_start3A_50 = arith.constant 0 : i32
      %dma_start3A_51 = tpu.memref_slice %arg10[%add3A_43, %dma_start3A_50] : memref<10000x128xf32, #tpu.memory_space<vmem_shared>> -> memref<104x128xf32, #tpu.memory_space<vmem_shared>>
      tpu.enqueue_dma source(%dma_start3A_51 : memref<104x128xf32, #tpu.memory_space<vmem_shared>>) target(%arg9 : memref<104x128xf32, #tpu.memory_space<vmem>>) target_semaphore(%run_scoped3A : memref<!tpu.dma_semaphore, #tpu.memory_space<semaphore_mem>>)
      %dma_wait3A = arith.constant 0 : i32
      %dma_wait3A_52 = tpu.memref_slice %arg10[%add3A_43, %dma_wait3A] : memref<10000x128xf32, #tpu.memory_space<vmem_shared>> -> memref<104x128xf32, #tpu.memory_space<vmem_shared>>
      %dma_wait3A_53 = arith.constant 0 : i32
      %dma_wait3A_54 = tpu.memref_slice %arg10[%add3A_43, %dma_wait3A_53] : memref<10000x128xf32, #tpu.memory_space<vmem_shared>> -> memref<104x128xf32, #tpu.memory_space<vmem_shared>>
      tpu.wait_dma2 semaphore(%run_scoped3A : memref<!tpu.dma_semaphore, #tpu.memory_space<semaphore_mem>>) src(%dma_wait3A_54 : memref<104x128xf32, #tpu.memory_space<vmem_shared>>) dst(%arg9 : memref<104x128xf32, #tpu.memory_space<vmem>>)
      tpu.yield
    }) : () -> ()
    "tpu.region"() ({
      %run_scoped3A = tpu.sem_alloc : memref<!tpu.dma_semaphore, #tpu.memory_space<semaphore_mem>>
      %dma_start3A = arith.constant 0 : i32
      %dma_start3A_49 = tpu.memref_slice %arg5[%arg0, %add3A_43, %dma_start3A] : memref<2x10000x128xf32, #tpu.memory_space<hbm>> -> memref<1x104x128xf32, #tpu.memory_space<hbm>>
      %dma_start3A_50 = tpu.memref_squeeze %dma_start3A_49 : memref<1x104x128xf32, #tpu.memory_space<hbm>> -> memref<104x128xf32, #tpu.memory_space<hbm>>
      %dma_start3A_51 = arith.constant 0 : i32
      %dma_start3A_52 = tpu.memref_slice %arg5[%arg0, %add3A_43, %dma_start3A_51] : memref<2x10000x128xf32, #tpu.memory_space<hbm>> -> memref<1x104x128xf32, #tpu.memory_space<hbm>>
      %dma_start3A_53 = tpu.memref_squeeze %dma_start3A_52 : memref<1x104x128xf32, #tpu.memory_space<hbm>> -> memref<104x128xf32, #tpu.memory_space<hbm>>
      tpu.enqueue_dma source(%arg9 : memref<104x128xf32, #tpu.memory_space<vmem>>) target(%dma_start3A_53 : memref<104x128xf32, #tpu.memory_space<hbm>>) target_semaphore(%run_scoped3A : memref<!tpu.dma_semaphore, #tpu.memory_space<semaphore_mem>>)
      %dma_wait3A = arith.constant 0 : i32
      %dma_wait3A_54 = tpu.memref_slice %arg5[%arg0, %add3A_43, %dma_wait3A] : memref<2x10000x128xf32, #tpu.memory_space<hbm>> -> memref<1x104x128xf32, #tpu.memory_space<hbm>>
      %dma_wait3A_55 = tpu.memref_squeeze %dma_wait3A_54 : memref<1x104x128xf32, #tpu.memory_space<hbm>> -> memref<104x128xf32, #tpu.memory_space<hbm>>
      %dma_wait3A_56 = arith.constant 0 : i32
      %dma_wait3A_57 = tpu.memref_slice %arg5[%arg0, %add3A_43, %dma_wait3A_56] : memref<2x10000x128xf32, #tpu.memory_space<hbm>> -> memref<1x104x128xf32, #tpu.memory_space<hbm>>
      %dma_wait3A_58 = tpu.memref_squeeze %dma_wait3A_57 : memref<1x104x128xf32, #tpu.memory_space<hbm>> -> memref<104x128xf32, #tpu.memory_space<hbm>>
      tpu.wait_dma2 semaphore(%run_scoped3A : memref<!tpu.dma_semaphore, #tpu.memory_space<semaphore_mem>>) src(%arg9 : memref<104x128xf32, #tpu.memory_space<vmem>>) dst(%dma_wait3A_58 : memref<104x128xf32, #tpu.memory_space<hbm>>)
      tpu.yield
    }) : () -> ()
    %eq3A_44 = arith.constant 15 : i32
    %eq3A_45 = arith.cmpi eq, %arg1, %eq3A_44 : i32
    %convert_element_type3A_46 = arith.extui %eq3A_45 : i1 to i32
    %cond3A_47 = arith.constant 0 : i32
    %cond3A_48 = arith.cmpi ne, %convert_element_type3A_46, %cond3A_47 : i32
    scf.if %cond3A_48 {
      "tpu.region"() ({
        %run_scoped3A = tpu.sem_alloc : memref<!tpu.dma_semaphore, #tpu.memory_space<semaphore_mem>>
        %dma_start3A = arith.constant 0 : i32
        %dma_start3A_49 = arith.constant 0 : i32
        %dma_start3A_50 = tpu.memref_slice %arg9[%dma_start3A, %dma_start3A_49] : memref<104x128xf32, #tpu.memory_space<vmem>> -> memref<16x128xf32, #tpu.memory_space<vmem>>
        %dma_start3A_51 = arith.constant 9984 : i32
        %dma_start3A_52 = arith.constant 0 : i32
        %dma_start3A_53 = tpu.memref_slice %arg10[%dma_start3A_51, %dma_start3A_52] : memref<10000x128xf32, #tpu.memory_space<vmem_shared>> -> memref<16x128xf32, #tpu.memory_space<vmem_shared>>
        %dma_start3A_54 = arith.constant 0 : i32
        %dma_start3A_55 = arith.constant 0 : i32
        %dma_start3A_56 = tpu.memref_slice %arg9[%dma_start3A_54, %dma_start3A_55] : memref<104x128xf32, #tpu.memory_space<vmem>> -> memref<16x128xf32, #tpu.memory_space<vmem>>
        %dma_start3A_57 = arith.constant 9984 : i32
        %dma_start3A_58 = arith.constant 0 : i32
        %dma_start3A_59 = tpu.memref_slice %arg10[%dma_start3A_57, %dma_start3A_58] : memref<10000x128xf32, #tpu.memory_space<vmem_shared>> -> memref<16x128xf32, #tpu.memory_space<vmem_shared>>
        tpu.enqueue_dma source(%dma_start3A_59 : memref<16x128xf32, #tpu.memory_space<vmem_shared>>) target(%dma_start3A_56 : memref<16x128xf32, #tpu.memory_space<vmem>>) target_semaphore(%run_scoped3A : memref<!tpu.dma_semaphore, #tpu.memory_space<semaphore_mem>>)
        %dma_wait3A = arith.constant 0 : i32
        %dma_wait3A_60 = arith.constant 0 : i32
        %dma_wait3A_61 = tpu.memref_slice %arg9[%dma_wait3A, %dma_wait3A_60] : memref<104x128xf32, #tpu.memory_space<vmem>> -> memref<16x128xf32, #tpu.memory_space<vmem>>
        %dma_wait3A_62 = arith.constant 9984 : i32
        %dma_wait3A_63 = arith.constant 0 : i32
        %dma_wait3A_64 = tpu.memref_slice %arg10[%dma_wait3A_62, %dma_wait3A_63] : memref<10000x128xf32, #tpu.memory_space<vmem_shared>> -> memref<16x128xf32, #tpu.memory_space<vmem_shared>>
        %dma_wait3A_65 = arith.constant 0 : i32
        %dma_wait3A_66 = arith.constant 0 : i32
        %dma_wait3A_67 = tpu.memref_slice %arg9[%dma_wait3A_65, %dma_wait3A_66] : memref<104x128xf32, #tpu.memory_space<vmem>> -> memref<16x128xf32, #tpu.memory_space<vmem>>
        %dma_wait3A_68 = arith.constant 9984 : i32
        %dma_wait3A_69 = arith.constant 0 : i32
        %dma_wait3A_70 = tpu.memref_slice %arg10[%dma_wait3A_68, %dma_wait3A_69] : memref<10000x128xf32, #tpu.memory_space<vmem_shared>> -> memref<16x128xf32, #tpu.memory_space<vmem_shared>>
        tpu.wait_dma2 semaphore(%run_scoped3A : memref<!tpu.dma_semaphore, #tpu.memory_space<semaphore_mem>>) src(%dma_wait3A_70 : memref<16x128xf32, #tpu.memory_space<vmem_shared>>) dst(%dma_wait3A_67 : memref<16x128xf32, #tpu.memory_space<vmem>>)
        tpu.yield
      }) : () -> ()
      "tpu.region"() ({
        %run_scoped3A = tpu.sem_alloc : memref<!tpu.dma_semaphore, #tpu.memory_space<semaphore_mem>>
        %dma_start3A = arith.constant 0 : i32
        %dma_start3A_49 = arith.constant 0 : i32
        %dma_start3A_50 = tpu.memref_slice %arg9[%dma_start3A, %dma_start3A_49] : memref<104x128xf32, #tpu.memory_space<vmem>> -> memref<16x128xf32, #tpu.memory_space<vmem>>
        %dma_start3A_51 = arith.constant 9984 : i32
        %dma_start3A_52 = arith.constant 0 : i32
        %dma_start3A_53 = tpu.memref_slice %arg5[%arg0, %dma_start3A_51, %dma_start3A_52] : memref<2x10000x128xf32, #tpu.memory_space<hbm>> -> memref<1x16x128xf32, #tpu.memory_space<hbm>>
        %dma_start3A_54 = tpu.memref_squeeze %dma_start3A_53 : memref<1x16x128xf32, #tpu.memory_space<hbm>> -> memref<16x128xf32, #tpu.memory_space<hbm>>
        %dma_start3A_55 = arith.constant 9984 : i32
        %dma_start3A_56 = arith.constant 0 : i32
        %dma_start3A_57 = tpu.memref_slice %arg5[%arg0, %dma_start3A_55, %dma_start3A_56] : memref<2x10000x128xf32, #tpu.memory_space<hbm>> -> memref<1x16x128xf32, #tpu.memory_space<hbm>>
        %dma_start3A_58 = tpu.memref_squeeze %dma_start3A_57 : memref<1x16x128xf32, #tpu.memory_space<hbm>> -> memref<16x128xf32, #tpu.memory_space<hbm>>
        %dma_start3A_59 = arith.constant 0 : i32
        %dma_start3A_60 = arith.constant 0 : i32
        %dma_start3A_61 = tpu.memref_slice %arg9[%dma_start3A_59, %dma_start3A_60] : memref<104x128xf32, #tpu.memory_space<vmem>> -> memref<16x128xf32, #tpu.memory_space<vmem>>
        tpu.enqueue_dma source(%dma_start3A_61 : memref<16x128xf32, #tpu.memory_space<vmem>>) target(%dma_start3A_58 : memref<16x128xf32, #tpu.memory_space<hbm>>) target_semaphore(%run_scoped3A : memref<!tpu.dma_semaphore, #tpu.memory_space<semaphore_mem>>)
        %dma_wait3A = arith.constant 0 : i32
        %dma_wait3A_62 = arith.constant 0 : i32
        %dma_wait3A_63 = tpu.memref_slice %arg9[%dma_wait3A, %dma_wait3A_62] : memref<104x128xf32, #tpu.memory_space<vmem>> -> memref<16x128xf32, #tpu.memory_space<vmem>>
        %dma_wait3A_64 = arith.constant 9984 : i32
        %dma_wait3A_65 = arith.constant 0 : i32
        %dma_wait3A_66 = tpu.memref_slice %arg5[%arg0, %dma_wait3A_64, %dma_wait3A_65] : memref<2x10000x128xf32, #tpu.memory_space<hbm>> -> memref<1x16x128xf32, #tpu.memory_space<hbm>>
        %dma_wait3A_67 = tpu.memref_squeeze %dma_wait3A_66 : memref<1x16x128xf32, #tpu.memory_space<hbm>> -> memref<16x128xf32, #tpu.memory_space<hbm>>
        %dma_wait3A_68 = arith.constant 9984 : i32
        %dma_wait3A_69 = arith.constant 0 : i32
        %dma_wait3A_70 = tpu.memref_slice %arg5[%arg0, %dma_wait3A_68, %dma_wait3A_69] : memref<2x10000x128xf32, #tpu.memory_space<hbm>> -> memref<1x16x128xf32, #tpu.memory_space<hbm>>
        %dma_wait3A_71 = tpu.memref_squeeze %dma_wait3A_70 : memref<1x16x128xf32, #tpu.memory_space<hbm>> -> memref<16x128xf32, #tpu.memory_space<hbm>>
        %dma_wait3A_72 = arith.constant 0 : i32
        %dma_wait3A_73 = arith.constant 0 : i32
        %dma_wait3A_74 = tpu.memref_slice %arg9[%dma_wait3A_72, %dma_wait3A_73] : memref<104x128xf32, #tpu.memory_space<vmem>> -> memref<16x128xf32, #tpu.memory_space<vmem>>
        tpu.wait_dma2 semaphore(%run_scoped3A : memref<!tpu.dma_semaphore, #tpu.memory_space<semaphore_mem>>) src(%dma_wait3A_74 : memref<16x128xf32, #tpu.memory_space<vmem>>) dst(%dma_wait3A_71 : memref<16x128xf32, #tpu.memory_space<hbm>>)
        tpu.yield
      }) : () -> ()
    } else {
    }
    return
  }
}

module attributes {stable_mosaic.version = 14 : i64} {
  func.func @_enc_body(%arg0: i32, %arg1: memref<1000x128xf32, #tpu.memory_space<vmem>>, %arg2: memref<128x128xf32, #tpu.memory_space<vmem>>, %arg3: memref<1x128xf32, #tpu.memory_space<vmem>>, %arg4: memref<1000x128xf32, #tpu.memory_space<vmem>>) attributes {dimension_semantics = [#tpu.dimension_semantics<arbitrary>], iteration_bounds = array<i64: 10>, scalar_prefetch = 0 : i64, scratch_operands = 0 : i64, tpu.core_type = #tpu.core_type<tc>, window_params = [{transform_indices = @transform_0, window_bounds = array<i64: 1000, 128>}, {pipeline_mode = #tpu.pipeline_mode<synchronous>, transform_indices = @transform_1, window_bounds = array<i64: 128, 128>}, {pipeline_mode = #tpu.pipeline_mode<synchronous>, transform_indices = @transform_2, window_bounds = array<i64: 1, 128>}, {transform_indices = @transform_3, window_bounds = array<i64: 1000, 128>}]} {
    %get3A = arith.constant 0 : index
    %get3A_0 = arith.constant 0 : index
    %get3A_1 = vector.load %arg1[%get3A, %get3A_0] : memref<1000x128xf32, #tpu.memory_space<vmem>>, vector<1000x128xf32>
    %get3A_2 = arith.constant 0 : index
    %get3A_3 = arith.constant 0 : index
    %get3A_4 = vector.load %arg2[%get3A_2, %get3A_3] : memref<128x128xf32, #tpu.memory_space<vmem>>, vector<128x128xf32>
    %dot_general3A = arith.constant dense<0.000000e+00> : vector<1000x128xf32>
    %dot_general3A_5 = tpu.matmul %get3A_1, %get3A_4, %dot_general3A {dimension_numbers = #tpu.dot_dimension_numbers<[1], [0], [0], [1], [0, 0, 1, 1], [], []>, transpose_lhs_hint = false} : vector<1000x128xf32>, vector<128x128xf32>, vector<1000x128xf32> -> vector<1000x128xf32>
    %get3A_6 = arith.constant 0 : index
    %get3A_7 = arith.constant 0 : index
    %get3A_8 = vector.load %arg3[%get3A_6, %get3A_7] : memref<1x128xf32, #tpu.memory_space<vmem>>, vector<1x128xf32>
    %add3A = vector.broadcast %get3A_8 : vector<1x128xf32> to vector<1000x128xf32>
    %add3A_9 = arith.addf %dot_general3A_5, %add3A : vector<1000x128xf32>
    %mul3A = arith.constant 5.000000e-01 : f32
    %mul3A_10 = vector.broadcast %mul3A : f32 to vector<1000x128xf32>
    %mul3A_11 = arith.mulf %add3A_9, %mul3A_10 : vector<1000x128xf32>
    %div3A = arith.constant 1.41421354 : f32
    %div3A_12 = vector.broadcast %div3A : f32 to vector<1000x128xf32>
    %div3A_13 = arith.divf %add3A_9, %div3A_12 : vector<1000x128xf32>
    %erf3A = math.erf %div3A_13 : vector<1000x128xf32>
    %add3A_14 = arith.constant 1.000000e+00 : f32
    %add3A_15 = vector.broadcast %add3A_14 : f32 to vector<1000x128xf32>
    %add3A_16 = arith.addf %erf3A, %add3A_15 : vector<1000x128xf32>
    %mul3A_17 = arith.mulf %mul3A_11, %add3A_16 : vector<1000x128xf32>
    %swap3A = arith.constant 0 : index
    %swap3A_18 = arith.constant 0 : index
    %swap3A_19 = vector.load %arg4[%swap3A, %swap3A_18] : memref<1000x128xf32, #tpu.memory_space<vmem>>, vector<1000x128xf32>
    tpu.vector_store %arg4[%swap3A, %swap3A_18], %mul3A_17 {strides = array<i32>} : memref<1000x128xf32, #tpu.memory_space<vmem>>, vector<1000x128xf32>,
    return
  }
  func.func @transform_0(%arg0: i32) -> (i32, i32) {
    %c0_i32 = arith.constant 0 : i32
    %c0_i32_0 = arith.constant 0 : i32
    return %arg0, %c0_i32 : i32, i32
  }
  func.func @transform_1(%arg0: i32) -> (i32, i32) {
    %c0_i32 = arith.constant 0 : i32
    %c0_i32_0 = arith.constant 0 : i32
    %c0_i32_1 = arith.constant 0 : i32
    return %c0_i32, %c0_i32_0 : i32, i32
  }
  func.func @transform_2(%arg0: i32) -> (i32, i32) {
    %c0_i32 = arith.constant 0 : i32
    %c0_i32_0 = arith.constant 0 : i32
    %c0_i32_1 = arith.constant 0 : i32
    return %c0_i32, %c0_i32_0 : i32, i32
  }
  func.func @transform_3(%arg0: i32) -> (i32, i32) {
    %c0_i32 = arith.constant 0 : i32
    %c0_i32_0 = arith.constant 0 : i32
    return %arg0, %c0_i32 : i32, i32
  }
}

module attributes {stable_mosaic.version = 14 : i64} {
  func.func @_layer_body(%arg0: i32, %arg1: memref<1000x128xf32, #tpu.memory_space<vmem>>, %arg2: memref<1000x128xf32, #tpu.memory_space<vmem>>, %arg3: memref<1000x128xf32, #tpu.memory_space<vmem>>, %arg4: memref<128x128xf32, #tpu.memory_space<vmem>>, %arg5: memref<1x128xf32, #tpu.memory_space<vmem>>, %arg6: memref<128x128xf32, #tpu.memory_space<vmem>>, %arg7: memref<1x128xf32, #tpu.memory_space<vmem>>, %arg8: memref<1x128xf32, #tpu.memory_space<vmem>>, %arg9: memref<1000x128xf32, #tpu.memory_space<vmem>>) attributes {dimension_semantics = [#tpu.dimension_semantics<arbitrary>], iteration_bounds = array<i64: 10>, scalar_prefetch = 0 : i64, scratch_operands = 0 : i64, tpu.core_type = #tpu.core_type<tc>, window_params = [{transform_indices = @transform_0, window_bounds = array<i64: 1000, 128>}, {transform_indices = @transform_1, window_bounds = array<i64: 1000, 128>}, {transform_indices = @transform_2, window_bounds = array<i64: 1000, 128>}, {pipeline_mode = #tpu.pipeline_mode<synchronous>, transform_indices = @transform_3, window_bounds = array<i64: 128, 128>}, {pipeline_mode = #tpu.pipeline_mode<synchronous>, transform_indices = @transform_4, window_bounds = array<i64: 1, 128>}, {pipeline_mode = #tpu.pipeline_mode<synchronous>, transform_indices = @transform_5, window_bounds = array<i64: 128, 128>}, {pipeline_mode = #tpu.pipeline_mode<synchronous>, transform_indices = @transform_6, window_bounds = array<i64: 1, 128>}, {pipeline_mode = #tpu.pipeline_mode<synchronous>, transform_indices = @transform_7, window_bounds = array<i64: 1, 128>}, {transform_indices = @transform_8, window_bounds = array<i64: 1000, 128>}]} {
    %get3A = arith.constant 0 : index
    %get3A_0 = arith.constant 0 : index
    %get3A_1 = vector.load %arg1[%get3A, %get3A_0] : memref<1000x128xf32, #tpu.memory_space<vmem>>, vector<1000x128xf32>
    %get3A_2 = arith.constant 0 : index
    %get3A_3 = arith.constant 0 : index
    %get3A_4 = vector.load %arg2[%get3A_2, %get3A_3] : memref<1000x128xf32, #tpu.memory_space<vmem>>, vector<1000x128xf32>
    %get3A_5 = arith.constant 0 : index
    %get3A_6 = arith.constant 0 : index
    %get3A_7 = vector.load %arg3[%get3A_5, %get3A_6] : memref<1000x128xf32, #tpu.memory_space<vmem>>, vector<1000x128xf32>
    %add3A = arith.addf %get3A_4, %get3A_7 : vector<1000x128xf32>
    %get3A_8 = arith.constant 0 : index
    %get3A_9 = arith.constant 0 : index
    %get3A_10 = vector.load %arg4[%get3A_8, %get3A_9] : memref<128x128xf32, #tpu.memory_space<vmem>>, vector<128x128xf32>
    %dot_general3A = arith.constant dense<0.000000e+00> : vector<1000x128xf32>
    %dot_general3A_11 = tpu.matmul %add3A, %get3A_10, %dot_general3A {dimension_numbers = #tpu.dot_dimension_numbers<[1], [0], [0], [1], [0, 0, 1, 1], [], []>, transpose_lhs_hint = false} : vector<1000x128xf32>, vector<128x128xf32>, vector<1000x128xf32> -> vector<1000x128xf32>
    %get3A_12 = arith.constant 0 : index
    %get3A_13 = arith.constant 0 : index
    %get3A_14 = vector.load %arg6[%get3A_12, %get3A_13] : memref<128x128xf32, #tpu.memory_space<vmem>>, vector<128x128xf32>
    %dot_general3A_15 = arith.constant dense<0.000000e+00> : vector<1000x128xf32>
    %dot_general3A_16 = tpu.matmul %get3A_1, %get3A_14, %dot_general3A_15 {dimension_numbers = #tpu.dot_dimension_numbers<[1], [0], [0], [1], [0, 0, 1, 1], [], []>, transpose_lhs_hint = false} : vector<1000x128xf32>, vector<128x128xf32>, vector<1000x128xf32> -> vector<1000x128xf32>
    %add3A_17 = arith.addf %dot_general3A_11, %dot_general3A_16 : vector<1000x128xf32>
    %get3A_18 = arith.constant 0 : index
    %get3A_19 = arith.constant 0 : index
    %get3A_20 = vector.load %arg5[%get3A_18, %get3A_19] : memref<1x128xf32, #tpu.memory_space<vmem>>, vector<1x128xf32>
    %add3A_21 = vector.broadcast %get3A_20 : vector<1x128xf32> to vector<1000x128xf32>
    %add3A_22 = arith.addf %add3A_17, %add3A_21 : vector<1000x128xf32>
    %mul3A = arith.constant 5.000000e-01 : f32
    %mul3A_23 = vector.broadcast %mul3A : f32 to vector<1000x128xf32>
    %mul3A_24 = arith.mulf %add3A_22, %mul3A_23 : vector<1000x128xf32>
    %div3A = arith.constant 1.41421354 : f32
    %div3A_25 = vector.broadcast %div3A : f32 to vector<1000x128xf32>
    %div3A_26 = arith.divf %add3A_22, %div3A_25 : vector<1000x128xf32>
    %erf3A = math.erf %div3A_26 : vector<1000x128xf32>
    %add3A_27 = arith.constant 1.000000e+00 : f32
    %add3A_28 = vector.broadcast %add3A_27 : f32 to vector<1000x128xf32>
    %add3A_29 = arith.addf %erf3A, %add3A_28 : vector<1000x128xf32>
    %mul3A_30 = arith.mulf %mul3A_24, %add3A_29 : vector<1000x128xf32>
    %add3A_31 = arith.addf %mul3A_30, %get3A_1 : vector<1000x128xf32>
    %reduce_sum3A = arith.constant dense<0.000000e+00> : vector<1000xf32>
    %reduce_sum3A_32 = vector.multi_reduction <add>, %add3A_31, %reduce_sum3A [1] : vector<1000x128xf32> to vector<1000xf32>
    %broadcast_in_dim3A = vector.shape_cast %reduce_sum3A_32 : vector<1000xf32> to vector<1000x1xf32>
    %div3A_33 = arith.constant 1.280000e+02 : f32
    %div3A_34 = vector.broadcast %div3A_33 : f32 to vector<1000x1xf32>
    %div3A_35 = arith.divf %broadcast_in_dim3A, %div3A_34 : vector<1000x1xf32>
    %sub3A = vector.broadcast %div3A_35 : vector<1000x1xf32> to vector<1000x128xf32>
    %sub3A_36 = arith.subf %add3A_31, %sub3A : vector<1000x128xf32>
    %mul3A_37 = arith.mulf %sub3A_36, %sub3A_36 : vector<1000x128xf32>
    %reduce_sum3A_38 = arith.constant dense<0.000000e+00> : vector<1000xf32>
    %reduce_sum3A_39 = vector.multi_reduction <add>, %mul3A_37, %reduce_sum3A_38 [1] : vector<1000x128xf32> to vector<1000xf32>
    %broadcast_in_dim3A_40 = vector.shape_cast %reduce_sum3A_39 : vector<1000xf32> to vector<1000x1xf32>
    %div3A_41 = arith.constant 1.280000e+02 : f32
    %div3A_42 = vector.broadcast %div3A_41 : f32 to vector<1000x1xf32>
    %div3A_43 = arith.divf %broadcast_in_dim3A_40, %div3A_42 : vector<1000x1xf32>
    %add3A_44 = arith.constant 9.99999974E-6 : f32
    %add3A_45 = vector.broadcast %add3A_44 : f32 to vector<1000x1xf32>
    %add3A_46 = arith.addf %div3A_43, %add3A_45 : vector<1000x1xf32>
    %rsqrt3A = math.rsqrt %add3A_46 : vector<1000x1xf32>
    %mul3A_47 = vector.broadcast %rsqrt3A : vector<1000x1xf32> to vector<1000x128xf32>
    %mul3A_48 = arith.mulf %sub3A_36, %mul3A_47 : vector<1000x128xf32>
    %get3A_49 = arith.constant 0 : index
    %get3A_50 = arith.constant 0 : index
    %get3A_51 = vector.load %arg7[%get3A_49, %get3A_50] : memref<1x128xf32, #tpu.memory_space<vmem>>, vector<1x128xf32>
    %mul3A_52 = vector.broadcast %get3A_51 : vector<1x128xf32> to vector<1000x128xf32>
    %mul3A_53 = arith.mulf %mul3A_48, %mul3A_52 : vector<1000x128xf32>
    %get3A_54 = arith.constant 0 : index
    %get3A_55 = arith.constant 0 : index
    %get3A_56 = vector.load %arg8[%get3A_54, %get3A_55] : memref<1x128xf32, #tpu.memory_space<vmem>>, vector<1x128xf32>
    %add3A_57 = vector.broadcast %get3A_56 : vector<1x128xf32> to vector<1000x128xf32>
    %add3A_58 = arith.addf %mul3A_53, %add3A_57 : vector<1000x128xf32>
    %swap3A = arith.constant 0 : index
    %swap3A_59 = arith.constant 0 : index
    %swap3A_60 = vector.load %arg9[%swap3A, %swap3A_59] : memref<1000x128xf32, #tpu.memory_space<vmem>>, vector<1000x128xf32>
    tpu.vector_store %arg9[%swap3A, %swap3A_59], %add3A_58 {strides = array<i32>} : memref<1000x128xf32, #tpu.memory_space<vmem>>, vector<1000x128xf32>,
    return
  }
  func.func @transform_0(%arg0: i32) -> (i32, i32) {
    %c0_i32 = arith.constant 0 : i32
    %c0_i32_0 = arith.constant 0 : i32
    return %arg0, %c0_i32 : i32, i32
  }
  func.func @transform_1(%arg0: i32) -> (i32, i32) {
    %c0_i32 = arith.constant 0 : i32
    %c0_i32_0 = arith.constant 0 : i32
    return %arg0, %c0_i32 : i32, i32
  }
  func.func @transform_2(%arg0: i32) -> (i32, i32) {
    %c0_i32 = arith.constant 0 : i32
    %c0_i32_0 = arith.constant 0 : i32
    return %arg0, %c0_i32 : i32, i32
  }
  func.func @transform_3(%arg0: i32) -> (i32, i32) {
    %c0_i32 = arith.constant 0 : i32
    %c0_i32_0 = arith.constant 0 : i32
    %c0_i32_1 = arith.constant 0 : i32
    return %c0_i32, %c0_i32_0 : i32, i32
  }
  func.func @transform_4(%arg0: i32) -> (i32, i32) {
    %c0_i32 = arith.constant 0 : i32
    %c0_i32_0 = arith.constant 0 : i32
    %c0_i32_1 = arith.constant 0 : i32
    return %c0_i32, %c0_i32_0 : i32, i32
  }
  func.func @transform_5(%arg0: i32) -> (i32, i32) {
    %c0_i32 = arith.constant 0 : i32
    %c0_i32_0 = arith.constant 0 : i32
    %c0_i32_1 = arith.constant 0 : i32
    return %c0_i32, %c0_i32_0 : i32, i32
  }
  func.func @transform_6(%arg0: i32) -> (i32, i32) {
    %c0_i32 = arith.constant 0 : i32
    %c0_i32_0 = arith.constant 0 : i32
    %c0_i32_1 = arith.constant 0 : i32
    return %c0_i32, %c0_i32_0 : i32, i32
  }
  func.func @transform_7(%arg0: i32) -> (i32, i32) {
    %c0_i32 = arith.constant 0 : i32
    %c0_i32_0 = arith.constant 0 : i32
    %c0_i32_1 = arith.constant 0 : i32
    return %c0_i32, %c0_i32_0 : i32, i32
  }
  func.func @transform_8(%arg0: i32) -> (i32, i32) {
    %c0_i32 = arith.constant 0 : i32
    %c0_i32_0 = arith.constant 0 : i32
    return %arg0, %c0_i32 : i32, i32
  }
}

module attributes {stable_mosaic.version = 14 : i64} {
  func.func @_dec_body(%arg0: i32, %arg1: memref<1000x128xf32, #tpu.memory_space<vmem>>, %arg2: memref<128x16xf32, #tpu.memory_space<vmem>>, %arg3: memref<1x16xf32, #tpu.memory_space<vmem>>, %arg4: memref<128x2048xf32, #tpu.memory_space<vmem>>, %arg5: memref<1x2048xf32, #tpu.memory_space<vmem>>, %arg6: memref<2048x16xf32, #tpu.memory_space<vmem>>, %arg7: memref<1x16xf32, #tpu.memory_space<vmem>>, %arg8: memref<16x16xf32, #tpu.memory_space<vmem>>, %arg9: memref<16x4xf32, #tpu.memory_space<vmem>>, %arg10: memref<1000x4xf32, #tpu.memory_space<vmem>>) attributes {dimension_semantics = [#tpu.dimension_semantics<arbitrary>], iteration_bounds = array<i64: 10>, scalar_prefetch = 0 : i64, scratch_operands = 0 : i64, tpu.core_type = #tpu.core_type<tc>, window_params = [{transform_indices = @transform_0, window_bounds = array<i64: 1000, 128>}, {pipeline_mode = #tpu.pipeline_mode<synchronous>, transform_indices = @transform_1, window_bounds = array<i64: 128, 16>}, {pipeline_mode = #tpu.pipeline_mode<synchronous>, transform_indices = @transform_2, window_bounds = array<i64: 1, 16>}, {pipeline_mode = #tpu.pipeline_mode<synchronous>, transform_indices = @transform_3, window_bounds = array<i64: 128, 2048>}, {pipeline_mode = #tpu.pipeline_mode<synchronous>, transform_indices = @transform_4, window_bounds = array<i64: 1, 2048>}, {pipeline_mode = #tpu.pipeline_mode<synchronous>, transform_indices = @transform_5, window_bounds = array<i64: 2048, 16>}, {pipeline_mode = #tpu.pipeline_mode<synchronous>, transform_indices = @transform_6, window_bounds = array<i64: 1, 16>}, {pipeline_mode = #tpu.pipeline_mode<synchronous>, transform_indices = @transform_7, window_bounds = array<i64: 16, 16>}, {pipeline_mode = #tpu.pipeline_mode<synchronous>, transform_indices = @transform_8, window_bounds = array<i64: 16, 4>}, {transform_indices = @transform_9, window_bounds = array<i64: 1000, 4>}]} {
    %get3A = arith.constant 0 : index
    %get3A_0 = arith.constant 0 : index
    %get3A_1 = vector.load %arg1[%get3A, %get3A_0] : memref<1000x128xf32, #tpu.memory_space<vmem>>, vector<1000x128xf32>
    %get3A_2 = arith.constant 0 : index
    %get3A_3 = arith.constant 0 : index
    %get3A_4 = vector.load %arg2[%get3A_2, %get3A_3] : memref<128x16xf32, #tpu.memory_space<vmem>>, vector<128x16xf32>
    %dot_general3A = arith.constant dense<0.000000e+00> : vector<1000x16xf32>
    %dot_general3A_5 = tpu.matmul %get3A_1, %get3A_4, %dot_general3A {dimension_numbers = #tpu.dot_dimension_numbers<[1], [0], [0], [1], [0, 0, 1, 1], [], []>, transpose_lhs_hint = false} : vector<1000x128xf32>, vector<128x16xf32>, vector<1000x16xf32> -> vector<1000x16xf32>
    %get3A_6 = arith.constant 0 : index
    %get3A_7 = arith.constant 0 : index
    %get3A_8 = vector.load %arg3[%get3A_6, %get3A_7] : memref<1x16xf32, #tpu.memory_space<vmem>>, vector<1x16xf32>
    %add3A = vector.broadcast %get3A_8 : vector<1x16xf32> to vector<1000x16xf32>
    %add3A_9 = arith.addf %dot_general3A_5, %add3A : vector<1000x16xf32>
    %reduce_max3A = arith.constant dense<0xFF800000> : vector<1000xf32>
    %reduce_max3A_10 = vector.multi_reduction <maximumf>, %add3A_9, %reduce_max3A [1] : vector<1000x16xf32> to vector<1000xf32>
    %broadcast_in_dim3A = vector.shape_cast %reduce_max3A_10 : vector<1000xf32> to vector<1000x1xf32>
    %sub3A = vector.broadcast %broadcast_in_dim3A : vector<1000x1xf32> to vector<1000x16xf32>
    %sub3A_11 = arith.subf %add3A_9, %sub3A : vector<1000x16xf32>
    %exp3A = math.exp %sub3A_11 : vector<1000x16xf32>
    %get3A_12 = arith.constant 0 : index
    %get3A_13 = arith.constant 0 : index
    %get3A_14 = vector.load %arg8[%get3A_12, %get3A_13] : memref<16x16xf32, #tpu.memory_space<vmem>>, vector<16x16xf32>
    %dot_general3A_15 = arith.constant dense<0.000000e+00> : vector<1000x16xf32>
    %dot_general3A_16 = tpu.matmul %exp3A, %get3A_14, %dot_general3A_15 {dimension_numbers = #tpu.dot_dimension_numbers<[1], [0], [0], [1], [0, 0, 1, 1], [], []>, transpose_lhs_hint = false} : vector<1000x16xf32>, vector<16x16xf32>, vector<1000x16xf32> -> vector<1000x16xf32>
    %div3A = arith.divf %exp3A, %dot_general3A_16 : vector<1000x16xf32>
    %get3A_17 = arith.constant 0 : index
    %get3A_18 = arith.constant 0 : index
    %get3A_19 = vector.load %arg4[%get3A_17, %get3A_18] : memref<128x2048xf32, #tpu.memory_space<vmem>>, vector<128x2048xf32>
    %dot_general3A_20 = arith.constant dense<0.000000e+00> : vector<1000x2048xf32>
    %dot_general3A_21 = tpu.matmul %get3A_1, %get3A_19, %dot_general3A_20 {dimension_numbers = #tpu.dot_dimension_numbers<[1], [0], [0], [1], [0, 0, 1, 1], [], []>, transpose_lhs_hint = false} : vector<1000x128xf32>, vector<128x2048xf32>, vector<1000x2048xf32> -> vector<1000x2048xf32>
    %get3A_22 = arith.constant 0 : index
    %get3A_23 = arith.constant 0 : index
    %get3A_24 = vector.load %arg5[%get3A_22, %get3A_23] : memref<1x2048xf32, #tpu.memory_space<vmem>>, vector<1x2048xf32>
    %add3A_25 = vector.broadcast %get3A_24 : vector<1x2048xf32> to vector<1000x2048xf32>
    %add3A_26 = arith.addf %dot_general3A_21, %add3A_25 : vector<1000x2048xf32>
    %mul3A = arith.constant 5.000000e-01 : f32
    %mul3A_27 = vector.broadcast %mul3A : f32 to vector<1000x2048xf32>
    %mul3A_28 = arith.mulf %add3A_26, %mul3A_27 : vector<1000x2048xf32>
    %div3A_29 = arith.constant 1.41421354 : f32
    %div3A_30 = vector.broadcast %div3A_29 : f32 to vector<1000x2048xf32>
    %div3A_31 = arith.divf %add3A_26, %div3A_30 : vector<1000x2048xf32>
    %erf3A = math.erf %div3A_31 : vector<1000x2048xf32>
    %add3A_32 = arith.constant 1.000000e+00 : f32
    %add3A_33 = vector.broadcast %add3A_32 : f32 to vector<1000x2048xf32>
    %add3A_34 = arith.addf %erf3A, %add3A_33 : vector<1000x2048xf32>
    %mul3A_35 = arith.mulf %mul3A_28, %add3A_34 : vector<1000x2048xf32>
    %get3A_36 = arith.constant 0 : index
    %get3A_37 = arith.constant 0 : index
    %get3A_38 = vector.load %arg6[%get3A_36, %get3A_37] : memref<2048x16xf32, #tpu.memory_space<vmem>>, vector<2048x16xf32>
    %dot_general3A_39 = arith.constant dense<0.000000e+00> : vector<1000x16xf32>
    %dot_general3A_40 = tpu.matmul %mul3A_35, %get3A_38, %dot_general3A_39 {dimension_numbers = #tpu.dot_dimension_numbers<[1], [0], [0], [1], [0, 0, 1, 1], [], []>, transpose_lhs_hint = false} : vector<1000x2048xf32>, vector<2048x16xf32>, vector<1000x16xf32> -> vector<1000x16xf32>
    %get3A_41 = arith.constant 0 : index
    %get3A_42 = arith.constant 0 : index
    %get3A_43 = vector.load %arg7[%get3A_41, %get3A_42] : memref<1x16xf32, #tpu.memory_space<vmem>>, vector<1x16xf32>
    %add3A_44 = vector.broadcast %get3A_43 : vector<1x16xf32> to vector<1000x16xf32>
    %add3A_45 = arith.addf %dot_general3A_40, %add3A_44 : vector<1000x16xf32>
    %mul3A_46 = arith.mulf %div3A, %add3A_45 : vector<1000x16xf32>
    %get3A_47 = arith.constant 0 : index
    %get3A_48 = arith.constant 0 : index
    %get3A_49 = vector.load %arg9[%get3A_47, %get3A_48] : memref<16x4xf32, #tpu.memory_space<vmem>>, vector<16x4xf32>
    %dot_general3A_50 = arith.constant dense<0.000000e+00> : vector<1000x4xf32>
    %dot_general3A_51 = tpu.matmul %mul3A_46, %get3A_49, %dot_general3A_50 {dimension_numbers = #tpu.dot_dimension_numbers<[1], [0], [0], [1], [0, 0, 1, 1], [], []>, transpose_lhs_hint = false} : vector<1000x16xf32>, vector<16x4xf32>, vector<1000x4xf32> -> vector<1000x4xf32>
    %swap3A = arith.constant 0 : index
    %swap3A_52 = arith.constant 0 : index
    %swap3A_53 = vector.load %arg10[%swap3A, %swap3A_52] : memref<1000x4xf32, #tpu.memory_space<vmem>>, vector<1000x4xf32>
    tpu.vector_store %arg10[%swap3A, %swap3A_52], %dot_general3A_51 {strides = array<i32>} : memref<1000x4xf32, #tpu.memory_space<vmem>>, vector<1000x4xf32>,
    return
  }
  func.func @transform_0(%arg0: i32) -> (i32, i32) {
    %c0_i32 = arith.constant 0 : i32
    %c0_i32_0 = arith.constant 0 : i32
    return %arg0, %c0_i32 : i32, i32
  }
  func.func @transform_1(%arg0: i32) -> (i32, i32) {
    %c0_i32 = arith.constant 0 : i32
    %c0_i32_0 = arith.constant 0 : i32
    %c0_i32_1 = arith.constant 0 : i32
    return %c0_i32, %c0_i32_0 : i32, i32
  }
  func.func @transform_2(%arg0: i32) -> (i32, i32) {
    %c0_i32 = arith.constant 0 : i32
    %c0_i32_0 = arith.constant 0 : i32
    %c0_i32_1 = arith.constant 0 : i32
    return %c0_i32, %c0_i32_0 : i32, i32
  }
  func.func @transform_3(%arg0: i32) -> (i32, i32) {
    %c0_i32 = arith.constant 0 : i32
    %c0_i32_0 = arith.constant 0 : i32
    %c0_i32_1 = arith.constant 0 : i32
    return %c0_i32, %c0_i32_0 : i32, i32
  }
  func.func @transform_4(%arg0: i32) -> (i32, i32) {
    %c0_i32 = arith.constant 0 : i32
    %c0_i32_0 = arith.constant 0 : i32
    %c0_i32_1 = arith.constant 0 : i32
    return %c0_i32, %c0_i32_0 : i32, i32
  }
  func.func @transform_5(%arg0: i32) -> (i32, i32) {
    %c0_i32 = arith.constant 0 : i32
    %c0_i32_0 = arith.constant 0 : i32
    %c0_i32_1 = arith.constant 0 : i32
    return %c0_i32, %c0_i32_0 : i32, i32
  }
  func.func @transform_6(%arg0: i32) -> (i32, i32) {
    %c0_i32 = arith.constant 0 : i32
    %c0_i32_0 = arith.constant 0 : i32
    %c0_i32_1 = arith.constant 0 : i32
    return %c0_i32, %c0_i32_0 : i32, i32
  }
  func.func @transform_7(%arg0: i32) -> (i32, i32) {
    %c0_i32 = arith.constant 0 : i32
    %c0_i32_0 = arith.constant 0 : i32
    %c0_i32_1 = arith.constant 0 : i32
    return %c0_i32, %c0_i32_0 : i32, i32
  }
  func.func @transform_8(%arg0: i32) -> (i32, i32) {
    %c0_i32 = arith.constant 0 : i32
    %c0_i32_0 = arith.constant 0 : i32
    %c0_i32_1 = arith.constant 0 : i32
    return %c0_i32, %c0_i32_0 : i32, i32
  }
  func.func @transform_9(%arg0: i32) -> (i32, i32) {
    %c0_i32 = arith.constant 0 : i32
    %c0_i32_0 = arith.constant 0 : i32
    return %arg0, %c0_i32 : i32, i32
  }
}

</mosaic_0001>

<sc_bundles>
// kernel: kernel.10.cloned.1.call-start
scs
__scs_entry_jumppad:
0x0: {  	(pc) =	sbr.rel $0x88, $3  }
0x1: {  	(tag) =	ssettag $0x0;
	lr =	simm.s32 $0x1  }
0x2: {  	[smem:$0x3F92] =	sst lr;
	_ =	strace $0xD0000000  }
0x3: {  	_ = 	snop  }
0x4: {  	_ = 	snop  }
0x5: {  	_ = 	snop  }
0x6: {  	_ = 	snop  }
0x7: {  	_ = 	snop  }
__scs_overlays_trampoline_lowered:
0x8: {  	[smem:$0x3FA1] =	sst s0  }
0x9: {  	[smem:$0x3FA2] =	sst s1  }
0xa: {  	[smem:$0x3FA3] =	sst s2  }
0xb: {  	[smem:$0x3FA4] =	sst s3  }
0xc: {  	[smem:$0x3FA5] =	sst s4  }
0xd: {  	[smem:$0x3FA6] =	sst s5  }
0xe: {  	[smem:$0x3FA7] =	sst s6  }
0xf: {  	[smem:$0x3FA8] =	sst s7  }
0x10: {  	[smem:$0x3FA9] =	sst s8  }
0x11: {  	[smem:$0x3FAA] =	sst s9;
	s0 =	simm.s32 @!p0 $0x0  }
0x12: {  	s1 =	sld [smem:$0x3F90];
	s0 =	simm.s32 @p0 $0x1  }
0x13: {  	[smem:$0x3FAB] =	sst s0;
	s0 =	simm.s32 @!p1 $0x0  }
0x14: {  	s2 =	sld [smem:$0x3F8F];
	s0 =	simm.s32 @p1 $0x1  }
0x15: {  	[smem:$0x3FAC] =	sst s0;
	s0 =	simm.s32 @!p2 $0x0  }
0x16: {  	s3 =	sld [smem:$0x3FDB];
	s0 =	simm.s32 @p2 $0x1  }
0x17: {  	s4 =	simm.s32 $0x1BF5;
	[smem:$0x3FAE] =	sst s0  }
0x18: {  	s0 =	sld [smem:$0x3F91];
	_ =	swait.ge [sflag:s4], $0x0  }
0x19: {  	s7 =	sld [smem:$0x3F92]  }
0x1a: {  	s8 =	sadd.s32 $0xFFFFE003, lr  }
0x1b: {  	s9 =	sadd.s32 $0xFFFFFEF7, lr;
	s5 =	simm.s32 $0xFFFFFFFF;
	p2 =	slt.u32 s8, $0xFFFFF086  }
0x1c: {  	p1 =	slt.u32 s9, $0xF7A;
	s5 =	simm.s32 @!p2 $0x0  }
0x1d: {  	s5 =	simm.s32 @p1 $0x1;
	p0 =	seq.s32 s7, s2  }
0x1e: {  	s7 =	smul.u32 @!p0 $0xF7A, s2;
	p2 =	seq.s32 @!p0 s5, $0x0  }
0x1f: {  	s9 =	smul.u32 $0xF7A, s1;
	s8 =	simm.s32 @!p0 $0x1BF5;
	p2 =	por !p2, p0  }
0x20: {  	[sflag:s8] =	ssyncset.s32 @!p0 $0xFFFFF086;
	s6 =	sadd.s32 @!p0 s3, s7;
	s7 =	simm.s32 @!p0 $0x108  }
0x21: {  	s3 =	sadd.s32 s3, s9;
	s6 =	sadd.s32 @!p0 $0x88, s6;
	s7 =	simm.s32 @p2 $0x1082  }
0x22: {  	[simem:s7], [sflag:s8] =	dma.local @!p0 [hbm:s6], $0xF7A  }
0x23: {  	s9 =	sor.u32 $0xD0000000, s2;
	s6 =	simm.s32 $0x108;
	_ =	swait.ge @!p0 [sflag:s8], $0x0  }
0x24: {  	s3 =	sadd.s32 $0x88, s3;
	s6 =	simm.s32 @!p1 $0x1082;
	[sflag:s4] =	ssyncset.s32 $0xFFFFF086  }
0x25: {  	[simem:s6], [sflag:s4] =	dma.local [hbm:s3], $0xF7A  }
0x26: {  	[smem:$0x3F92] =	sst s1;
	(tag) =	ssettag s2;
	_ =	strace s9  }
0x27: {  	s1 =	sld [smem:$0x3FA2]  }
0x28: {  	s2 =	sld [smem:$0x3FA3]  }
0x29: {  	s4 =	sld [smem:$0x3FA5]  }
0x2a: {  	p0 =	seq.s32 s5, $0x0;
	s5 =	sld [smem:$0x3FA6]  }
0x2b: {  	s6 =	sld [smem:$0x3FA7]  }
0x2c: {  	s7 =	sld [smem:$0x3FA8]  }
0x2d: {  	s3 =	simm.s32 $0x108;
	s8 =	sld [smem:$0x3FA9]  }
0x2e: {  	s3 =	simm.s32 @!p0 $0x1082;
	s9 =	sld [smem:$0x3FAA]  }
0x2f: {  	lr =	sadd.s32 s0, s3;
	s0 =	sld [smem:$0x3FA1]  }
0x30: {  	s3 =	sld [smem:$0x3FA4]  }
0x31: {  	[smem:$0x3FAD] =	sst s10  }
0x32: {  	s10 =	sld [smem:$0x3FAB];
	_ =	sdelay $0x3  }
0x33: {  	p0 =	seq.s32 s10, $0x1;
	s10 =	sld [smem:$0x3FAD];
	_ =	sdelay $0x3  }
0x34: {  	[smem:$0x3FAD] =	sst s10  }
0x35: {  	s10 =	sld [smem:$0x3FAC];
	_ =	sdelay $0x3  }
0x36: {  	p1 =	seq.s32 s10, $0x1;
	s10 =	sld [smem:$0x3FAD];
	_ =	sdelay $0x3  }
0x37: {  	[smem:$0x3FAD] =	sst s10  }
0x38: {  	s10 =	sld [smem:$0x3FAE]  }
0x39: {  	_ = 	snop;
	(pc) =	sbr.ind lr, $3  }
0x3a: {  	_ = 	snop  }
0x3b: {  	_ = 	snop  }
0x3c: {  	p2 =	seq.s32 s10, $0x1;
	s10 =	sld [smem:$0x3FAD]  }
0x3d: {  	_ =	shalt  }
0x3e: {  	_ =	shalt  }
0x3f: {  	_ =	shalt  }
0x40: {  	_ =	shalt  }
0x41: {  	_ =	shalt  }
0x42: {  	_ =	shalt  }
0x43: {  	_ =	shalt  }
0x44: {  	_ =	shalt  }
0x45: {  	_ =	shalt  }
0x46: {  	_ =	shalt  }
0x47: {  	_ =	shalt  }
0x48: {  	_ =	shalt  }
0x49: {  	_ =	shalt  }
0x4a: {  	_ =	shalt  }
0x4b: {  	_ =	shalt  }
0x4c: {  	_ =	shalt  }
0x4d: {  	_ =	shalt  }
0x4e: {  	_ =	shalt  }
0x4f: {  	_ =	shalt  }
0x50: {  	_ =	shalt  }
0x51: {  	_ =	shalt  }
0x52: {  	_ =	shalt  }
0x53: {  	_ =	shalt  }
0x54: {  	_ =	shalt  }
0x55: {  	_ =	shalt  }
0x56: {  	_ =	shalt  }
0x57: {  	_ =	shalt  }
0x58: {  	_ =	shalt  }
0x59: {  	_ =	shalt  }
0x5a: {  	_ =	shalt  }
0x5b: {  	_ =	shalt  }
0x5c: {  	_ =	shalt  }
0x5d: {  	_ =	shalt  }
0x5e: {  	_ =	shalt  }
0x5f: {  	_ =	shalt  }
0x60: {  	_ =	shalt  }
0x61: {  	_ =	shalt  }
0x62: {  	_ =	shalt  }
0x63: {  	_ =	shalt  }
0x64: {  	_ =	shalt  }
0x65: {  	_ =	shalt  }
0x66: {  	_ =	shalt  }
0x67: {  	_ =	shalt  }
0x68: {  	_ =	shalt  }
0x69: {  	_ =	shalt  }
0x6a: {  	_ =	shalt  }
0x6b: {  	_ =	shalt  }
0x6c: {  	_ =	shalt  }
0x6d: {  	_ =	shalt  }
0x6e: {  	_ =	shalt  }
0x6f: {  	_ =	shalt  }
0x70: {  	_ =	shalt  }
0x71: {  	_ =	shalt  }
0x72: {  	_ =	shalt  }
0x73: {  	_ =	shalt  }
0x74: {  	_ =	shalt  }
0x75: {  	_ =	shalt  }
0x76: {  	_ =	shalt  }
0x77: {  	_ =	shalt  }
0x78: {  	_ =	shalt  }
0x79: {  	_ =	shalt  }
0x7a: {  	_ =	shalt  }
0x7b: {  	_ =	shalt  }
0x7c: {  	_ =	shalt  }
0x7d: {  	_ =	shalt  }
0x7e: {  	_ =	shalt  }
0x7f: {  	_ =	shalt  }
0x80: {  	_ =	shalt  }
0x81: {  	_ =	shalt  }
0x82: {  	_ =	shalt  }
0x83: {  	_ =	shalt  }
0x84: {  	_ =	shalt  }
0x85: {  	_ =	shalt  }
0x86: {  	_ =	shalt  }
0x87: {  	_ =	shalt  }
.Lfunc_end0:
.L_simem_size_0:
called_computation_lowered:
.L_overlay_start_0:
0x88: {  	s2 =	sld [smem:$0x3FD9]  }
0x89: {  	s3 =	sld [smem:$0x3FFE];
	_ =	sdelay $0x1  }
0x8a: {  	s1 =	srdreg.scid  }
0x8b: {  	s0 =	sand.u32 $0x1, s1  }
0x8c: {  	s16 =	sshll.u32 s0, $0xA;
	s2 =	sadd.s32 s3, s2  }
0x8d: {  	s2 =	sadd.s32 s2, s16  }
0x8e: {  	[smem:$0x3FB9] =	sst s2  }
0x8f: {  	_ = 	snop  }
0x90: {  	(tm) =	ssettm $0x1  }
0x91: {  	s17 =	sld [smem:$0x3FFB];
	_ =	sdelay $0x3  }
0x92: {  	_ =	strace s17  }
0x93: {  	s2 =	sld [smem:$0x3FFC];
	_ =	sdelay $0x3  }
0x94: {  	_ =	strace s2  }
0x95: {  	s2 =	sld [smem:$0x3FFD];
	_ =	sdelay $0x3  }
0x96: {  	_ =	strace s2  }
0x97: {  	_ =	strace $0x8FFFFFFF  }
0x98: {  	s18 =	sld [smem:$0x3FDB];
	_ =	sdelay $0x1  }
0x99: {  	s19 =	simm.s32 $_scs_section_size  }
0x9a: {  	s4 =	simm.s32 $_size__tile_overlayer_lowered;
	s5 =	simm.s32 $_tile_overlayer_lowered  }
0x9b: {  	s22 =	simm.s32 $0x1BFF;
	s21 =	sshll.u32 s5, $0x1;
	s2 =	sadd.s32 s19, s18  }
0x9c: {  	s6 =	simm.s32 $0x0;
	s20 =	sshll.u32 s4, $0x1;
	s4 =	sadd.s32 s21, s2  }
0x9d: {  	[timem:s6], [sflag:s22] =	dma.local [hbm:s4], s20  }
0x9e: {  	_ =	swait.ge [sflag:s22], s20  }
0x9f: {  	s3 =	ssub.s32 $0x0, s20;
	[sflag:s22] =	ssyncset.done $0x0  }
0xa0: {  	[sflag:s22] =	ssyncadd.s32 s3;
	_ =	sdelay $0x1  }
0xa1: {  	s23 =	simm.s32 $0x1B8B  }
0xa2: {  	_ =	swait.ge [sflag:s23], $0x1  }
0xa3: {  	[sflag:s23] =	ssyncset.done $0x0  }
0xa4: {  	s25 =	simm.s32 $0x1B8E;
	s24 =	sld [smem:$0x3FFE];
	[sflag:s23] =	ssyncadd.s32 $0xFFFFFFFF  }
0xa5: {  	s26 =	simm.s32 $execute0_lowered;
	[smem:$0x3FD2] =	sst s25  }
0xa6: {  	s4 =	sshll.u32 s26, $0x1;
	_ =	strace $0x80000046;
	[dreg:$0x1] =	wrdreg $0xFFFFFFFF  }
0xa7: {  	s28 =	simm.s32 $_size_execute0_lowered;
	s2 =	sadd.s32 s2, s4;
	[dreg:$0x0] =	wrdreg $0x0  }
0xa8: {  	s4 =	sshll.u32 s28, $0x1;
	[dreg:$0x2] =	wrdreg s2  }
0xa9: {  	[dreg:$0x3] =	wrdreg s4  }
0xaa: {  	[dreg:$0x4] =	wrdreg $0xC0  }
0xab: {  	_ =	task [dreg:s6], $0x5FFFF  }
0xac: {  	[dreg:$0x1] =	wrdreg $0xFFFFFFFF  }
0xad: {  	[dreg:$0x0] =	wrdreg $0x60  }
0xae: {  	[dreg:$0x2] =	wrdreg s24  }
0xaf: {  	[dreg:$0x3] =	wrdreg $0xC4000  }
0xb0: {  	[dreg:$0x4] =	wrdreg $0x9  }
0xb1: {  	_ =	task.clear_ibuf [dreg:s6], $0x5FFFF;
	_ =	strace $0x90000046  }
0xb2: {  	s29 =	simm.s32 $0x9;
	_ =	strace $0x80000048  }
0xb3: {  	_ =	swait.ge [sflag:s29], $0x1  }
0xb4: {  	[sflag:s29] =	ssyncadd.s32 $0xFFFFFFFF  }
0xb5: {  	_ =	strace $0x90000048  }
0xb6: {  	_ =	sfence  }
0xb7: {  	s30 =	sld [smem:$0x0];
	_ =	sdelay $0x2  }
0xb8: {  	s31 =	sshll.u32 s1, $0xD;
	s1 =	sshrl.u32 s1, $0x2  }
0xb9: {  	s3 =	sand.u32 $0x4000, s31;
	s1 =	sadd.s32 s1, s30  }
0xba: {  	s0 =	sor.u32 s3, s0;
	s1 =	sshll.u32 s1, $0x11  }
0xbb: {  	s0 =	sor.u32 s1, s0  }
0xbc: {  	s0 =	sadd.s32 $0x8F2B, s0  }
0xbd: {  	[sflag:s0] =	ssyncadd.remote.s32 $0x1  }
0xbe: {  	_ =	sfence.sel $0xFFFF  }
0xbf: {  	[dreg:$0x0] =	wrdreg $0xFFFFFFFF;
	(pc) =	sbr.abs _section_cstart, $3  }
0xc0: {  	[dreg:$0x1] =	wrdreg $0xFFFFFFFF  }
0xc1: {  	_ =	task.clear_ibuf [dreg:s6], $0x2FFFF;
	_ =	strace $0x9FFFFFFF  }
0xc2: {  	(tm) =	ssettm $0x7FFFFFFF  }
0xc3: {  	_ =	shalt  }
tec
execute0_lowered:
.L_overlay_start_1:
0x0: {  	(tag) =	ssettag $0x1  }
0x1: {  	s0 =	srdreg.scid;
	s5 =	rddreg [dreg:$0x0]  }
0x2: {  	s26 =	stileid.u32;
	s2 =	rddreg [dreg:$0x1];
	s3 =	simm.s32 $0x0  }
0x3: {  	s24 =	simm.s32 $0x2800;
	s25 =	simm.s32 $0x7D;
	s28 =	simm.s32 $0x1  }
0x4: {  	s29 =	simm.s32 $0x0;
	s7 =	sand.u32 $0x1, s0;
	s8 =	smul.u32 $0x4E000, s26  }
0x5: {  	[smem:$0x7FF] =	sst s3;
	s10 =	smul.u32 $0x13800, s26;
	s19 =	sadd.s32 $0x3F600, s5  }
0x6: {  	s11 =	sadd.s32 $0x138000, s2;
	p0 =	sne.s32 s26, $0xF;
	s1 =	sshll.u32 s7, $0x4  }
0x7: {  	_ =	strace $0x80000047;
	s30 =	ssub.s32 $0x2, s7;
	s18 =	smul.u32 $0x138800, s7  }
0x8: {  	s4 =	sor.u32 s26, s1;
	s31 =	sshrl.u32 s30, $0x1;
	s8 =	sshrl.u32 s8, $0x2  }
0x9: {  	s15 =	sadd.s32 $0x3400, s10;
	s16 =	sadd.s32 $0x6800, s10;
	s17 =	sadd.s32 $0x9C00, s10  }
0xa: {  	s20 =	sadd.s32 $0xD000, s10;
	s22 =	sadd.s32 $0x10400, s10;
	s26 =	simm.s32 $0x5000  }
0xb: {  	s6 =	smul.u32 $0x500, s4;
	s4 =	sadd.s32 $0x18400, s5;
	s21 =	ssub.s32 s30, s31  }
0xc: {  	s7 =	sadd.s32 s16, s2;
	s9 =	sadd.s32 s20, s2;
	s12 =	sadd.s32 s10, s18  }
0xd: {  	s10 =	sadd.s32 s22, s2;
	s16 =	sadd.s32 s18, s16;
	s20 =	sadd.s32 s18, s20  }
0xe: {  	s22 =	sadd.s32 s18, s22;
	s14 =	sshrl.u32 s12, $0x3;
	s16 =	sshrl.u32 s16, $0x3  }
0xf: {  	s20 =	sshrl.u32 s20, $0x3;
	s22 =	sshrl.u32 s22, $0x3;
	s21 =	smax.u32 s21, $0x1  }
0x10: {  	s13 =	sadd.s32 s6, s5;
	s5 =	sadd.s32 s8, s2;
	s6 =	sadd.s32 s15, s2  }
0x11: {  	s8 =	sadd.s32 s17, s2;
	s14 =	sadd.s32 s19, s14;
	s15 =	sadd.s32 s18, s15  }
0x12: {  	s17 =	sadd.s32 s18, s17;
	s16 =	sadd.s32 s19, s16;
	s18 =	sshrl.u32 s18, $0x3  }
0x13: {  	s12 =	sadd.s32 $0x4400, s13;
	s13 =	sadd.s32 $0xE400, s13;
	s15 =	sshrl.u32 s15, $0x3  }
0x14: {  	s17 =	sshrl.u32 s17, $0x3;
	s23 =	sadd.s32 s19, s18;
	s18 =	sadd.s32 s19, s20  }
0x15: {  	s15 =	sadd.s32 s19, s15;
	s17 =	sadd.s32 s19, s17;
	s19 =	sadd.s32 s19, s22  }
0x16: {  	v0 =	vimm.f32 $0.0e+00;
	s20 =	sadd.s32 $0x27000, s23;
	s22 =	simm.s32 $0x9000;
	s23 =	simm.s32 $0x2  }
.LBB2_1:
0x17: {  	s30 =	simm.s32 $0x0;
	s31 =	simm.s32 $0x200  }
.LBB2_2:
0x18: {  	p1 =	sne.s32 s31, $0xCE00;
	[tilespmem:s30+$0x9070] =	vst v0  }
0x19: {  	[tilespmem:s30+$0x9000] =	vst v0  }
0x1a: {  	[tilespmem:s30+$0x9010] =	vst v0  }
.Ltmp0:
0x1b: {  	[tilespmem:s30+$0x9020] =	vst v0;
	(pc) =	sbr.rel @p1 .LBB2_2-.Ltmp0, $4  }
0x1c: {  	[tilespmem:s30+$0x9030] =	vst v0  }
0x1d: {  	[tilespmem:s30+$0x9040] =	vst v0  }
0x1e: {  	[tilespmem:s30+$0x9050] =	vst v0  }
0x1f: {  	[tilespmem:s30+$0x9060] =	vst v0;
	s30 =	sshra.s32 s31, $0x2;
	s31 =	sadd.s32 $0x200, s31  }
0x20: {  	[tilespmem:s30+$0x9070] =	vst v0  }
0x21: {  	[tilespmem:s30+$0x9000] =	vst v0  }
0x22: {  	[tilespmem:s30+$0x9010] =	vst v0  }
0x23: {  	[tilespmem:s30+$0x9020] =	vst v0  }
0x24: {  	[tilespmem:s30+$0x9030] =	vst v0  }
0x25: {  	[tilespmem:s30+$0x9040] =	vst v0  }
0x26: {  	[tilespmem:s30+$0x9050] =	vst v0  }
0x27: {  	[tilespmem:s30+$0x9060] =	vst v0  }
0x28: {  	[spmem:s5] =	stream.linear.scatter [tilespmem:s22], [sflag:$0x2], $0x3400, $0x38;
	[tilespmem:$0x1FC80] =	vst v63  }
0x29: {  	_ =	swait.ge [sflag:s23], $0x3400  }
0x2a: {  	[sflag:s23] =	ssyncset.done $0x0  }
0x2b: {  	[sflag:s23] =	ssyncadd.s32 $0xFFFFCC00  }
0x2c: {  	[spmem:s6] =	stream.linear.scatter [tilespmem:s22], [sflag:$0x2], $0x3400, $0x38;
	[tilespmem:$0x1FC80] =	vst v63  }
0x2d: {  	_ =	swait.ge [sflag:s23], $0x3400  }
0x2e: {  	[sflag:s23] =	ssyncset.done $0x0  }
0x2f: {  	[sflag:s23] =	ssyncadd.s32 $0xFFFFCC00  }
0x30: {  	[spmem:s7] =	stream.linear.scatter [tilespmem:s22], [sflag:$0x2], $0x3400, $0x38;
	[tilespmem:$0x1FC80] =	vst v63  }
0x31: {  	_ =	swait.ge [sflag:s23], $0x3400  }
0x32: {  	[sflag:s23] =	ssyncset.done $0x0  }
0x33: {  	[sflag:s23] =	ssyncadd.s32 $0xFFFFCC00  }
0x34: {  	[spmem:s8] =	stream.linear.scatter [tilespmem:s22], [sflag:$0x2], $0x3400, $0x38;
	[tilespmem:$0x1FC80] =	vst v63  }
0x35: {  	_ =	swait.ge [sflag:s23], $0x3400  }
0x36: {  	[sflag:s23] =	ssyncset.done $0x0  }
0x37: {  	[sflag:s23] =	ssyncadd.s32 $0xFFFFCC00  }
0x38: {  	[spmem:s9] =	stream.linear.scatter [tilespmem:s22], [sflag:$0x2], $0x3400, $0x38;
	[tilespmem:$0x1FC80] =	vst v63  }
0x39: {  	_ =	swait.ge [sflag:s23], $0x3400  }
0x3a: {  	[sflag:s23] =	ssyncset.done $0x0  }
0x3b: {  	[sflag:s23] =	ssyncadd.s32 $0xFFFFCC00  }
0x3c: {  	[spmem:s10] =	stream.linear.scatter [tilespmem:s22], [sflag:$0x2], $0x3400, $0x38;
	[tilespmem:$0x1FC80] =	vst v63  }
0x3d: {  	_ =	swait.ge [sflag:s23], $0x3400  }
0x3e: {  	[sflag:s23] =	ssyncset.done $0x0  }
0x3f: {  	s30 =	simm.s32 @!p0 $0x9000;
	[sflag:s23] =	ssyncadd.s32 $0xFFFFCC00  }
0x40: {  	[spmem:s11] =	stream.linear.scatter @!p0 [tilespmem:s30], [sflag:$0x2], $0x800, $0x38;
	[tilespmem:$0x1FC80] =	vst v63  }
0x41: {  	s30 =	simm.s32 @!p0 $0x2  }
0x42: {  	_ =	swait.ge @!p0 [sflag:s30], $0x800  }
0x43: {  	[sflag:s30] =	ssyncset.done @!p0 $0x0  }
0x44: {  	[sflag:s30] =	ssyncadd.s32 @!p0 $0xFFFFF800  }
0x45: {  	s30 =	simm.s32 $0x0;
	[bflag:$0x0] =	sbarrier.arrive $0xFFFF  }
0x46: {  	[tilespmem:s30], [sflag:$0x2] =	stream.linear.gather [hbm4b:s12+s30], $0x2800, $0x38;
	[tilespmem:$0x1FC80] =	vst v63  }
0x47: {  	_ =	swait.ge [sflag:s23], $0x2800  }
0x48: {  	[sflag:s23] =	ssyncset.done $0x0  }
0x49: {  	[sflag:s23] =	ssyncadd.s32 $0xFFFFD800  }
0x4a: {  	[tilespmem:s24], [sflag:$0x2] =	stream.linear.gather [hbm4b:s13+s30], $0x2800, $0x38;
	[tilespmem:$0x1FC80] =	vst v63  }
0x4b: {  	_ =	swait.ge [sflag:s23], $0x2800  }
0x4c: {  	[sflag:s23] =	ssyncset.done $0x0  }
0x4d: {  	s30 =	simm.s32 $0x0;
	[sflag:s23] =	ssyncadd.s32 $0xFFFFD800  }
0x4e: {  	[tilespmem:s26], [sflag:$0x1] =	stream.indirect.gather [hbm4b:s4+s25], $0x80, s30, s25, $0xb8;
	[tilespmem:$0x1FC80] =	vst v63  }
0x4f: {  	_ =	swait.ge [sflag:s28], $0x3E80  }
0x50: {  	[sflag:s28] =	ssyncset.done $0x0  }
0x51: {  	s30 =	simm.s32 $0x2800;
	[sflag:s28] =	ssyncadd.s32 $0xFFFFC180  }
0x52: {  	[spmem:s2] =	stream.indirect.scatter.add.f32 [tilespmem:s26], [sflag:$0x2], $0x80, s30, s25, $0xb8;
	[tilespmem:$0x1FC80] =	vst v63  }
0x53: {  	_ =	swait.ge [sflag:s23], $0x3E80  }
0x54: {  	s31 =	simm.s32 $0x400;
	s30 =	simm.s32 $0x200;
	[sflag:s23] =	ssyncset.done $0x0  }
.LBB2_4:
0x55: {  	s1 =	sshra.s32 s30, $0x2  }
0x56: {  	[sflag:s23] =	ssyncadd.s32 $0xFFFFC180;
	s30 =	smov.u32 s31;
	s0 =	sadd.s32 $0x200, s31  }
0x57: {  	[tilespmem:s26], [sflag:$0x1] =	stream.indirect.gather [hbm4b:s4+s25], $0x80, s1, s25, $0xb8;
	[tilespmem:$0x1FC80] =	vst v63  }
0x58: {  	p1 =	sne.s32 s31, $0x9E00;
	_ =	swait.ge [sflag:s28], $0x3E80  }
.Ltmp1:
0x59: {  	[sflag:s28] =	ssyncset.done $0x0;
	(pc) =	sbr.rel @p1 .LBB2_4-.Ltmp1, $4  }
0x5a: {  	s1 =	sadd.s32 $0x2800, s1;
	[sflag:s28] =	ssyncadd.s32 $0xFFFFC180  }
0x5b: {  	[spmem:s2] =	stream.indirect.scatter.add.f32 [tilespmem:s26], [sflag:$0x2], $0x80, s1, s25, $0xb8;
	[tilespmem:$0x1FC80] =	vst v63  }
0x5c: {  	_ =	swait.ge [sflag:s23], $0x3E80  }
0x5d: {  	s31 =	smov.u32 s0;
	[sflag:s23] =	ssyncset.done $0x0  }
0x5e: {  	s0 =	sshra.s32 s30, $0x2;
	[sflag:s23] =	ssyncadd.s32 $0xFFFFC180  }
0x5f: {  	[tilespmem:s26], [sflag:$0x1] =	stream.indirect.gather [hbm4b:s4+s25], $0x80, s0, s25, $0xb8;
	[tilespmem:$0x1FC80] =	vst v63  }
0x60: {  	_ =	swait.ge [sflag:s28], $0x3E80  }
0x61: {  	[sflag:s28] =	ssyncset.done $0x0  }
0x62: {  	s0 =	sadd.s32 $0x2800, s0;
	[sflag:s28] =	ssyncadd.s32 $0xFFFFC180  }
0x63: {  	[spmem:s2] =	stream.indirect.scatter.add.f32 [tilespmem:s26], [sflag:$0x2], $0x80, s0, s25, $0xb8;
	[tilespmem:$0x1FC80] =	vst v63  }
0x64: {  	_ =	swait.ge [sflag:s23], $0x3E80  }
0x65: {  	[sflag:s23] =	ssyncset.done $0x0  }
0x66: {  	[sflag:s23] =	ssyncadd.s32 $0xFFFFC180  }
0x67: {  	[bflag:$0x0] =	sbarrier.arrive $0xFFFF  }
0x68: {  	[tilespmem:s22], [sflag:$0x2] =	stream.linear.gather [spmem:s5], $0x3400, $0x38;
	[tilespmem:$0x1FC80] =	vst v63  }
0x69: {  	_ =	swait.ge [sflag:s23], $0x3400  }
0x6a: {  	[sflag:s23] =	ssyncset.done $0x0  }
0x6b: {  	[sflag:s23] =	ssyncadd.s32 $0xFFFFCC00  }
0x6c: {  	[hbm4b:s14+s3] =	stream.linear.scatter [tilespmem:s22], [sflag:$0x2], $0x3400, $0x38;
	[tilespmem:$0x1FC80] =	vst v63  }
0x6d: {  	_ =	swait.ge [sflag:s23], $0x3400  }
0x6e: {  	[sflag:s23] =	ssyncset.done $0x0  }
0x6f: {  	[sflag:s23] =	ssyncadd.s32 $0xFFFFCC00  }
0x70: {  	[tilespmem:s22], [sflag:$0x2] =	stream.linear.gather [spmem:s6], $0x3400, $0x38;
	[tilespmem:$0x1FC80] =	vst v63  }
0x71: {  	_ =	swait.ge [sflag:s23], $0x3400  }
0x72: {  	[sflag:s23] =	ssyncset.done $0x0  }
0x73: {  	[sflag:s23] =	ssyncadd.s32 $0xFFFFCC00  }
0x74: {  	[hbm4b:s15+s3] =	stream.linear.scatter [tilespmem:s22], [sflag:$0x2], $0x3400, $0x38;
	[tilespmem:$0x1FC80] =	vst v63  }
0x75: {  	_ =	swait.ge [sflag:s23], $0x3400  }
0x76: {  	[sflag:s23] =	ssyncset.done $0x0  }
0x77: {  	[sflag:s23] =	ssyncadd.s32 $0xFFFFCC00  }
0x78: {  	[tilespmem:s22], [sflag:$0x2] =	stream.linear.gather [spmem:s7], $0x3400, $0x38;
	[tilespmem:$0x1FC80] =	vst v63  }
0x79: {  	_ =	swait.ge [sflag:s23], $0x3400  }
0x7a: {  	[sflag:s23] =	ssyncset.done $0x0  }
0x7b: {  	[sflag:s23] =	ssyncadd.s32 $0xFFFFCC00  }
0x7c: {  	[hbm4b:s16+s3] =	stream.linear.scatter [tilespmem:s22], [sflag:$0x2], $0x3400, $0x38;
	[tilespmem:$0x1FC80] =	vst v63  }
0x7d: {  	_ =	swait.ge [sflag:s23], $0x3400  }
0x7e: {  	[sflag:s23] =	ssyncset.done $0x0  }
0x7f: {  	[sflag:s23] =	ssyncadd.s32 $0xFFFFCC00  }
0x80: {  	[tilespmem:s22], [sflag:$0x2] =	stream.linear.gather [spmem:s8], $0x3400, $0x38;
	[tilespmem:$0x1FC80] =	vst v63  }
0x81: {  	_ =	swait.ge [sflag:s23], $0x3400  }
0x82: {  	[sflag:s23] =	ssyncset.done $0x0  }
0x83: {  	[sflag:s23] =	ssyncadd.s32 $0xFFFFCC00  }
0x84: {  	[hbm4b:s17+s3] =	stream.linear.scatter [tilespmem:s22], [sflag:$0x2], $0x3400, $0x38;
	[tilespmem:$0x1FC80] =	vst v63  }
0x85: {  	_ =	swait.ge [sflag:s23], $0x3400  }
0x86: {  	[sflag:s23] =	ssyncset.done $0x0  }
0x87: {  	[sflag:s23] =	ssyncadd.s32 $0xFFFFCC00  }
0x88: {  	[tilespmem:s22], [sflag:$0x2] =	stream.linear.gather [spmem:s9], $0x3400, $0x38;
	[tilespmem:$0x1FC80] =	vst v63  }
0x89: {  	_ =	swait.ge [sflag:s23], $0x3400  }
0x8a: {  	[sflag:s23] =	ssyncset.done $0x0  }
0x8b: {  	[sflag:s23] =	ssyncadd.s32 $0xFFFFCC00  }
0x8c: {  	[hbm4b:s18+s3] =	stream.linear.scatter [tilespmem:s22], [sflag:$0x2], $0x3400, $0x38;
	[tilespmem:$0x1FC80] =	vst v63  }
0x8d: {  	_ =	swait.ge [sflag:s23], $0x3400  }
0x8e: {  	[sflag:s23] =	ssyncset.done $0x0  }
0x8f: {  	[sflag:s23] =	ssyncadd.s32 $0xFFFFCC00  }
0x90: {  	[tilespmem:s22], [sflag:$0x2] =	stream.linear.gather [spmem:s10], $0x3400, $0x38;
	[tilespmem:$0x1FC80] =	vst v63  }
0x91: {  	_ =	swait.ge [sflag:s23], $0x3400  }
0x92: {  	[sflag:s23] =	ssyncset.done $0x0  }
0x93: {  	[sflag:s23] =	ssyncadd.s32 $0xFFFFCC00  }
0x94: {  	[hbm4b:s19+s3] =	stream.linear.scatter [tilespmem:s22], [sflag:$0x2], $0x3400, $0x38;
	[tilespmem:$0x1FC80] =	vst v63  }
0x95: {  	_ =	swait.ge [sflag:s23], $0x3400  }
0x96: {  	[sflag:s23] =	ssyncset.done $0x0  }
0x97: {  	s1 =	simm.s32 @!p0 $0x2;
	s0 =	simm.s32 @!p0 $0x9000;
	[sflag:s23] =	ssyncadd.s32 $0xFFFFCC00  }
0x98: {  	[tilespmem:s0], [sflag:$0x2] =	stream.linear.gather @!p0 [spmem:s11], $0x800, $0x38;
	[tilespmem:$0x1FC80] =	vst v63  }
0x99: {  	s29 =	sadd.s32 $0x1, s29;
	_ =	swait.ge @!p0 [sflag:s1], $0x800  }
0x9a: {  	p1 =	sne.s32 s29, s21;
	[sflag:s1] =	ssyncset.done @!p0 $0x0  }
.Ltmp2:
0x9b: {  	s30 =	simm.s32 @!p0 $0x0;
	[sflag:s1] =	ssyncadd.s32 @!p0 $0xFFFFF800;
	(pc) =	sbr.rel @p1 .LBB2_1-.Ltmp2, $4  }
0x9c: {  	[hbm4b:s20+s30] =	stream.linear.scatter @!p0 [tilespmem:s0], [sflag:$0x2], $0x800, $0x38;
	[tilespmem:$0x1FC80] =	vst v63  }
0x9d: {  	_ =	swait.ge @!p0 [sflag:s1], $0x800  }
0x9e: {  	[sflag:s1] =	ssyncset.done @!p0 $0x0  }
0x9f: {  	[sflag:s1] =	ssyncadd.s32 @!p0 $0xFFFFF800  }
0xa0: {  	_ =	sfence.sel $0x180000  }
0xa1: {  	[bflag:$0x0] =	sbarrier.arrive $0xFFFF  }
0xa2: {  	_ =	strace $0x90000047  }
0xa3: {  	s0 =	stileid.u32;
	[bflag:$0x2] =	sbarrier.arrive $0xFFFF  }
0xa4: {  	p0 =	sne.s32 s0, $0x0;
	s0 =	rddreg [dreg:$0x2]  }
0xa5: {  	s0 =	sadd.s32 @!p0 $0x100000, s0  }
0xa6: {  	[sflag:s0] =	ssyncadd.tile.s32 @!p0 $0x1;
	_ =	shalt  }
.Lfunc_end2:
_tile_overlayer_lowered:
.L_overlay_start_2:
0xa7: {  	(tag) =	ssettag $0x2  }
0xa8: {  	s0 =	rddreg [dreg:$0x0];
	s2 =	stileid.u32  }
0xa9: {  	s1 =	rddreg [dreg:$0x1];
	p0 =	sne.s32 s2, $0x0  }
0xaa: {  	s3 =	rddreg [dreg:$0x2];
	[bflag:$0x3] =	sbarrier.arrive $0xFFFF;
	s2 =	simm.s32 @!p0 $0x1C02  }
0xab: {  	[timem:s3], [sflag:s2] =	dma.local @!p0 [hbm:s0], s1  }
0xac: {  	s0 =	simm.s32 @!p0 $0x2  }
0xad: {  	_ =	swait.ge @!p0 [sflag:s0], s1  }
0xae: {  	s1 =	ssub.s32 @!p0 $0x0, s1;
	[sflag:s0] =	ssyncset.done @!p0 $0x0  }
0xaf: {  	[sflag:s0] =	ssyncadd.s32 @!p0 s1  }
0xb0: {  	[bflag:$0x3] =	sbarrier.arrive $0xFFFF  }
0xb1: {  	_ =	shalt  }

// kernel: kernel.13.cloned.1.call-start
scs
__scs_entry_jumppad:
0x0: {  	(pc) =	sbr.rel $0x88, $3  }
0x1: {  	(tag) =	ssettag $0x0;
	lr =	simm.s32 $0x1  }
0x2: {  	[smem:$0x3F92] =	sst lr;
	_ =	strace $0xD0000000  }
0x3: {  	_ = 	snop  }
0x4: {  	_ = 	snop  }
0x5: {  	_ = 	snop  }
0x6: {  	_ = 	snop  }
0x7: {  	_ = 	snop  }
__scs_overlays_trampoline_lowered:
0x8: {  	[smem:$0x3FA1] =	sst s0  }
0x9: {  	[smem:$0x3FA2] =	sst s1  }
0xa: {  	[smem:$0x3FA3] =	sst s2  }
0xb: {  	[smem:$0x3FA4] =	sst s3  }
0xc: {  	[smem:$0x3FA5] =	sst s4  }
0xd: {  	[smem:$0x3FA6] =	sst s5  }
0xe: {  	[smem:$0x3FA7] =	sst s6  }
0xf: {  	[smem:$0x3FA8] =	sst s7  }
0x10: {  	[smem:$0x3FA9] =	sst s8  }
0x11: {  	[smem:$0x3FAA] =	sst s9;
	s0 =	simm.s32 @!p0 $0x0  }
0x12: {  	s1 =	sld [smem:$0x3F90];
	s0 =	simm.s32 @p0 $0x1  }
0x13: {  	[smem:$0x3FAB] =	sst s0;
	s0 =	simm.s32 @!p1 $0x0  }
0x14: {  	s2 =	sld [smem:$0x3F8F];
	s0 =	simm.s32 @p1 $0x1  }
0x15: {  	[smem:$0x3FAC] =	sst s0;
	s0 =	simm.s32 @!p2 $0x0  }
0x16: {  	s3 =	sld [smem:$0x3FDB];
	s0 =	simm.s32 @p2 $0x1  }
0x17: {  	s4 =	simm.s32 $0x1BF5;
	[smem:$0x3FAE] =	sst s0  }
0x18: {  	s0 =	sld [smem:$0x3F91];
	_ =	swait.ge [sflag:s4], $0x0  }
0x19: {  	s7 =	sld [smem:$0x3F92]  }
0x1a: {  	s8 =	sadd.s32 $0xFFFFE003, lr  }
0x1b: {  	s9 =	sadd.s32 $0xFFFFFEF7, lr;
	s5 =	simm.s32 $0xFFFFFFFF;
	p2 =	slt.u32 s8, $0xFFFFF086  }
0x1c: {  	p1 =	slt.u32 s9, $0xF7A;
	s5 =	simm.s32 @!p2 $0x0  }
0x1d: {  	s5 =	simm.s32 @p1 $0x1;
	p0 =	seq.s32 s7, s2  }
0x1e: {  	s7 =	smul.u32 @!p0 $0xF7A, s2;
	p2 =	seq.s32 @!p0 s5, $0x0  }
0x1f: {  	s9 =	smul.u32 $0xF7A, s1;
	s8 =	simm.s32 @!p0 $0x1BF5;
	p2 =	por !p2, p0  }
0x20: {  	[sflag:s8] =	ssyncset.s32 @!p0 $0xFFFFF086;
	s6 =	sadd.s32 @!p0 s3, s7;
	s7 =	simm.s32 @!p0 $0x108  }
0x21: {  	s3 =	sadd.s32 s3, s9;
	s6 =	sadd.s32 @!p0 $0x88, s6;
	s7 =	simm.s32 @p2 $0x1082  }
0x22: {  	[simem:s7], [sflag:s8] =	dma.local @!p0 [hbm:s6], $0xF7A  }
0x23: {  	s9 =	sor.u32 $0xD0000000, s2;
	s6 =	simm.s32 $0x108;
	_ =	swait.ge @!p0 [sflag:s8], $0x0  }
0x24: {  	s3 =	sadd.s32 $0x88, s3;
	s6 =	simm.s32 @!p1 $0x1082;
	[sflag:s4] =	ssyncset.s32 $0xFFFFF086  }
0x25: {  	[simem:s6], [sflag:s4] =	dma.local [hbm:s3], $0xF7A  }
0x26: {  	[smem:$0x3F92] =	sst s1;
	(tag) =	ssettag s2;
	_ =	strace s9  }
0x27: {  	s1 =	sld [smem:$0x3FA2]  }
0x28: {  	s2 =	sld [smem:$0x3FA3]  }
0x29: {  	s4 =	sld [smem:$0x3FA5]  }
0x2a: {  	p0 =	seq.s32 s5, $0x0;
	s5 =	sld [smem:$0x3FA6]  }
0x2b: {  	s6 =	sld [smem:$0x3FA7]  }
0x2c: {  	s7 =	sld [smem:$0x3FA8]  }
0x2d: {  	s3 =	simm.s32 $0x108;
	s8 =	sld [smem:$0x3FA9]  }
0x2e: {  	s3 =	simm.s32 @!p0 $0x1082;
	s9 =	sld [smem:$0x3FAA]  }
0x2f: {  	lr =	sadd.s32 s0, s3;
	s0 =	sld [smem:$0x3FA1]  }
0x30: {  	s3 =	sld [smem:$0x3FA4]  }
0x31: {  	[smem:$0x3FAD] =	sst s10  }
0x32: {  	s10 =	sld [smem:$0x3FAB];
	_ =	sdelay $0x3  }
0x33: {  	p0 =	seq.s32 s10, $0x1;
	s10 =	sld [smem:$0x3FAD];
	_ =	sdelay $0x3  }
0x34: {  	[smem:$0x3FAD] =	sst s10  }
0x35: {  	s10 =	sld [smem:$0x3FAC];
	_ =	sdelay $0x3  }
0x36: {  	p1 =	seq.s32 s10, $0x1;
	s10 =	sld [smem:$0x3FAD];
	_ =	sdelay $0x3  }
0x37: {  	[smem:$0x3FAD] =	sst s10  }
0x38: {  	s10 =	sld [smem:$0x3FAE]  }
0x39: {  	_ = 	snop;
	(pc) =	sbr.ind lr, $3  }
0x3a: {  	_ = 	snop  }
0x3b: {  	_ = 	snop  }
0x3c: {  	p2 =	seq.s32 s10, $0x1;
	s10 =	sld [smem:$0x3FAD]  }
0x3d: {  	_ =	shalt  }
0x3e: {  	_ =	shalt  }
0x3f: {  	_ =	shalt  }
0x40: {  	_ =	shalt  }
0x41: {  	_ =	shalt  }
0x42: {  	_ =	shalt  }
0x43: {  	_ =	shalt  }
0x44: {  	_ =	shalt  }
0x45: {  	_ =	shalt  }
0x46: {  	_ =	shalt  }
0x47: {  	_ =	shalt  }
0x48: {  	_ =	shalt  }
0x49: {  	_ =	shalt  }
0x4a: {  	_ =	shalt  }
0x4b: {  	_ =	shalt  }
0x4c: {  	_ =	shalt  }
0x4d: {  	_ =	shalt  }
0x4e: {  	_ =	shalt  }
0x4f: {  	_ =	shalt  }
0x50: {  	_ =	shalt  }
0x51: {  	_ =	shalt  }
0x52: {  	_ =	shalt  }
0x53: {  	_ =	shalt  }
0x54: {  	_ =	shalt  }
0x55: {  	_ =	shalt  }
0x56: {  	_ =	shalt  }
0x57: {  	_ =	shalt  }
0x58: {  	_ =	shalt  }
0x59: {  	_ =	shalt  }
0x5a: {  	_ =	shalt  }
0x5b: {  	_ =	shalt  }
0x5c: {  	_ =	shalt  }
0x5d: {  	_ =	shalt  }
0x5e: {  	_ =	shalt  }
0x5f: {  	_ =	shalt  }
0x60: {  	_ =	shalt  }
0x61: {  	_ =	shalt  }
0x62: {  	_ =	shalt  }
0x63: {  	_ =	shalt  }
0x64: {  	_ =	shalt  }
0x65: {  	_ =	shalt  }
0x66: {  	_ =	shalt  }
0x67: {  	_ =	shalt  }
0x68: {  	_ =	shalt  }
0x69: {  	_ =	shalt  }
0x6a: {  	_ =	shalt  }
0x6b: {  	_ =	shalt  }
0x6c: {  	_ =	shalt  }
0x6d: {  	_ =	shalt  }
0x6e: {  	_ =	shalt  }
0x6f: {  	_ =	shalt  }
0x70: {  	_ =	shalt  }
0x71: {  	_ =	shalt  }
0x72: {  	_ =	shalt  }
0x73: {  	_ =	shalt  }
0x74: {  	_ =	shalt  }
0x75: {  	_ =	shalt  }
0x76: {  	_ =	shalt  }
0x77: {  	_ =	shalt  }
0x78: {  	_ =	shalt  }
0x79: {  	_ =	shalt  }
0x7a: {  	_ =	shalt  }
0x7b: {  	_ =	shalt  }
0x7c: {  	_ =	shalt  }
0x7d: {  	_ =	shalt  }
0x7e: {  	_ =	shalt  }
0x7f: {  	_ =	shalt  }
0x80: {  	_ =	shalt  }
0x81: {  	_ =	shalt  }
0x82: {  	_ =	shalt  }
0x83: {  	_ =	shalt  }
0x84: {  	_ =	shalt  }
0x85: {  	_ =	shalt  }
0x86: {  	_ =	shalt  }
0x87: {  	_ =	shalt  }
.Lfunc_end0:
.L_simem_size_0:
called_computation.1_lowered:
.L_overlay_start_0:
0x88: {  	s2 =	sld [smem:$0x3FD9]  }
0x89: {  	s3 =	sld [smem:$0x3FFE];
	_ =	sdelay $0x1  }
0x8a: {  	s1 =	srdreg.scid  }
0x8b: {  	s0 =	sand.u32 $0x1, s1  }
0x8c: {  	s16 =	sshll.u32 s0, $0xA;
	s2 =	sadd.s32 s3, s2  }
0x8d: {  	s2 =	sadd.s32 s2, s16  }
0x8e: {  	[smem:$0x3FB9] =	sst s2  }
0x8f: {  	_ = 	snop  }
0x90: {  	(tm) =	ssettm $0x1  }
0x91: {  	s17 =	sld [smem:$0x3FFB];
	_ =	sdelay $0x3  }
0x92: {  	_ =	strace s17  }
0x93: {  	s2 =	sld [smem:$0x3FFC];
	_ =	sdelay $0x3  }
0x94: {  	_ =	strace s2  }
0x95: {  	s2 =	sld [smem:$0x3FFD];
	_ =	sdelay $0x3  }
0x96: {  	_ =	strace s2  }
0x97: {  	_ =	strace $0x8FFFFFFF  }
0x98: {  	s18 =	sld [smem:$0x3FDB];
	_ =	sdelay $0x1  }
0x99: {  	s19 =	simm.s32 $_scs_section_size  }
0x9a: {  	s4 =	simm.s32 $_size__tile_overlayer_lowered;
	s5 =	simm.s32 $_tile_overlayer_lowered  }
0x9b: {  	s22 =	simm.s32 $0x1BFF;
	s21 =	sshll.u32 s5, $0x1;
	s2 =	sadd.s32 s19, s18  }
0x9c: {  	s6 =	simm.s32 $0x0;
	s20 =	sshll.u32 s4, $0x1;
	s4 =	sadd.s32 s21, s2  }
0x9d: {  	[timem:s6], [sflag:s22] =	dma.local [hbm:s4], s20  }
0x9e: {  	_ =	swait.ge [sflag:s22], s20  }
0x9f: {  	s3 =	ssub.s32 $0x0, s20;
	[sflag:s22] =	ssyncset.done $0x0  }
0xa0: {  	[sflag:s22] =	ssyncadd.s32 s3;
	_ =	sdelay $0x1  }
0xa1: {  	s23 =	simm.s32 $0x1B8B  }
0xa2: {  	_ =	swait.ge [sflag:s23], $0x1  }
0xa3: {  	[sflag:s23] =	ssyncset.done $0x0  }
0xa4: {  	s25 =	simm.s32 $0x1B8E;
	s24 =	sld [smem:$0x3FFE];
	[sflag:s23] =	ssyncadd.s32 $0xFFFFFFFF  }
0xa5: {  	s26 =	simm.s32 $execute0_lowered;
	[smem:$0x3FD2] =	sst s25  }
0xa6: {  	s4 =	sshll.u32 s26, $0x1;
	_ =	strace $0x80000049;
	[dreg:$0x1] =	wrdreg $0xFFFFFFFF  }
0xa7: {  	s28 =	simm.s32 $_size_execute0_lowered;
	s2 =	sadd.s32 s2, s4;
	[dreg:$0x0] =	wrdreg $0x0  }
0xa8: {  	s4 =	sshll.u32 s28, $0x1;
	[dreg:$0x2] =	wrdreg s2  }
0xa9: {  	[dreg:$0x3] =	wrdreg s4  }
0xaa: {  	[dreg:$0x4] =	wrdreg $0xC0  }
0xab: {  	_ =	task [dreg:s6], $0x5FFFF  }
0xac: {  	[dreg:$0x1] =	wrdreg $0xFFFFFFFF  }
0xad: {  	[dreg:$0x0] =	wrdreg $0x60  }
0xae: {  	[dreg:$0x2] =	wrdreg s24  }
0xaf: {  	[dreg:$0x3] =	wrdreg $0xC4000  }
0xb0: {  	[dreg:$0x4] =	wrdreg $0x9  }
0xb1: {  	_ =	task.clear_ibuf [dreg:s6], $0x5FFFF;
	_ =	strace $0x90000049  }
0xb2: {  	s29 =	simm.s32 $0x9;
	_ =	strace $0x8000004B  }
0xb3: {  	_ =	swait.ge [sflag:s29], $0x1  }
0xb4: {  	[sflag:s29] =	ssyncadd.s32 $0xFFFFFFFF  }
0xb5: {  	_ =	strace $0x9000004B  }
0xb6: {  	_ =	sfence  }
0xb7: {  	s30 =	sld [smem:$0x0];
	_ =	sdelay $0x2  }
0xb8: {  	s31 =	sshll.u32 s1, $0xD;
	s1 =	sshrl.u32 s1, $0x2  }
0xb9: {  	s3 =	sand.u32 $0x4000, s31;
	s1 =	sadd.s32 s1, s30  }
0xba: {  	s0 =	sor.u32 s3, s0;
	s1 =	sshll.u32 s1, $0x11  }
0xbb: {  	s0 =	sor.u32 s1, s0  }
0xbc: {  	s0 =	sadd.s32 $0x8F2B, s0  }
0xbd: {  	[sflag:s0] =	ssyncadd.remote.s32 $0x1  }
0xbe: {  	_ =	sfence.sel $0xFFFF  }
0xbf: {  	[dreg:$0x0] =	wrdreg $0xFFFFFFFF;
	(pc) =	sbr.abs _section_cstart, $3  }
0xc0: {  	[dreg:$0x1] =	wrdreg $0xFFFFFFFF  }
0xc1: {  	_ =	task.clear_ibuf [dreg:s6], $0x2FFFF;
	_ =	strace $0x9FFFFFFF  }
0xc2: {  	(tm) =	ssettm $0x7FFFFFFF  }
0xc3: {  	_ =	shalt  }
tec
execute0_lowered:
.L_overlay_start_1:
0x0: {  	(tag) =	ssettag $0x1  }
0x1: {  	s0 =	srdreg.scid;
	s5 =	rddreg [dreg:$0x0]  }
0x2: {  	s26 =	stileid.u32;
	s2 =	rddreg [dreg:$0x1];
	s3 =	simm.s32 $0x0  }
0x3: {  	s24 =	simm.s32 $0x2800;
	s25 =	simm.s32 $0x7D;
	s28 =	simm.s32 $0x1  }
0x4: {  	s29 =	simm.s32 $0x0;
	s7 =	sand.u32 $0x1, s0;
	s8 =	smul.u32 $0x4E000, s26  }
0x5: {  	[smem:$0x7FF] =	sst s3;
	s10 =	smul.u32 $0x13800, s26;
	s19 =	sadd.s32 $0x3F600, s5  }
0x6: {  	s11 =	sadd.s32 $0x138000, s2;
	p0 =	sne.s32 s26, $0xF;
	s1 =	sshll.u32 s7, $0x4  }
0x7: {  	_ =	strace $0x8000004A;
	s30 =	ssub.s32 $0x2, s7;
	s18 =	smul.u32 $0x138800, s7  }
0x8: {  	s4 =	sor.u32 s26, s1;
	s31 =	sshrl.u32 s30, $0x1;
	s8 =	sshrl.u32 s8, $0x2  }
0x9: {  	s15 =	sadd.s32 $0x3400, s10;
	s16 =	sadd.s32 $0x6800, s10;
	s17 =	sadd.s32 $0x9C00, s10  }
0xa: {  	s20 =	sadd.s32 $0xD000, s10;
	s22 =	sadd.s32 $0x10400, s10;
	s26 =	simm.s32 $0x5000  }
0xb: {  	s6 =	smul.u32 $0x500, s4;
	s4 =	sadd.s32 $0x18400, s5;
	s21 =	ssub.s32 s30, s31  }
0xc: {  	s7 =	sadd.s32 s16, s2;
	s9 =	sadd.s32 s20, s2;
	s12 =	sadd.s32 s10, s18  }
0xd: {  	s10 =	sadd.s32 s22, s2;
	s16 =	sadd.s32 s18, s16;
	s20 =	sadd.s32 s18, s20  }
0xe: {  	s22 =	sadd.s32 s18, s22;
	s14 =	sshrl.u32 s12, $0x3;
	s16 =	sshrl.u32 s16, $0x3  }
0xf: {  	s20 =	sshrl.u32 s20, $0x3;
	s22 =	sshrl.u32 s22, $0x3;
	s21 =	smax.u32 s21, $0x1  }
0x10: {  	s13 =	sadd.s32 s6, s5;
	s5 =	sadd.s32 s8, s2;
	s6 =	sadd.s32 s15, s2  }
0x11: {  	s8 =	sadd.s32 s17, s2;
	s14 =	sadd.s32 s19, s14;
	s15 =	sadd.s32 s18, s15  }
0x12: {  	s17 =	sadd.s32 s18, s17;
	s16 =	sadd.s32 s19, s16;
	s18 =	sshrl.u32 s18, $0x3  }
0x13: {  	s12 =	sadd.s32 $0x4400, s13;
	s13 =	sadd.s32 $0xE400, s13;
	s15 =	sshrl.u32 s15, $0x3  }
0x14: {  	s17 =	sshrl.u32 s17, $0x3;
	s23 =	sadd.s32 s19, s18;
	s18 =	sadd.s32 s19, s20  }
0x15: {  	s15 =	sadd.s32 s19, s15;
	s17 =	sadd.s32 s19, s17;
	s19 =	sadd.s32 s19, s22  }
0x16: {  	v0 =	vimm.f32 $0.0e+00;
	s20 =	sadd.s32 $0x27000, s23;
	s22 =	simm.s32 $0x9000;
	s23 =	simm.s32 $0x2  }
.LBB2_1:
0x17: {  	s30 =	simm.s32 $0x0;
	s31 =	simm.s32 $0x200  }
.LBB2_2:
0x18: {  	p1 =	sne.s32 s31, $0xCE00;
	[tilespmem:s30+$0x9070] =	vst v0  }
0x19: {  	[tilespmem:s30+$0x9000] =	vst v0  }
0x1a: {  	[tilespmem:s30+$0x9010] =	vst v0  }
.Ltmp0:
0x1b: {  	[tilespmem:s30+$0x9020] =	vst v0;
	(pc) =	sbr.rel @p1 .LBB2_2-.Ltmp0, $4  }
0x1c: {  	[tilespmem:s30+$0x9030] =	vst v0  }
0x1d: {  	[tilespmem:s30+$0x9040] =	vst v0  }
0x1e: {  	[tilespmem:s30+$0x9050] =	vst v0  }
0x1f: {  	[tilespmem:s30+$0x9060] =	vst v0;
	s30 =	sshra.s32 s31, $0x2;
	s31 =	sadd.s32 $0x200, s31  }
0x20: {  	[tilespmem:s30+$0x9070] =	vst v0  }
0x21: {  	[tilespmem:s30+$0x9000] =	vst v0  }
0x22: {  	[tilespmem:s30+$0x9010] =	vst v0  }
0x23: {  	[tilespmem:s30+$0x9020] =	vst v0  }
0x24: {  	[tilespmem:s30+$0x9030] =	vst v0  }
0x25: {  	[tilespmem:s30+$0x9040] =	vst v0  }
0x26: {  	[tilespmem:s30+$0x9050] =	vst v0  }
0x27: {  	[tilespmem:s30+$0x9060] =	vst v0  }
0x28: {  	[spmem:s5] =	stream.linear.scatter [tilespmem:s22], [sflag:$0x2], $0x3400, $0x38;
	[tilespmem:$0x1FC80] =	vst v63  }
0x29: {  	_ =	swait.ge [sflag:s23], $0x3400  }
0x2a: {  	[sflag:s23] =	ssyncset.done $0x0  }
0x2b: {  	[sflag:s23] =	ssyncadd.s32 $0xFFFFCC00  }
0x2c: {  	[spmem:s6] =	stream.linear.scatter [tilespmem:s22], [sflag:$0x2], $0x3400, $0x38;
	[tilespmem:$0x1FC80] =	vst v63  }
0x2d: {  	_ =	swait.ge [sflag:s23], $0x3400  }
0x2e: {  	[sflag:s23] =	ssyncset.done $0x0  }
0x2f: {  	[sflag:s23] =	ssyncadd.s32 $0xFFFFCC00  }
0x30: {  	[spmem:s7] =	stream.linear.scatter [tilespmem:s22], [sflag:$0x2], $0x3400, $0x38;
	[tilespmem:$0x1FC80] =	vst v63  }
0x31: {  	_ =	swait.ge [sflag:s23], $0x3400  }
0x32: {  	[sflag:s23] =	ssyncset.done $0x0  }
0x33: {  	[sflag:s23] =	ssyncadd.s32 $0xFFFFCC00  }
0x34: {  	[spmem:s8] =	stream.linear.scatter [tilespmem:s22], [sflag:$0x2], $0x3400, $0x38;
	[tilespmem:$0x1FC80] =	vst v63  }
0x35: {  	_ =	swait.ge [sflag:s23], $0x3400  }
0x36: {  	[sflag:s23] =	ssyncset.done $0x0  }
0x37: {  	[sflag:s23] =	ssyncadd.s32 $0xFFFFCC00  }
0x38: {  	[spmem:s9] =	stream.linear.scatter [tilespmem:s22], [sflag:$0x2], $0x3400, $0x38;
	[tilespmem:$0x1FC80] =	vst v63  }
0x39: {  	_ =	swait.ge [sflag:s23], $0x3400  }
0x3a: {  	[sflag:s23] =	ssyncset.done $0x0  }
0x3b: {  	[sflag:s23] =	ssyncadd.s32 $0xFFFFCC00  }
0x3c: {  	[spmem:s10] =	stream.linear.scatter [tilespmem:s22], [sflag:$0x2], $0x3400, $0x38;
	[tilespmem:$0x1FC80] =	vst v63  }
0x3d: {  	_ =	swait.ge [sflag:s23], $0x3400  }
0x3e: {  	[sflag:s23] =	ssyncset.done $0x0  }
0x3f: {  	s30 =	simm.s32 @!p0 $0x9000;
	[sflag:s23] =	ssyncadd.s32 $0xFFFFCC00  }
0x40: {  	[spmem:s11] =	stream.linear.scatter @!p0 [tilespmem:s30], [sflag:$0x2], $0x800, $0x38;
	[tilespmem:$0x1FC80] =	vst v63  }
0x41: {  	s30 =	simm.s32 @!p0 $0x2  }
0x42: {  	_ =	swait.ge @!p0 [sflag:s30], $0x800  }
0x43: {  	[sflag:s30] =	ssyncset.done @!p0 $0x0  }
0x44: {  	[sflag:s30] =	ssyncadd.s32 @!p0 $0xFFFFF800  }
0x45: {  	s30 =	simm.s32 $0x0;
	[bflag:$0x0] =	sbarrier.arrive $0xFFFF  }
0x46: {  	[tilespmem:s30], [sflag:$0x2] =	stream.linear.gather [hbm4b:s12+s30], $0x2800, $0x38;
	[tilespmem:$0x1FC80] =	vst v63  }
0x47: {  	_ =	swait.ge [sflag:s23], $0x2800  }
0x48: {  	[sflag:s23] =	ssyncset.done $0x0  }
0x49: {  	[sflag:s23] =	ssyncadd.s32 $0xFFFFD800  }
0x4a: {  	[tilespmem:s24], [sflag:$0x2] =	stream.linear.gather [hbm4b:s13+s30], $0x2800, $0x38;
	[tilespmem:$0x1FC80] =	vst v63  }
0x4b: {  	_ =	swait.ge [sflag:s23], $0x2800  }
0x4c: {  	[sflag:s23] =	ssyncset.done $0x0  }
0x4d: {  	s30 =	simm.s32 $0x0;
	[sflag:s23] =	ssyncadd.s32 $0xFFFFD800  }
0x4e: {  	[tilespmem:s26], [sflag:$0x1] =	stream.indirect.gather [hbm4b:s4+s25], $0x80, s30, s25, $0xb8;
	[tilespmem:$0x1FC80] =	vst v63  }
0x4f: {  	_ =	swait.ge [sflag:s28], $0x3E80  }
0x50: {  	[sflag:s28] =	ssyncset.done $0x0  }
0x51: {  	s30 =	simm.s32 $0x2800;
	[sflag:s28] =	ssyncadd.s32 $0xFFFFC180  }
0x52: {  	[spmem:s2] =	stream.indirect.scatter.add.f32 [tilespmem:s26], [sflag:$0x2], $0x80, s30, s25, $0xb8;
	[tilespmem:$0x1FC80] =	vst v63  }
0x53: {  	_ =	swait.ge [sflag:s23], $0x3E80  }
0x54: {  	s31 =	simm.s32 $0x400;
	s30 =	simm.s32 $0x200;
	[sflag:s23] =	ssyncset.done $0x0  }
.LBB2_4:
0x55: {  	s1 =	sshra.s32 s30, $0x2  }
0x56: {  	[sflag:s23] =	ssyncadd.s32 $0xFFFFC180;
	s30 =	smov.u32 s31;
	s0 =	sadd.s32 $0x200, s31  }
0x57: {  	[tilespmem:s26], [sflag:$0x1] =	stream.indirect.gather [hbm4b:s4+s25], $0x80, s1, s25, $0xb8;
	[tilespmem:$0x1FC80] =	vst v63  }
0x58: {  	p1 =	sne.s32 s31, $0x9E00;
	_ =	swait.ge [sflag:s28], $0x3E80  }
.Ltmp1:
0x59: {  	[sflag:s28] =	ssyncset.done $0x0;
	(pc) =	sbr.rel @p1 .LBB2_4-.Ltmp1, $4  }
0x5a: {  	s1 =	sadd.s32 $0x2800, s1;
	[sflag:s28] =	ssyncadd.s32 $0xFFFFC180  }
0x5b: {  	[spmem:s2] =	stream.indirect.scatter.add.f32 [tilespmem:s26], [sflag:$0x2], $0x80, s1, s25, $0xb8;
	[tilespmem:$0x1FC80] =	vst v63  }
0x5c: {  	_ =	swait.ge [sflag:s23], $0x3E80  }
0x5d: {  	s31 =	smov.u32 s0;
	[sflag:s23] =	ssyncset.done $0x0  }
0x5e: {  	s0 =	sshra.s32 s30, $0x2;
	[sflag:s23] =	ssyncadd.s32 $0xFFFFC180  }
0x5f: {  	[tilespmem:s26], [sflag:$0x1] =	stream.indirect.gather [hbm4b:s4+s25], $0x80, s0, s25, $0xb8;
	[tilespmem:$0x1FC80] =	vst v63  }
0x60: {  	_ =	swait.ge [sflag:s28], $0x3E80  }
0x61: {  	[sflag:s28] =	ssyncset.done $0x0  }
0x62: {  	s0 =	sadd.s32 $0x2800, s0;
	[sflag:s28] =	ssyncadd.s32 $0xFFFFC180  }
0x63: {  	[spmem:s2] =	stream.indirect.scatter.add.f32 [tilespmem:s26], [sflag:$0x2], $0x80, s0, s25, $0xb8;
	[tilespmem:$0x1FC80] =	vst v63  }
0x64: {  	_ =	swait.ge [sflag:s23], $0x3E80  }
0x65: {  	[sflag:s23] =	ssyncset.done $0x0  }
0x66: {  	[sflag:s23] =	ssyncadd.s32 $0xFFFFC180  }
0x67: {  	[bflag:$0x0] =	sbarrier.arrive $0xFFFF  }
0x68: {  	[tilespmem:s22], [sflag:$0x2] =	stream.linear.gather [spmem:s5], $0x3400, $0x38;
	[tilespmem:$0x1FC80] =	vst v63  }
0x69: {  	_ =	swait.ge [sflag:s23], $0x3400  }
0x6a: {  	[sflag:s23] =	ssyncset.done $0x0  }
0x6b: {  	[sflag:s23] =	ssyncadd.s32 $0xFFFFCC00  }
0x6c: {  	[hbm4b:s14+s3] =	stream.linear.scatter [tilespmem:s22], [sflag:$0x2], $0x3400, $0x38;
	[tilespmem:$0x1FC80] =	vst v63  }
0x6d: {  	_ =	swait.ge [sflag:s23], $0x3400  }
0x6e: {  	[sflag:s23] =	ssyncset.done $0x0  }
0x6f: {  	[sflag:s23] =	ssyncadd.s32 $0xFFFFCC00  }
0x70: {  	[tilespmem:s22], [sflag:$0x2] =	stream.linear.gather [spmem:s6], $0x3400, $0x38;
	[tilespmem:$0x1FC80] =	vst v63  }
0x71: {  	_ =	swait.ge [sflag:s23], $0x3400  }
0x72: {  	[sflag:s23] =	ssyncset.done $0x0  }
0x73: {  	[sflag:s23] =	ssyncadd.s32 $0xFFFFCC00  }
0x74: {  	[hbm4b:s15+s3] =	stream.linear.scatter [tilespmem:s22], [sflag:$0x2], $0x3400, $0x38;
	[tilespmem:$0x1FC80] =	vst v63  }
0x75: {  	_ =	swait.ge [sflag:s23], $0x3400  }
0x76: {  	[sflag:s23] =	ssyncset.done $0x0  }
0x77: {  	[sflag:s23] =	ssyncadd.s32 $0xFFFFCC00  }
0x78: {  	[tilespmem:s22], [sflag:$0x2] =	stream.linear.gather [spmem:s7], $0x3400, $0x38;
	[tilespmem:$0x1FC80] =	vst v63  }
0x79: {  	_ =	swait.ge [sflag:s23], $0x3400  }
0x7a: {  	[sflag:s23] =	ssyncset.done $0x0  }
0x7b: {  	[sflag:s23] =	ssyncadd.s32 $0xFFFFCC00  }
0x7c: {  	[hbm4b:s16+s3] =	stream.linear.scatter [tilespmem:s22], [sflag:$0x2], $0x3400, $0x38;
	[tilespmem:$0x1FC80] =	vst v63  }
0x7d: {  	_ =	swait.ge [sflag:s23], $0x3400  }
0x7e: {  	[sflag:s23] =	ssyncset.done $0x0  }
0x7f: {  	[sflag:s23] =	ssyncadd.s32 $0xFFFFCC00  }
0x80: {  	[tilespmem:s22], [sflag:$0x2] =	stream.linear.gather [spmem:s8], $0x3400, $0x38;
	[tilespmem:$0x1FC80] =	vst v63  }
0x81: {  	_ =	swait.ge [sflag:s23], $0x3400  }
0x82: {  	[sflag:s23] =	ssyncset.done $0x0  }
0x83: {  	[sflag:s23] =	ssyncadd.s32 $0xFFFFCC00  }
0x84: {  	[hbm4b:s17+s3] =	stream.linear.scatter [tilespmem:s22], [sflag:$0x2], $0x3400, $0x38;
	[tilespmem:$0x1FC80] =	vst v63  }
0x85: {  	_ =	swait.ge [sflag:s23], $0x3400  }
0x86: {  	[sflag:s23] =	ssyncset.done $0x0  }
0x87: {  	[sflag:s23] =	ssyncadd.s32 $0xFFFFCC00  }
0x88: {  	[tilespmem:s22], [sflag:$0x2] =	stream.linear.gather [spmem:s9], $0x3400, $0x38;
	[tilespmem:$0x1FC80] =	vst v63  }
0x89: {  	_ =	swait.ge [sflag:s23], $0x3400  }
0x8a: {  	[sflag:s23] =	ssyncset.done $0x0  }
0x8b: {  	[sflag:s23] =	ssyncadd.s32 $0xFFFFCC00  }
0x8c: {  	[hbm4b:s18+s3] =	stream.linear.scatter [tilespmem:s22], [sflag:$0x2], $0x3400, $0x38;
	[tilespmem:$0x1FC80] =	vst v63  }
0x8d: {  	_ =	swait.ge [sflag:s23], $0x3400  }
0x8e: {  	[sflag:s23] =	ssyncset.done $0x0  }
0x8f: {  	[sflag:s23] =	ssyncadd.s32 $0xFFFFCC00  }
0x90: {  	[tilespmem:s22], [sflag:$0x2] =	stream.linear.gather [spmem:s10], $0x3400, $0x38;
	[tilespmem:$0x1FC80] =	vst v63  }
0x91: {  	_ =	swait.ge [sflag:s23], $0x3400  }
0x92: {  	[sflag:s23] =	ssyncset.done $0x0  }
0x93: {  	[sflag:s23] =	ssyncadd.s32 $0xFFFFCC00  }
0x94: {  	[hbm4b:s19+s3] =	stream.linear.scatter [tilespmem:s22], [sflag:$0x2], $0x3400, $0x38;
	[tilespmem:$0x1FC80] =	vst v63  }
0x95: {  	_ =	swait.ge [sflag:s23], $0x3400  }
0x96: {  	[sflag:s23] =	ssyncset.done $0x0  }
0x97: {  	s1 =	simm.s32 @!p0 $0x2;
	s0 =	simm.s32 @!p0 $0x9000;
	[sflag:s23] =	ssyncadd.s32 $0xFFFFCC00  }
0x98: {  	[tilespmem:s0], [sflag:$0x2] =	stream.linear.gather @!p0 [spmem:s11], $0x800, $0x38;
	[tilespmem:$0x1FC80] =	vst v63  }
0x99: {  	s29 =	sadd.s32 $0x1, s29;
	_ =	swait.ge @!p0 [sflag:s1], $0x800  }
0x9a: {  	p1 =	sne.s32 s29, s21;
	[sflag:s1] =	ssyncset.done @!p0 $0x0  }
.Ltmp2:
0x9b: {  	s30 =	simm.s32 @!p0 $0x0;
	[sflag:s1] =	ssyncadd.s32 @!p0 $0xFFFFF800;
	(pc) =	sbr.rel @p1 .LBB2_1-.Ltmp2, $4  }
0x9c: {  	[hbm4b:s20+s30] =	stream.linear.scatter @!p0 [tilespmem:s0], [sflag:$0x2], $0x800, $0x38;
	[tilespmem:$0x1FC80] =	vst v63  }
0x9d: {  	_ =	swait.ge @!p0 [sflag:s1], $0x800  }
0x9e: {  	[sflag:s1] =	ssyncset.done @!p0 $0x0  }
0x9f: {  	[sflag:s1] =	ssyncadd.s32 @!p0 $0xFFFFF800  }
0xa0: {  	_ =	sfence.sel $0x180000  }
0xa1: {  	[bflag:$0x0] =	sbarrier.arrive $0xFFFF  }
0xa2: {  	_ =	strace $0x9000004A  }
0xa3: {  	s0 =	stileid.u32;
	[bflag:$0x2] =	sbarrier.arrive $0xFFFF  }
0xa4: {  	p0 =	sne.s32 s0, $0x0;
	s0 =	rddreg [dreg:$0x2]  }
0xa5: {  	s0 =	sadd.s32 @!p0 $0x100000, s0  }
0xa6: {  	[sflag:s0] =	ssyncadd.tile.s32 @!p0 $0x1;
	_ =	shalt  }
.Lfunc_end2:
_tile_overlayer_lowered:
.L_overlay_start_2:
0xa7: {  	(tag) =	ssettag $0x2  }
0xa8: {  	s0 =	rddreg [dreg:$0x0];
	s2 =	stileid.u32  }
0xa9: {  	s1 =	rddreg [dreg:$0x1];
	p0 =	sne.s32 s2, $0x0  }
0xaa: {  	s3 =	rddreg [dreg:$0x2];
	[bflag:$0x3] =	sbarrier.arrive $0xFFFF;
	s2 =	simm.s32 @!p0 $0x1C02  }
0xab: {  	[timem:s3], [sflag:s2] =	dma.local @!p0 [hbm:s0], s1  }
0xac: {  	s0 =	simm.s32 @!p0 $0x2  }
0xad: {  	_ =	swait.ge @!p0 [sflag:s0], s1  }
0xae: {  	s1 =	ssub.s32 @!p0 $0x0, s1;
	[sflag:s0] =	ssyncset.done @!p0 $0x0  }
0xaf: {  	[sflag:s0] =	ssyncadd.s32 @!p0 s1  }
0xb0: {  	[bflag:$0x3] =	sbarrier.arrive $0xFFFF  }
0xb1: {  	_ =	shalt  }

// kernel: kernel.16.cloned.1.call-start
scs
__scs_entry_jumppad:
0x0: {  	(pc) =	sbr.rel $0x88, $3  }
0x1: {  	(tag) =	ssettag $0x0;
	lr =	simm.s32 $0x1  }
0x2: {  	[smem:$0x3F92] =	sst lr;
	_ =	strace $0xD0000000  }
0x3: {  	_ = 	snop  }
0x4: {  	_ = 	snop  }
0x5: {  	_ = 	snop  }
0x6: {  	_ = 	snop  }
0x7: {  	_ = 	snop  }
__scs_overlays_trampoline_lowered:
0x8: {  	[smem:$0x3FA1] =	sst s0  }
0x9: {  	[smem:$0x3FA2] =	sst s1  }
0xa: {  	[smem:$0x3FA3] =	sst s2  }
0xb: {  	[smem:$0x3FA4] =	sst s3  }
0xc: {  	[smem:$0x3FA5] =	sst s4  }
0xd: {  	[smem:$0x3FA6] =	sst s5  }
0xe: {  	[smem:$0x3FA7] =	sst s6  }
0xf: {  	[smem:$0x3FA8] =	sst s7  }
0x10: {  	[smem:$0x3FA9] =	sst s8  }
0x11: {  	[smem:$0x3FAA] =	sst s9;
	s0 =	simm.s32 @!p0 $0x0  }
0x12: {  	s1 =	sld [smem:$0x3F90];
	s0 =	simm.s32 @p0 $0x1  }
0x13: {  	[smem:$0x3FAB] =	sst s0;
	s0 =	simm.s32 @!p1 $0x0  }
0x14: {  	s2 =	sld [smem:$0x3F8F];
	s0 =	simm.s32 @p1 $0x1  }
0x15: {  	[smem:$0x3FAC] =	sst s0;
	s0 =	simm.s32 @!p2 $0x0  }
0x16: {  	s3 =	sld [smem:$0x3FDB];
	s0 =	simm.s32 @p2 $0x1  }
0x17: {  	s4 =	simm.s32 $0x1BF5;
	[smem:$0x3FAE] =	sst s0  }
0x18: {  	s0 =	sld [smem:$0x3F91];
	_ =	swait.ge [sflag:s4], $0x0  }
0x19: {  	s7 =	sld [smem:$0x3F92]  }
0x1a: {  	s8 =	sadd.s32 $0xFFFFE003, lr  }
0x1b: {  	s9 =	sadd.s32 $0xFFFFFEF7, lr;
	s5 =	simm.s32 $0xFFFFFFFF;
	p2 =	slt.u32 s8, $0xFFFFF086  }
0x1c: {  	p1 =	slt.u32 s9, $0xF7A;
	s5 =	simm.s32 @!p2 $0x0  }
0x1d: {  	s5 =	simm.s32 @p1 $0x1;
	p0 =	seq.s32 s7, s2  }
0x1e: {  	s7 =	smul.u32 @!p0 $0xF7A, s2;
	p2 =	seq.s32 @!p0 s5, $0x0  }
0x1f: {  	s9 =	smul.u32 $0xF7A, s1;
	s8 =	simm.s32 @!p0 $0x1BF5;
	p2 =	por !p2, p0  }
0x20: {  	[sflag:s8] =	ssyncset.s32 @!p0 $0xFFFFF086;
	s6 =	sadd.s32 @!p0 s3, s7;
	s7 =	simm.s32 @!p0 $0x108  }
0x21: {  	s3 =	sadd.s32 s3, s9;
	s6 =	sadd.s32 @!p0 $0x88, s6;
	s7 =	simm.s32 @p2 $0x1082  }
0x22: {  	[simem:s7], [sflag:s8] =	dma.local @!p0 [hbm:s6], $0xF7A  }
0x23: {  	s9 =	sor.u32 $0xD0000000, s2;
	s6 =	simm.s32 $0x108;
	_ =	swait.ge @!p0 [sflag:s8], $0x0  }
0x24: {  	s3 =	sadd.s32 $0x88, s3;
	s6 =	simm.s32 @!p1 $0x1082;
	[sflag:s4] =	ssyncset.s32 $0xFFFFF086  }
0x25: {  	[simem:s6], [sflag:s4] =	dma.local [hbm:s3], $0xF7A  }
0x26: {  	[smem:$0x3F92] =	sst s1;
	(tag) =	ssettag s2;
	_ =	strace s9  }
0x27: {  	s1 =	sld [smem:$0x3FA2]  }
0x28: {  	s2 =	sld [smem:$0x3FA3]  }
0x29: {  	s4 =	sld [smem:$0x3FA5]  }
0x2a: {  	p0 =	seq.s32 s5, $0x0;
	s5 =	sld [smem:$0x3FA6]  }
0x2b: {  	s6 =	sld [smem:$0x3FA7]  }
0x2c: {  	s7 =	sld [smem:$0x3FA8]  }
0x2d: {  	s3 =	simm.s32 $0x108;
	s8 =	sld [smem:$0x3FA9]  }
0x2e: {  	s3 =	simm.s32 @!p0 $0x1082;
	s9 =	sld [smem:$0x3FAA]  }
0x2f: {  	lr =	sadd.s32 s0, s3;
	s0 =	sld [smem:$0x3FA1]  }
0x30: {  	s3 =	sld [smem:$0x3FA4]  }
0x31: {  	[smem:$0x3FAD] =	sst s10  }
0x32: {  	s10 =	sld [smem:$0x3FAB];
	_ =	sdelay $0x3  }
0x33: {  	p0 =	seq.s32 s10, $0x1;
	s10 =	sld [smem:$0x3FAD];
	_ =	sdelay $0x3  }
0x34: {  	[smem:$0x3FAD] =	sst s10  }
0x35: {  	s10 =	sld [smem:$0x3FAC];
	_ =	sdelay $0x3  }
0x36: {  	p1 =	seq.s32 s10, $0x1;
	s10 =	sld [smem:$0x3FAD];
	_ =	sdelay $0x3  }
0x37: {  	[smem:$0x3FAD] =	sst s10  }
0x38: {  	s10 =	sld [smem:$0x3FAE]  }
0x39: {  	_ = 	snop;
	(pc) =	sbr.ind lr, $3  }
0x3a: {  	_ = 	snop  }
0x3b: {  	_ = 	snop  }
0x3c: {  	p2 =	seq.s32 s10, $0x1;
	s10 =	sld [smem:$0x3FAD]  }
0x3d: {  	_ =	shalt  }
0x3e: {  	_ =	shalt  }
0x3f: {  	_ =	shalt  }
0x40: {  	_ =	shalt  }
0x41: {  	_ =	shalt  }
0x42: {  	_ =	shalt  }
0x43: {  	_ =	shalt  }
0x44: {  	_ =	shalt  }
0x45: {  	_ =	shalt  }
0x46: {  	_ =	shalt  }
0x47: {  	_ =	shalt  }
0x48: {  	_ =	shalt  }
0x49: {  	_ =	shalt  }
0x4a: {  	_ =	shalt  }
0x4b: {  	_ =	shalt  }
0x4c: {  	_ =	shalt  }
0x4d: {  	_ =	shalt  }
0x4e: {  	_ =	shalt  }
0x4f: {  	_ =	shalt  }
0x50: {  	_ =	shalt  }
0x51: {  	_ =	shalt  }
0x52: {  	_ =	shalt  }
0x53: {  	_ =	shalt  }
0x54: {  	_ =	shalt  }
0x55: {  	_ =	shalt  }
0x56: {  	_ =	shalt  }
0x57: {  	_ =	shalt  }
0x58: {  	_ =	shalt  }
0x59: {  	_ =	shalt  }
0x5a: {  	_ =	shalt  }
0x5b: {  	_ =	shalt  }
0x5c: {  	_ =	shalt  }
0x5d: {  	_ =	shalt  }
0x5e: {  	_ =	shalt  }
0x5f: {  	_ =	shalt  }
0x60: {  	_ =	shalt  }
0x61: {  	_ =	shalt  }
0x62: {  	_ =	shalt  }
0x63: {  	_ =	shalt  }
0x64: {  	_ =	shalt  }
0x65: {  	_ =	shalt  }
0x66: {  	_ =	shalt  }
0x67: {  	_ =	shalt  }
0x68: {  	_ =	shalt  }
0x69: {  	_ =	shalt  }
0x6a: {  	_ =	shalt  }
0x6b: {  	_ =	shalt  }
0x6c: {  	_ =	shalt  }
0x6d: {  	_ =	shalt  }
0x6e: {  	_ =	shalt  }
0x6f: {  	_ =	shalt  }
0x70: {  	_ =	shalt  }
0x71: {  	_ =	shalt  }
0x72: {  	_ =	shalt  }
0x73: {  	_ =	shalt  }
0x74: {  	_ =	shalt  }
0x75: {  	_ =	shalt  }
0x76: {  	_ =	shalt  }
0x77: {  	_ =	shalt  }
0x78: {  	_ =	shalt  }
0x79: {  	_ =	shalt  }
0x7a: {  	_ =	shalt  }
0x7b: {  	_ =	shalt  }
0x7c: {  	_ =	shalt  }
0x7d: {  	_ =	shalt  }
0x7e: {  	_ =	shalt  }
0x7f: {  	_ =	shalt  }
0x80: {  	_ =	shalt  }
0x81: {  	_ =	shalt  }
0x82: {  	_ =	shalt  }
0x83: {  	_ =	shalt  }
0x84: {  	_ =	shalt  }
0x85: {  	_ =	shalt  }
0x86: {  	_ =	shalt  }
0x87: {  	_ =	shalt  }
.Lfunc_end0:
.L_simem_size_0:
called_computation.2_lowered:
.L_overlay_start_0:
0x88: {  	s2 =	sld [smem:$0x3FD9]  }
0x89: {  	s3 =	sld [smem:$0x3FFE];
	_ =	sdelay $0x1  }
0x8a: {  	s1 =	srdreg.scid  }
0x8b: {  	s0 =	sand.u32 $0x1, s1  }
0x8c: {  	s16 =	sshll.u32 s0, $0xA;
	s2 =	sadd.s32 s3, s2  }
0x8d: {  	s2 =	sadd.s32 s2, s16  }
0x8e: {  	[smem:$0x3FB9] =	sst s2  }
0x8f: {  	_ = 	snop  }
0x90: {  	(tm) =	ssettm $0x1  }
0x91: {  	s17 =	sld [smem:$0x3FFB];
	_ =	sdelay $0x3  }
0x92: {  	_ =	strace s17  }
0x93: {  	s2 =	sld [smem:$0x3FFC];
	_ =	sdelay $0x3  }
0x94: {  	_ =	strace s2  }
0x95: {  	s2 =	sld [smem:$0x3FFD];
	_ =	sdelay $0x3  }
0x96: {  	_ =	strace s2  }
0x97: {  	_ =	strace $0x8FFFFFFF  }
0x98: {  	s18 =	sld [smem:$0x3FDB];
	_ =	sdelay $0x1  }
0x99: {  	s19 =	simm.s32 $_scs_section_size  }
0x9a: {  	s4 =	simm.s32 $_size__tile_overlayer_lowered;
	s5 =	simm.s32 $_tile_overlayer_lowered  }
0x9b: {  	s22 =	simm.s32 $0x1BFF;
	s21 =	sshll.u32 s5, $0x1;
	s2 =	sadd.s32 s19, s18  }
0x9c: {  	s6 =	simm.s32 $0x0;
	s20 =	sshll.u32 s4, $0x1;
	s4 =	sadd.s32 s21, s2  }
0x9d: {  	[timem:s6], [sflag:s22] =	dma.local [hbm:s4], s20  }
0x9e: {  	_ =	swait.ge [sflag:s22], s20  }
0x9f: {  	s3 =	ssub.s32 $0x0, s20;
	[sflag:s22] =	ssyncset.done $0x0  }
0xa0: {  	[sflag:s22] =	ssyncadd.s32 s3;
	_ =	sdelay $0x1  }
0xa1: {  	s23 =	simm.s32 $0x1B8B  }
0xa2: {  	_ =	swait.ge [sflag:s23], $0x1  }
0xa3: {  	[sflag:s23] =	ssyncset.done $0x0  }
0xa4: {  	s25 =	simm.s32 $0x1B8E;
	s24 =	sld [smem:$0x3FFE];
	[sflag:s23] =	ssyncadd.s32 $0xFFFFFFFF  }
0xa5: {  	s26 =	simm.s32 $execute0_lowered;
	[smem:$0x3FD2] =	sst s25  }
0xa6: {  	s4 =	sshll.u32 s26, $0x1;
	_ =	strace $0x8000004C;
	[dreg:$0x1] =	wrdreg $0xFFFFFFFF  }
0xa7: {  	s28 =	simm.s32 $_size_execute0_lowered;
	s2 =	sadd.s32 s2, s4;
	[dreg:$0x0] =	wrdreg $0x0  }
0xa8: {  	s4 =	sshll.u32 s28, $0x1;
	[dreg:$0x2] =	wrdreg s2  }
0xa9: {  	[dreg:$0x3] =	wrdreg s4  }
0xaa: {  	[dreg:$0x4] =	wrdreg $0xC0  }
0xab: {  	_ =	task [dreg:s6], $0x5FFFF  }
0xac: {  	[dreg:$0x1] =	wrdreg $0xFFFFFFFF  }
0xad: {  	[dreg:$0x0] =	wrdreg $0x60  }
0xae: {  	[dreg:$0x2] =	wrdreg s24  }
0xaf: {  	[dreg:$0x3] =	wrdreg $0xC4000  }
0xb0: {  	[dreg:$0x4] =	wrdreg $0x9  }
0xb1: {  	_ =	task.clear_ibuf [dreg:s6], $0x5FFFF;
	_ =	strace $0x9000004C  }
0xb2: {  	s29 =	simm.s32 $0x9;
	_ =	strace $0x8000004E  }
0xb3: {  	_ =	swait.ge [sflag:s29], $0x1  }
0xb4: {  	[sflag:s29] =	ssyncadd.s32 $0xFFFFFFFF  }
0xb5: {  	_ =	strace $0x9000004E  }
0xb6: {  	_ =	sfence  }
0xb7: {  	s30 =	sld [smem:$0x0];
	_ =	sdelay $0x2  }
0xb8: {  	s31 =	sshll.u32 s1, $0xD;
	s1 =	sshrl.u32 s1, $0x2  }
0xb9: {  	s3 =	sand.u32 $0x4000, s31;
	s1 =	sadd.s32 s1, s30  }
0xba: {  	s0 =	sor.u32 s3, s0;
	s1 =	sshll.u32 s1, $0x11  }
0xbb: {  	s0 =	sor.u32 s1, s0  }
0xbc: {  	s0 =	sadd.s32 $0x8F2B, s0  }
0xbd: {  	[sflag:s0] =	ssyncadd.remote.s32 $0x1  }
0xbe: {  	_ =	sfence.sel $0xFFFF  }
0xbf: {  	[dreg:$0x0] =	wrdreg $0xFFFFFFFF;
	(pc) =	sbr.abs _section_cstart, $3  }
0xc0: {  	[dreg:$0x1] =	wrdreg $0xFFFFFFFF  }
0xc1: {  	_ =	task.clear_ibuf [dreg:s6], $0x2FFFF;
	_ =	strace $0x9FFFFFFF  }
0xc2: {  	(tm) =	ssettm $0x7FFFFFFF  }
0xc3: {  	_ =	shalt  }
tec
execute0_lowered:
.L_overlay_start_1:
0x0: {  	(tag) =	ssettag $0x1  }
0x1: {  	s0 =	srdreg.scid;
	s5 =	rddreg [dreg:$0x0]  }
0x2: {  	s26 =	stileid.u32;
	s2 =	rddreg [dreg:$0x1];
	s3 =	simm.s32 $0x0  }
0x3: {  	s24 =	simm.s32 $0x2800;
	s25 =	simm.s32 $0x7D;
	s28 =	simm.s32 $0x1  }
0x4: {  	s29 =	simm.s32 $0x0;
	s7 =	sand.u32 $0x1, s0;
	s8 =	smul.u32 $0x4E000, s26  }
0x5: {  	[smem:$0x7FF] =	sst s3;
	s10 =	smul.u32 $0x13800, s26;
	s19 =	sadd.s32 $0x3F600, s5  }
0x6: {  	s11 =	sadd.s32 $0x138000, s2;
	p0 =	sne.s32 s26, $0xF;
	s1 =	sshll.u32 s7, $0x4  }
0x7: {  	_ =	strace $0x8000004D;
	s30 =	ssub.s32 $0x2, s7;
	s18 =	smul.u32 $0x138800, s7  }
0x8: {  	s4 =	sor.u32 s26, s1;
	s31 =	sshrl.u32 s30, $0x1;
	s8 =	sshrl.u32 s8, $0x2  }
0x9: {  	s15 =	sadd.s32 $0x3400, s10;
	s16 =	sadd.s32 $0x6800, s10;
	s17 =	sadd.s32 $0x9C00, s10  }
0xa: {  	s20 =	sadd.s32 $0xD000, s10;
	s22 =	sadd.s32 $0x10400, s10;
	s26 =	simm.s32 $0x5000  }
0xb: {  	s6 =	smul.u32 $0x500, s4;
	s4 =	sadd.s32 $0x18400, s5;
	s21 =	ssub.s32 s30, s31  }
0xc: {  	s7 =	sadd.s32 s16, s2;
	s9 =	sadd.s32 s20, s2;
	s12 =	sadd.s32 s10, s18  }
0xd: {  	s10 =	sadd.s32 s22, s2;
	s16 =	sadd.s32 s18, s16;
	s20 =	sadd.s32 s18, s20  }
0xe: {  	s22 =	sadd.s32 s18, s22;
	s14 =	sshrl.u32 s12, $0x3;
	s16 =	sshrl.u32 s16, $0x3  }
0xf: {  	s20 =	sshrl.u32 s20, $0x3;
	s22 =	sshrl.u32 s22, $0x3;
	s21 =	smax.u32 s21, $0x1  }
0x10: {  	s13 =	sadd.s32 s6, s5;
	s5 =	sadd.s32 s8, s2;
	s6 =	sadd.s32 s15, s2  }
0x11: {  	s8 =	sadd.s32 s17, s2;
	s14 =	sadd.s32 s19, s14;
	s15 =	sadd.s32 s18, s15  }
0x12: {  	s17 =	sadd.s32 s18, s17;
	s16 =	sadd.s32 s19, s16;
	s18 =	sshrl.u32 s18, $0x3  }
0x13: {  	s12 =	sadd.s32 $0x4400, s13;
	s13 =	sadd.s32 $0xE400, s13;
	s15 =	sshrl.u32 s15, $0x3  }
0x14: {  	s17 =	sshrl.u32 s17, $0x3;
	s23 =	sadd.s32 s19, s18;
	s18 =	sadd.s32 s19, s20  }
0x15: {  	s15 =	sadd.s32 s19, s15;
	s17 =	sadd.s32 s19, s17;
	s19 =	sadd.s32 s19, s22  }
0x16: {  	v0 =	vimm.f32 $0.0e+00;
	s20 =	sadd.s32 $0x27000, s23;
	s22 =	simm.s32 $0x9000;
	s23 =	simm.s32 $0x2  }
.LBB2_1:
0x17: {  	s30 =	simm.s32 $0x0;
	s31 =	simm.s32 $0x200  }
.LBB2_2:
0x18: {  	p1 =	sne.s32 s31, $0xCE00;
	[tilespmem:s30+$0x9070] =	vst v0  }
0x19: {  	[tilespmem:s30+$0x9000] =	vst v0  }
0x1a: {  	[tilespmem:s30+$0x9010] =	vst v0  }
.Ltmp0:
0x1b: {  	[tilespmem:s30+$0x9020] =	vst v0;
	(pc) =	sbr.rel @p1 .LBB2_2-.Ltmp0, $4  }
0x1c: {  	[tilespmem:s30+$0x9030] =	vst v0  }
0x1d: {  	[tilespmem:s30+$0x9040] =	vst v0  }
0x1e: {  	[tilespmem:s30+$0x9050] =	vst v0  }
0x1f: {  	[tilespmem:s30+$0x9060] =	vst v0;
	s30 =	sshra.s32 s31, $0x2;
	s31 =	sadd.s32 $0x200, s31  }
0x20: {  	[tilespmem:s30+$0x9070] =	vst v0  }
0x21: {  	[tilespmem:s30+$0x9000] =	vst v0  }
0x22: {  	[tilespmem:s30+$0x9010] =	vst v0  }
0x23: {  	[tilespmem:s30+$0x9020] =	vst v0  }
0x24: {  	[tilespmem:s30+$0x9030] =	vst v0  }
0x25: {  	[tilespmem:s30+$0x9040] =	vst v0  }
0x26: {  	[tilespmem:s30+$0x9050] =	vst v0  }
0x27: {  	[tilespmem:s30+$0x9060] =	vst v0  }
0x28: {  	[spmem:s5] =	stream.linear.scatter [tilespmem:s22], [sflag:$0x2], $0x3400, $0x38;
	[tilespmem:$0x1FC80] =	vst v63  }
0x29: {  	_ =	swait.ge [sflag:s23], $0x3400  }
0x2a: {  	[sflag:s23] =	ssyncset.done $0x0  }
0x2b: {  	[sflag:s23] =	ssyncadd.s32 $0xFFFFCC00  }
0x2c: {  	[spmem:s6] =	stream.linear.scatter [tilespmem:s22], [sflag:$0x2], $0x3400, $0x38;
	[tilespmem:$0x1FC80] =	vst v63  }
0x2d: {  	_ =	swait.ge [sflag:s23], $0x3400  }
0x2e: {  	[sflag:s23] =	ssyncset.done $0x0  }
0x2f: {  	[sflag:s23] =	ssyncadd.s32 $0xFFFFCC00  }
0x30: {  	[spmem:s7] =	stream.linear.scatter [tilespmem:s22], [sflag:$0x2], $0x3400, $0x38;
	[tilespmem:$0x1FC80] =	vst v63  }
0x31: {  	_ =	swait.ge [sflag:s23], $0x3400  }
0x32: {  	[sflag:s23] =	ssyncset.done $0x0  }
0x33: {  	[sflag:s23] =	ssyncadd.s32 $0xFFFFCC00  }
0x34: {  	[spmem:s8] =	stream.linear.scatter [tilespmem:s22], [sflag:$0x2], $0x3400, $0x38;
	[tilespmem:$0x1FC80] =	vst v63  }
0x35: {  	_ =	swait.ge [sflag:s23], $0x3400  }
0x36: {  	[sflag:s23] =	ssyncset.done $0x0  }
0x37: {  	[sflag:s23] =	ssyncadd.s32 $0xFFFFCC00  }
0x38: {  	[spmem:s9] =	stream.linear.scatter [tilespmem:s22], [sflag:$0x2], $0x3400, $0x38;
	[tilespmem:$0x1FC80] =	vst v63  }
0x39: {  	_ =	swait.ge [sflag:s23], $0x3400  }
0x3a: {  	[sflag:s23] =	ssyncset.done $0x0  }
0x3b: {  	[sflag:s23] =	ssyncadd.s32 $0xFFFFCC00  }
0x3c: {  	[spmem:s10] =	stream.linear.scatter [tilespmem:s22], [sflag:$0x2], $0x3400, $0x38;
	[tilespmem:$0x1FC80] =	vst v63  }
0x3d: {  	_ =	swait.ge [sflag:s23], $0x3400  }
0x3e: {  	[sflag:s23] =	ssyncset.done $0x0  }
0x3f: {  	s30 =	simm.s32 @!p0 $0x9000;
	[sflag:s23] =	ssyncadd.s32 $0xFFFFCC00  }
0x40: {  	[spmem:s11] =	stream.linear.scatter @!p0 [tilespmem:s30], [sflag:$0x2], $0x800, $0x38;
	[tilespmem:$0x1FC80] =	vst v63  }
0x41: {  	s30 =	simm.s32 @!p0 $0x2  }
0x42: {  	_ =	swait.ge @!p0 [sflag:s30], $0x800  }
0x43: {  	[sflag:s30] =	ssyncset.done @!p0 $0x0  }
0x44: {  	[sflag:s30] =	ssyncadd.s32 @!p0 $0xFFFFF800  }
0x45: {  	s30 =	simm.s32 $0x0;
	[bflag:$0x0] =	sbarrier.arrive $0xFFFF  }
0x46: {  	[tilespmem:s30], [sflag:$0x2] =	stream.linear.gather [hbm4b:s12+s30], $0x2800, $0x38;
	[tilespmem:$0x1FC80] =	vst v63  }
0x47: {  	_ =	swait.ge [sflag:s23], $0x2800  }
0x48: {  	[sflag:s23] =	ssyncset.done $0x0  }
0x49: {  	[sflag:s23] =	ssyncadd.s32 $0xFFFFD800  }
0x4a: {  	[tilespmem:s24], [sflag:$0x2] =	stream.linear.gather [hbm4b:s13+s30], $0x2800, $0x38;
	[tilespmem:$0x1FC80] =	vst v63  }
0x4b: {  	_ =	swait.ge [sflag:s23], $0x2800  }
0x4c: {  	[sflag:s23] =	ssyncset.done $0x0  }
0x4d: {  	s30 =	simm.s32 $0x0;
	[sflag:s23] =	ssyncadd.s32 $0xFFFFD800  }
0x4e: {  	[tilespmem:s26], [sflag:$0x1] =	stream.indirect.gather [hbm4b:s4+s25], $0x80, s30, s25, $0xb8;
	[tilespmem:$0x1FC80] =	vst v63  }
0x4f: {  	_ =	swait.ge [sflag:s28], $0x3E80  }
0x50: {  	[sflag:s28] =	ssyncset.done $0x0  }
0x51: {  	s30 =	simm.s32 $0x2800;
	[sflag:s28] =	ssyncadd.s32 $0xFFFFC180  }
0x52: {  	[spmem:s2] =	stream.indirect.scatter.add.f32 [tilespmem:s26], [sflag:$0x2], $0x80, s30, s25, $0xb8;
	[tilespmem:$0x1FC80] =	vst v63  }
0x53: {  	_ =	swait.ge [sflag:s23], $0x3E80  }
0x54: {  	s31 =	simm.s32 $0x400;
	s30 =	simm.s32 $0x200;
	[sflag:s23] =	ssyncset.done $0x0  }
.LBB2_4:
0x55: {  	s1 =	sshra.s32 s30, $0x2  }
0x56: {  	[sflag:s23] =	ssyncadd.s32 $0xFFFFC180;
	s30 =	smov.u32 s31;
	s0 =	sadd.s32 $0x200, s31  }
0x57: {  	[tilespmem:s26], [sflag:$0x1] =	stream.indirect.gather [hbm4b:s4+s25], $0x80, s1, s25, $0xb8;
	[tilespmem:$0x1FC80] =	vst v63  }
0x58: {  	p1 =	sne.s32 s31, $0x9E00;
	_ =	swait.ge [sflag:s28], $0x3E80  }
.Ltmp1:
0x59: {  	[sflag:s28] =	ssyncset.done $0x0;
	(pc) =	sbr.rel @p1 .LBB2_4-.Ltmp1, $4  }
0x5a: {  	s1 =	sadd.s32 $0x2800, s1;
	[sflag:s28] =	ssyncadd.s32 $0xFFFFC180  }
0x5b: {  	[spmem:s2] =	stream.indirect.scatter.add.f32 [tilespmem:s26], [sflag:$0x2], $0x80, s1, s25, $0xb8;
	[tilespmem:$0x1FC80] =	vst v63  }
0x5c: {  	_ =	swait.ge [sflag:s23], $0x3E80  }
0x5d: {  	s31 =	smov.u32 s0;
	[sflag:s23] =	ssyncset.done $0x0  }
0x5e: {  	s0 =	sshra.s32 s30, $0x2;
	[sflag:s23] =	ssyncadd.s32 $0xFFFFC180  }
0x5f: {  	[tilespmem:s26], [sflag:$0x1] =	stream.indirect.gather [hbm4b:s4+s25], $0x80, s0, s25, $0xb8;
	[tilespmem:$0x1FC80] =	vst v63  }
0x60: {  	_ =	swait.ge [sflag:s28], $0x3E80  }
0x61: {  	[sflag:s28] =	ssyncset.done $0x0  }
0x62: {  	s0 =	sadd.s32 $0x2800, s0;
	[sflag:s28] =	ssyncadd.s32 $0xFFFFC180  }
0x63: {  	[spmem:s2] =	stream.indirect.scatter.add.f32 [tilespmem:s26], [sflag:$0x2], $0x80, s0, s25, $0xb8;
	[tilespmem:$0x1FC80] =	vst v63  }
0x64: {  	_ =	swait.ge [sflag:s23], $0x3E80  }
0x65: {  	[sflag:s23] =	ssyncset.done $0x0  }
0x66: {  	[sflag:s23] =	ssyncadd.s32 $0xFFFFC180  }
0x67: {  	[bflag:$0x0] =	sbarrier.arrive $0xFFFF  }
0x68: {  	[tilespmem:s22], [sflag:$0x2] =	stream.linear.gather [spmem:s5], $0x3400, $0x38;
	[tilespmem:$0x1FC80] =	vst v63  }
0x69: {  	_ =	swait.ge [sflag:s23], $0x3400  }
0x6a: {  	[sflag:s23] =	ssyncset.done $0x0  }
0x6b: {  	[sflag:s23] =	ssyncadd.s32 $0xFFFFCC00  }
0x6c: {  	[hbm4b:s14+s3] =	stream.linear.scatter [tilespmem:s22], [sflag:$0x2], $0x3400, $0x38;
	[tilespmem:$0x1FC80] =	vst v63  }
0x6d: {  	_ =	swait.ge [sflag:s23], $0x3400  }
0x6e: {  	[sflag:s23] =	ssyncset.done $0x0  }
0x6f: {  	[sflag:s23] =	ssyncadd.s32 $0xFFFFCC00  }
0x70: {  	[tilespmem:s22], [sflag:$0x2] =	stream.linear.gather [spmem:s6], $0x3400, $0x38;
	[tilespmem:$0x1FC80] =	vst v63  }
0x71: {  	_ =	swait.ge [sflag:s23], $0x3400  }
0x72: {  	[sflag:s23] =	ssyncset.done $0x0  }
0x73: {  	[sflag:s23] =	ssyncadd.s32 $0xFFFFCC00  }
0x74: {  	[hbm4b:s15+s3] =	stream.linear.scatter [tilespmem:s22], [sflag:$0x2], $0x3400, $0x38;
	[tilespmem:$0x1FC80] =	vst v63  }
0x75: {  	_ =	swait.ge [sflag:s23], $0x3400  }
0x76: {  	[sflag:s23] =	ssyncset.done $0x0  }
0x77: {  	[sflag:s23] =	ssyncadd.s32 $0xFFFFCC00  }
0x78: {  	[tilespmem:s22], [sflag:$0x2] =	stream.linear.gather [spmem:s7], $0x3400, $0x38;
	[tilespmem:$0x1FC80] =	vst v63  }
0x79: {  	_ =	swait.ge [sflag:s23], $0x3400  }
0x7a: {  	[sflag:s23] =	ssyncset.done $0x0  }
0x7b: {  	[sflag:s23] =	ssyncadd.s32 $0xFFFFCC00  }
0x7c: {  	[hbm4b:s16+s3] =	stream.linear.scatter [tilespmem:s22], [sflag:$0x2], $0x3400, $0x38;
	[tilespmem:$0x1FC80] =	vst v63  }
0x7d: {  	_ =	swait.ge [sflag:s23], $0x3400  }
0x7e: {  	[sflag:s23] =	ssyncset.done $0x0  }
0x7f: {  	[sflag:s23] =	ssyncadd.s32 $0xFFFFCC00  }
0x80: {  	[tilespmem:s22], [sflag:$0x2] =	stream.linear.gather [spmem:s8], $0x3400, $0x38;
	[tilespmem:$0x1FC80] =	vst v63  }
0x81: {  	_ =	swait.ge [sflag:s23], $0x3400  }
0x82: {  	[sflag:s23] =	ssyncset.done $0x0  }
0x83: {  	[sflag:s23] =	ssyncadd.s32 $0xFFFFCC00  }
0x84: {  	[hbm4b:s17+s3] =	stream.linear.scatter [tilespmem:s22], [sflag:$0x2], $0x3400, $0x38;
	[tilespmem:$0x1FC80] =	vst v63  }
0x85: {  	_ =	swait.ge [sflag:s23], $0x3400  }
0x86: {  	[sflag:s23] =	ssyncset.done $0x0  }
0x87: {  	[sflag:s23] =	ssyncadd.s32 $0xFFFFCC00  }
0x88: {  	[tilespmem:s22], [sflag:$0x2] =	stream.linear.gather [spmem:s9], $0x3400, $0x38;
	[tilespmem:$0x1FC80] =	vst v63  }
0x89: {  	_ =	swait.ge [sflag:s23], $0x3400  }
0x8a: {  	[sflag:s23] =	ssyncset.done $0x0  }
0x8b: {  	[sflag:s23] =	ssyncadd.s32 $0xFFFFCC00  }
0x8c: {  	[hbm4b:s18+s3] =	stream.linear.scatter [tilespmem:s22], [sflag:$0x2], $0x3400, $0x38;
	[tilespmem:$0x1FC80] =	vst v63  }
0x8d: {  	_ =	swait.ge [sflag:s23], $0x3400  }
0x8e: {  	[sflag:s23] =	ssyncset.done $0x0  }
0x8f: {  	[sflag:s23] =	ssyncadd.s32 $0xFFFFCC00  }
0x90: {  	[tilespmem:s22], [sflag:$0x2] =	stream.linear.gather [spmem:s10], $0x3400, $0x38;
	[tilespmem:$0x1FC80] =	vst v63  }
0x91: {  	_ =	swait.ge [sflag:s23], $0x3400  }
0x92: {  	[sflag:s23] =	ssyncset.done $0x0  }
0x93: {  	[sflag:s23] =	ssyncadd.s32 $0xFFFFCC00  }
0x94: {  	[hbm4b:s19+s3] =	stream.linear.scatter [tilespmem:s22], [sflag:$0x2], $0x3400, $0x38;
	[tilespmem:$0x1FC80] =	vst v63  }
0x95: {  	_ =	swait.ge [sflag:s23], $0x3400  }
0x96: {  	[sflag:s23] =	ssyncset.done $0x0  }
0x97: {  	s1 =	simm.s32 @!p0 $0x2;
	s0 =	simm.s32 @!p0 $0x9000;
	[sflag:s23] =	ssyncadd.s32 $0xFFFFCC00  }
0x98: {  	[tilespmem:s0], [sflag:$0x2] =	stream.linear.gather @!p0 [spmem:s11], $0x800, $0x38;
	[tilespmem:$0x1FC80] =	vst v63  }
0x99: {  	s29 =	sadd.s32 $0x1, s29;
	_ =	swait.ge @!p0 [sflag:s1], $0x800  }
0x9a: {  	p1 =	sne.s32 s29, s21;
	[sflag:s1] =	ssyncset.done @!p0 $0x0  }
.Ltmp2:
0x9b: {  	s30 =	simm.s32 @!p0 $0x0;
	[sflag:s1] =	ssyncadd.s32 @!p0 $0xFFFFF800;
	(pc) =	sbr.rel @p1 .LBB2_1-.Ltmp2, $4  }
0x9c: {  	[hbm4b:s20+s30] =	stream.linear.scatter @!p0 [tilespmem:s0], [sflag:$0x2], $0x800, $0x38;
	[tilespmem:$0x1FC80] =	vst v63  }
0x9d: {  	_ =	swait.ge @!p0 [sflag:s1], $0x800  }
0x9e: {  	[sflag:s1] =	ssyncset.done @!p0 $0x0  }
0x9f: {  	[sflag:s1] =	ssyncadd.s32 @!p0 $0xFFFFF800  }
0xa0: {  	_ =	sfence.sel $0x180000  }
0xa1: {  	[bflag:$0x0] =	sbarrier.arrive $0xFFFF  }
0xa2: {  	_ =	strace $0x9000004D  }
0xa3: {  	s0 =	stileid.u32;
	[bflag:$0x2] =	sbarrier.arrive $0xFFFF  }
0xa4: {  	p0 =	sne.s32 s0, $0x0;
	s0 =	rddreg [dreg:$0x2]  }
0xa5: {  	s0 =	sadd.s32 @!p0 $0x100000, s0  }
0xa6: {  	[sflag:s0] =	ssyncadd.tile.s32 @!p0 $0x1;
	_ =	shalt  }
.Lfunc_end2:
_tile_overlayer_lowered:
.L_overlay_start_2:
0xa7: {  	(tag) =	ssettag $0x2  }
0xa8: {  	s0 =	rddreg [dreg:$0x0];
	s2 =	stileid.u32  }
0xa9: {  	s1 =	rddreg [dreg:$0x1];
	p0 =	sne.s32 s2, $0x0  }
0xaa: {  	s3 =	rddreg [dreg:$0x2];
	[bflag:$0x3] =	sbarrier.arrive $0xFFFF;
	s2 =	simm.s32 @!p0 $0x1C02  }
0xab: {  	[timem:s3], [sflag:s2] =	dma.local @!p0 [hbm:s0], s1  }
0xac: {  	s0 =	simm.s32 @!p0 $0x2  }
0xad: {  	_ =	swait.ge @!p0 [sflag:s0], s1  }
0xae: {  	s1 =	ssub.s32 @!p0 $0x0, s1;
	[sflag:s0] =	ssyncset.done @!p0 $0x0  }
0xaf: {  	[sflag:s0] =	ssyncadd.s32 @!p0 s1  }
0xb0: {  	[bflag:$0x3] =	sbarrier.arrive $0xFFFF  }
0xb1: {  	_ =	shalt  }

</sc_bundles>
